<compile_context>
chip_gen: v7x
topology: tpu7x:2x2x1
jax: 0.10.2.dev20260603
libtpu: 0.0.44.dev20260713+nightly
codegen_flags: <defaults>
</compile_context>

<pallas_src>
import functools

import jax
import jax.numpy as jnp
from jax import lax
from jax.experimental import pallas as pl
from jax.experimental.pallas import tpu as pltpu
from jax.experimental.pallas import tpu_sc as plsc

NC = 2
NS = 16
CK = 64
NB = 4


def _tile_plan(E):
    epc = E // NC
    cks = epc // CK
    cpt = -(-cks // NS)
    cpt = -(-cpt // (2 * NB)) * (2 * NB)
    rows_pad = cpt * NS
    return epc, cks, cpt, rows_pad


def _pad_edges(idx, E):
    _, cks, _, rows_pad = _tile_plan(E)
    r = idx.reshape(NC, cks, CK)
    r = jnp.pad(r, ((0, 0), (0, rows_pad - cks), (0, 0)))
    return r.reshape(NC * rows_pad, CK)


def _deg_kernel(E, N):
    _, cks, cpt, rows_pad = _tile_plan(E)
    npad = -(-N // (8 * NS)) * (8 * NS)
    rpt = npad // NS
    mesh = plsc.VectorSubcoreMesh(core_axis_name="c", subcore_axis_name="s")
    NI = 8

    scratch = [pltpu.VMEM((CK,), jnp.int32) for _ in range(NI)]
    scratch += [
        pltpu.VMEM((CK,), jnp.float32),
        pltpu.VMEM((rpt,), jnp.float32),
        pltpu.VMEM_SHARED((npad,), jnp.float32),
    ]
    scratch += [pltpu.SemaphoreType.DMA for _ in range(2 * NI)]

    @functools.partial(
        pl.kernel,
        mesh=mesh,
        out_type=jax.ShapeDtypeStruct((NC * npad,), jnp.float32),
        scratch_types=scratch,
    )
    def deg(ei_hbm, zeros_hbm, ones_hbm, out_hbm, *rest):
        dsti = rest[:NI]
        onesb = rest[NI]
        zbuf = rest[NI + 1]
        acc = rest[NI + 2]
        isem = rest[NI + 3:2 * NI + 3]
        ssem = rest[2 * NI + 3:3 * NI + 3]
        c = lax.axis_index("c")
        s = lax.axis_index("s")
        ct = jnp.minimum(jnp.maximum(cks - s * cpt, 0), cpt)
        base = E + (c * cks + s * cpt) * CK

        def istart(q, j):
            pltpu.async_copy(ei_hbm.at[pl.ds(base + j * CK, CK)],
                             dsti[q], isem[q])

        def iwait(q):
            pltpu.make_async_copy(ei_hbm.at[pl.ds(0, CK)], dsti[q],
                                  isem[q]).wait()

        def swait(q):
            pltpu.make_async_copy(onesb, acc.at[dsti[q]], ssem[q]).wait()

        pltpu.sync_copy(ones_hbm, onesb)
        pltpu.sync_copy(zeros_hbm, zbuf)
        pltpu.sync_copy(zbuf, acc.at[pl.ds(s * rpt, rpt)])
        plsc.subcore_barrier()

        for q in range(NI):
            @pl.when(q < ct)
            def _(q=q):
                istart(q, q)

        def body(k, carry):
            for q in range(NI):
                j = k * NI + q

                @pl.when(j < ct)
                def _(j=j, q=q):
                    iwait(q)
                    pltpu.async_copy(onesb, acc.at[dsti[q]], ssem[q],
                                     add=True)

                @pl.when(j + NI < ct)
                def _(j=j, q=q):
                    swait(q)
                    istart(q, j + NI)

            return carry

        lax.fori_loop(0, cpt // NI, body, 0)
        for q in range(NI):
            @pl.when(q < ct)
            def _(q=q):
                swait(q)

        plsc.subcore_barrier()
        pltpu.sync_copy(acc.at[pl.ds(s * rpt, rpt)], zbuf)
        pltpu.sync_copy(zbuf, out_hbm.at[pl.ds(c * npad + s * rpt, rpt)])

    return deg


def _agg_kernel(E, N, H):
    _, cks, cpt, rows_pad = _tile_plan(E)
    npad = -(-N // (8 * NS)) * (8 * NS)
    rpt = npad // NS
    mesh = plsc.VectorSubcoreMesh(core_axis_name="c", subcore_axis_name="s")
    NI = 2 * NB

    scratch = []
    scratch += [pltpu.VMEM((CK,), jnp.int32) for _ in range(NI)]
    scratch += [pltpu.VMEM((CK,), jnp.int32) for _ in range(NI)]
    scratch += [pltpu.VMEM((CK, H), jnp.float32) for _ in range(NB)]
    scratch += [pltpu.SemaphoreType.DMA for _ in range(NI + 2 * NB)]
    scratch += [pltpu.VMEM_SHARED((npad, H), jnp.float32)]

    @functools.partial(
        pl.kernel,
        mesh=mesh,
        out_type=jax.ShapeDtypeStruct((NC, npad, H), jnp.float32),
        scratch_types=scratch,
    )
    def agg(xws_hbm, ei_hbm, zeros_hbm, out_hbm, *rest):
        srci = rest[:NI]
        dsti = rest[NI:2 * NI]
        rows = rest[2 * NI:2 * NI + NB]
        isem = rest[2 * NI + NB:3 * NI + NB]
        gsem = rest[3 * NI + NB:3 * NI + 2 * NB]
        ssem = rest[3 * NI + 2 * NB:3 * NI + 3 * NB]
        acc = rest[3 * NI + 3 * NB]
        c = lax.axis_index("c")
        s = lax.axis_index("s")
        ct = jnp.minimum(jnp.maximum(cks - s * cpt, 0), cpt)
        base = (c * cks + s * cpt) * CK

        def istart(q, j):
            off = base + j * CK
            pltpu.async_copy(ei_hbm.at[pl.ds(off, CK)], srci[q], isem[q])
            pltpu.async_copy(ei_hbm.at[pl.ds(E + off, CK)], dsti[q], isem[q])

        def iwait(q):
            pltpu.make_async_copy(ei_hbm.at[pl.ds(0, CK)], srci[q],
                                  isem[q]).wait()
            pltpu.make_async_copy(ei_hbm.at[pl.ds(0, CK)], dsti[q],
                                  isem[q]).wait()

        def gstart(b, q):
            pltpu.async_copy(xws_hbm.at[srci[q]], rows[b], gsem[b])

        def gwait(b):
            pltpu.make_async_copy(xws_hbm.at[pl.ds(0, CK)], rows[b],
                                  gsem[b]).wait()

        def sstart(b, q):
            pltpu.async_copy(rows[b], acc.at[dsti[q]], ssem[b], add=True)

        def swait(b, q):
            pltpu.make_async_copy(rows[b], acc.at[dsti[q]], ssem[b]).wait()

        sr = -(-N // NS // 8) * 8
        lastr = N - (NS - 1) * sr

        @pl.when(jnp.logical_and(c == 0, s < NS - 1))
        def _():
            pltpu.sync_copy(xws_hbm.at[pl.ds(s * sr, sr)],
                            acc.at[pl.ds(s * sr, sr)])

        @pl.when(jnp.logical_and(c == 0, s == NS - 1))
        def _():
            pltpu.sync_copy(xws_hbm.at[pl.ds((NS - 1) * sr, lastr)],
                            acc.at[pl.ds((NS - 1) * sr, lastr)])
            pltpu.sync_copy(zeros_hbm.at[pl.ds(0, npad - N)],
                            acc.at[pl.ds(N, npad - N)])

        @pl.when(c == 1)
        def _():
            pltpu.sync_copy(zeros_hbm, acc.at[pl.ds(s * rpt, rpt)])
        plsc.subcore_barrier()

        for q in range(NI):
            @pl.when(q < ct)
            def _(q=q):
                istart(q, q)
        for b in range(NB):
            @pl.when(b < ct)
            def _(b=b):
                iwait(b)
                gstart(b, b)

        def body(k, carry):
            for u in range(NI):
                j = k * NI + u
                b = u % NB
                q = u

                @pl.when(j < ct)
                def _(j=j, b=b, q=q):
                    gwait(b)
                    sstart(b, q)

                @pl.when(j + NB < ct)
                def _(j=j, b=b, q=q):
                    swait(b, q)
                    iwait((q + NB) % NI)
                    gstart(b, (q + NB) % NI)

                @pl.when(jnp.logical_and(j + NB >= ct, j < ct))
                def _(j=j, b=b, q=q):
                    swait(b, q)

                @pl.when(j + NI < ct)
                def _(j=j, q=q):
                    istart(q, j + NI)


            return carry

        lax.fori_loop(0, cpt // NI, body, 0)
        plsc.subcore_barrier()
        pltpu.sync_copy(acc.at[pl.ds(s * rpt, rpt)],
                        out_hbm.at[c, pl.ds(s * rpt, rpt)])

    return agg


def _pre_call(x, gcn_weight, cnt, R):
    N, F = x.shape
    H = gcn_weight.shape[1]

    def body(x_ref, w_ref, cnt_ref, xws_ref):
        deg = cnt_ref[0, :, 0:1] + cnt_ref[1, :, 0:1] + 1.0
        dinv = lax.rsqrt(deg)
        xw = jnp.dot(x_ref[...], w_ref[...],
                     preferred_element_type=jnp.float32)
        xws_ref[...] = xw * dinv

    grid = (N // R,)
    return pl.pallas_call(
        body,
        grid=grid,
        in_specs=[
            pl.BlockSpec((R, F), lambda i: (i, 0)),
            pl.BlockSpec((F, H), lambda i: (0, 0)),
            pl.BlockSpec((NC, R, 1), lambda i: (0, i, 0)),
        ],
        out_specs=pl.BlockSpec((R, H), lambda i: (i, 0)),
        out_shape=jax.ShapeDtypeStruct((N, H), jnp.float32),
    )(x, gcn_weight, cnt)


def _post_call(aggp, cnt, gcn_bias, whh_t, bhh, wih_t, bih, h0, R):
    N, H = h0.shape
    H3 = 3 * H

    def body(agg_ref, cnt_ref, b_ref, whht_ref, bhh_ref,
             wiht_ref, bih_ref, h0_ref, out_ref):
        deg = cnt_ref[0, :, 0:1] + cnt_ref[1, :, 0:1] + 1.0
        dinv = lax.rsqrt(deg)
        hs = (agg_ref[0] + agg_ref[1]) * dinv + b_ref[...]
        hs = jnp.maximum(hs, 0.0)
        h0v = h0_ref[...]
        gi = jnp.dot(hs, wiht_ref[...],
                     preferred_element_type=jnp.float32) + bih_ref[...]
        gh = jnp.dot(h0v, whht_ref[...],
                     preferred_element_type=jnp.float32) + bhh_ref[...]
        r = jax.nn.sigmoid(gi[:, :H] + gh[:, :H])
        z = jax.nn.sigmoid(gi[:, H:2 * H] + gh[:, H:2 * H])
        n = jnp.tanh(gi[:, 2 * H:] + r * gh[:, 2 * H:])
        out_ref[...] = (1.0 - z) * n + z * h0v

    grid = (N // R,)
    return pl.pallas_call(
        body,
        grid=grid,
        in_specs=[
            pl.BlockSpec((NC, R, H), lambda i: (0, i, 0)),
            pl.BlockSpec((NC, R, 1), lambda i: (0, i, 0)),
            pl.BlockSpec((1, H), lambda i: (0, 0)),
            pl.BlockSpec((H, H3), lambda i: (0, 0)),
            pl.BlockSpec((1, H3), lambda i: (0, 0)),
            pl.BlockSpec((H, H3), lambda i: (0, 0)),
            pl.BlockSpec((1, H3), lambda i: (0, 0)),
            pl.BlockSpec((R, H), lambda i: (i, 0)),
        ],
        out_specs=pl.BlockSpec((R, H), lambda i: (i, 0)),
        out_shape=jax.ShapeDtypeStruct((N, H), jnp.float32),
    )(aggp, cnt, gcn_bias, whh_t, bhh, wih_t, bih, h0)


def kernel(x, edge_index, hidden_state, gcn_weight, gcn_bias,
           w_ih, w_hh, b_ih, b_hh):
    N, F = x.shape
    E = edge_index.shape[1]
    H = gcn_weight.shape[1]
    ei = edge_index.reshape(2 * E)
    h0 = hidden_state[0]
    whh_t = w_hh.T
    wih_t = w_ih.T
    bhh = b_hh.reshape(1, -1)
    bih = b_ih.reshape(1, -1)
    bias = gcn_bias.reshape(1, -1)

    npad = -(-N // (8 * NS)) * (8 * NS)
    rpt = npad // NS
    zeros_agg = jnp.zeros((rpt, H), jnp.float32)
    zeros_deg = jnp.zeros((rpt,), jnp.float32)
    ones_deg = jnp.ones((CK,), jnp.float32)

    cnt = _deg_kernel(E, N)(ei, zeros_deg, ones_deg).reshape(NC, npad, 1)
    xws = _pre_call(x, gcn_weight, cnt, R=2000)
    aggp = _agg_kernel(E, N, H)(xws, ei, zeros_agg)
    h_new = _post_call(aggp, cnt, bias, whh_t, bhh, wih_t, bih, h0, R=2000)
    return h_new, h_new[None]

# --- scband reference (transcript-rebuilt; emitter-appended) ---
"""Pipeline reference for scband-simple-st-gnn-70489003261973 (READ-ONLY COPY).

The authoritative reference and input builder live on the scoring server;
editing this copy changes nothing except your own understanding.
"""

import jax, jax.numpy as jnp
import numpy as np

N = 10000
E = 320000
F_IN = 128
H = 128


def setup_inputs(seed: int = 0) -> dict:
    key = jax.random.key(seed)
    ks = jax.random.split(key, 9)
    x = jax.random.normal(ks[0], (N, F_IN), dtype=jnp.float32)
    edge_index = jax.random.randint(ks[1], (2, E), 0, N, dtype=jnp.int32)
    hidden_state = jax.random.normal(ks[2], (1, N, H), dtype=jnp.float32)
    gcn_weight = 0.05 * jax.random.normal(ks[3], (F_IN, H), dtype=jnp.float32)
    gcn_bias = jnp.zeros((H,), dtype=jnp.float32)
    w_ih = 0.05 * jax.random.normal(ks[4], (3 * H, H), dtype=jnp.float32)
    w_hh = 0.05 * jax.random.normal(ks[5], (3 * H, H), dtype=jnp.float32)
    b_ih = jnp.zeros((3 * H,), dtype=jnp.float32)
    b_hh = jnp.zeros((3 * H,), dtype=jnp.float32)
    return {"x": x, "edge_index": edge_index, "hidden_state": hidden_state,
            "gcn_weight": gcn_weight, "gcn_bias": gcn_bias,
            "w_ih": w_ih, "w_hh": w_hh, "b_ih": b_ih, "b_hh": b_hh}


def _gcn_conv(x, edge_index, W, b):
    # PyG GCNConv: add self-loops, symmetric normalization, xW then scatter-add, bias after aggregation
    src = edge_index[0]
    dst = edge_index[1]
    loop = jnp.arange(N, dtype=src.dtype)
    src = jnp.concatenate([src, loop])
    dst = jnp.concatenate([dst, loop])
    xw = x @ W  # [N, H]
    deg = jax.ops.segment_sum(jnp.ones_like(dst, dtype=jnp.float32), dst, num_segments=N)
    dinv = jnp.where(deg > 0, jax.lax.rsqrt(deg), 0.0)
    norm = dinv[src] * dinv[dst]  # [E+N]
    msg = xw[src] * norm[:, None]  # gather + scale
    out = jax.ops.segment_sum(msg, dst, num_segments=N)  # scatter-add
    return out + b


def _gru_step(x, h, w_ih, w_hh, b_ih, b_hh):
    # PyTorch nn.GRU single layer, single timestep
    gi = x @ w_ih.T + b_ih  # [N, 3H]
    gh = h @ w_hh.T + b_hh  # [N, 3H]
    i_r, i_z, i_n = gi[:, :H], gi[:, H:2 * H], gi[:, 2 * H:]
    h_r, h_z, h_n = gh[:, :H], gh[:, H:2 * H], gh[:, 2 * H:]
    r = jax.nn.sigmoid(i_r + h_r)
    z = jax.nn.sigmoid(i_z + h_z)
    n = jnp.tanh(i_n + r * h_n)
    return (1.0 - z) * n + z * h


def reference(x, edge_index, hidden_state, gcn_weight, gcn_bias, w_ih, w_hh, b_ih, b_hh):
    h_spatial = jax.nn.relu(_gcn_conv(x, edge_index, gcn_weight, gcn_bias))  # [N, H]
    h0 = hidden_state[0]  # [N, H]
    h_new = _gru_step(h_spatial, h0, w_ih, w_hh, b_ih, b_hh)  # seq_len=1 -> out == h_n
    out = h_new
    new_hidden_state = h_new[None, :, :]
    return (out, new_hidden_state)

if __name__ == "__main__":
    import jax
    _d = setup_inputs()
    print(jax.jit(kernel)(*tuple(_d.values())))

</pallas_src>

<mosaic_0001>
#map = affine_map<(d0, d1) -> (0)>
module attributes {stable_mosaic.version = 14 : i64} {
  func.func @deg(%arg0: i32, %arg1: i32, %arg2: memref<640000xi32, #tpu.memory_space<hbm>>, %arg3: memref<632xf32, #tpu.memory_space<hbm>>, %arg4: memref<64xf32, #tpu.memory_space<hbm>>, %arg5: memref<20224xf32, #tpu.memory_space<hbm>>, %arg6: memref<64xi32, #tpu.memory_space<vmem>>, %arg7: memref<64xi32, #tpu.memory_space<vmem>>, %arg8: memref<64xi32, #tpu.memory_space<vmem>>, %arg9: memref<64xi32, #tpu.memory_space<vmem>>, %arg10: memref<64xi32, #tpu.memory_space<vmem>>, %arg11: memref<64xi32, #tpu.memory_space<vmem>>, %arg12: memref<64xi32, #tpu.memory_space<vmem>>, %arg13: memref<64xi32, #tpu.memory_space<vmem>>, %arg14: memref<64xf32, #tpu.memory_space<vmem>>, %arg15: memref<632xf32, #tpu.memory_space<vmem>>, %arg16: memref<10112xf32, #tpu.memory_space<vmem_shared>>, %arg17: memref<!tpu.dma_semaphore, #tpu.memory_space<semaphore_mem>>, %arg18: memref<!tpu.dma_semaphore, #tpu.memory_space<semaphore_mem>>, %arg19: memref<!tpu.dma_semaphore, #tpu.memory_space<semaphore_mem>>, %arg20: memref<!tpu.dma_semaphore, #tpu.memory_space<semaphore_mem>>, %arg21: memref<!tpu.dma_semaphore, #tpu.memory_space<semaphore_mem>>, %arg22: memref<!tpu.dma_semaphore, #tpu.memory_space<semaphore_mem>>, %arg23: memref<!tpu.dma_semaphore, #tpu.memory_space<semaphore_mem>>, %arg24: memref<!tpu.dma_semaphore, #tpu.memory_space<semaphore_mem>>, %arg25: memref<!tpu.dma_semaphore, #tpu.memory_space<semaphore_mem>>, %arg26: memref<!tpu.dma_semaphore, #tpu.memory_space<semaphore_mem>>, %arg27: memref<!tpu.dma_semaphore, #tpu.memory_space<semaphore_mem>>, %arg28: memref<!tpu.dma_semaphore, #tpu.memory_space<semaphore_mem>>, %arg29: memref<!tpu.dma_semaphore, #tpu.memory_space<semaphore_mem>>, %arg30: memref<!tpu.dma_semaphore, #tpu.memory_space<semaphore_mem>>, %arg31: memref<!tpu.dma_semaphore, #tpu.memory_space<semaphore_mem>>, %arg32: memref<!tpu.dma_semaphore, #tpu.memory_space<semaphore_mem>>) attributes {dimension_semantics = [#tpu.dimension_semantics<core_parallel>, #tpu.dimension_semantics<subcore_parallel>], iteration_bounds = array<i64: 2, 16>, scalar_prefetch = 0 : i64, scratch_operands = 27 : i64, tpu.core_type = #tpu.core_type<sc_vector_subcore>, window_params = [{transform_indices = #map}, {transform_indices = #map}, {transform_indices = #map}, {transform_indices = #map}]} {
    %mul3A = arith.constant 160 : i32
    %mul3A_0 = arith.muli %arg1, %mul3A : i32
    %sub3A = arith.constant 2500 : i32
    %sub3A_1 = arith.subi %sub3A, %mul3A_0 : i32
    %max3A = arith.constant 0 : i32
    %max3A_2 = arith.maxsi %sub3A_1, %max3A : i32
    %min3A = arith.constant 160 : i32
    %min3A_3 = arith.minsi %max3A_2, %min3A : i32
    %mul3A_4 = arith.constant 2500 : i32
    %mul3A_5 = arith.muli %arg0, %mul3A_4 : i32
    %mul3A_6 = arith.constant 160 : i32
    %mul3A_7 = arith.muli %arg1, %mul3A_6 : i32
    %add3A = arith.addi %mul3A_5, %mul3A_7 : i32
    %mul3A_8 = arith.constant 64 : i32
    %mul3A_9 = arith.muli %add3A, %mul3A_8 : i32
    %add3A_10 = arith.constant 320000 : i32
    %add3A_11 = arith.addi %add3A_10, %mul3A_9 : i32
    "tpu.region"() ({
      %run_scoped3A = tpu.sem_alloc : memref<!tpu.dma_semaphore, #tpu.memory_space<semaphore_mem>>
      tpu.enqueue_dma source(%arg4 : memref<64xf32, #tpu.memory_space<hbm>>) target(%arg14 : memref<64xf32, #tpu.memory_space<vmem>>) target_semaphore(%run_scoped3A : memref<!tpu.dma_semaphore, #tpu.memory_space<semaphore_mem>>)
      tpu.wait_dma2 semaphore(%run_scoped3A : memref<!tpu.dma_semaphore, #tpu.memory_space<semaphore_mem>>) src(%arg4 : memref<64xf32, #tpu.memory_space<hbm>>) dst(%arg14 : memref<64xf32, #tpu.memory_space<vmem>>)
      tpu.yield
    }) : () -> ()
    "tpu.region"() ({
      %run_scoped3A = tpu.sem_alloc : memref<!tpu.dma_semaphore, #tpu.memory_space<semaphore_mem>>
      tpu.enqueue_dma source(%arg3 : memref<632xf32, #tpu.memory_space<hbm>>) target(%arg15 : memref<632xf32, #tpu.memory_space<vmem>>) target_semaphore(%run_scoped3A : memref<!tpu.dma_semaphore, #tpu.memory_space<semaphore_mem>>)
      tpu.wait_dma2 semaphore(%run_scoped3A : memref<!tpu.dma_semaphore, #tpu.memory_space<semaphore_mem>>) src(%arg3 : memref<632xf32, #tpu.memory_space<hbm>>) dst(%arg15 : memref<632xf32, #tpu.memory_space<vmem>>)
      tpu.yield
    }) : () -> ()
    %mul3A_12 = arith.constant 632 : i32
    %mul3A_13 = arith.muli %arg1, %mul3A_12 : i32
    "tpu.region"() ({
      %run_scoped3A = tpu.sem_alloc : memref<!tpu.dma_semaphore, #tpu.memory_space<semaphore_mem>>
      %dma_start3A = tpu.memref_slice %arg16[%mul3A_13] : memref<10112xf32, #tpu.memory_space<vmem_shared>> -> memref<632xf32, #tpu.memory_space<vmem_shared>>
      %dma_start3A_104 = tpu.memref_slice %arg16[%mul3A_13] : memref<10112xf32, #tpu.memory_space<vmem_shared>> -> memref<632xf32, #tpu.memory_space<vmem_shared>>
      tpu.enqueue_dma source(%arg15 : memref<632xf32, #tpu.memory_space<vmem>>) target(%dma_start3A_104 : memref<632xf32, #tpu.memory_space<vmem_shared>>) target_semaphore(%run_scoped3A : memref<!tpu.dma_semaphore, #tpu.memory_space<semaphore_mem>>)
      %dma_wait3A = tpu.memref_slice %arg16[%mul3A_13] : memref<10112xf32, #tpu.memory_space<vmem_shared>> -> memref<632xf32, #tpu.memory_space<vmem_shared>>
      %dma_wait3A_105 = tpu.memref_slice %arg16[%mul3A_13] : memref<10112xf32, #tpu.memory_space<vmem_shared>> -> memref<632xf32, #tpu.memory_space<vmem_shared>>
      tpu.wait_dma2 semaphore(%run_scoped3A : memref<!tpu.dma_semaphore, #tpu.memory_space<semaphore_mem>>) src(%arg15 : memref<632xf32, #tpu.memory_space<vmem>>) dst(%dma_wait3A_105 : memref<632xf32, #tpu.memory_space<vmem_shared>>)
      tpu.yield
    }) : () -> ()
    %barrier3A = arith.constant 0 : index
    tpu.barrier barrier_id(%barrier3A)
    %gt3A = arith.constant 0 : i32
    %gt3A_14 = arith.cmpi sgt, %min3A_3, %gt3A : i32
    %convert_element_type3A = arith.extui %gt3A_14 : i1 to i32
    %cond3A = arith.constant 0 : i32
    %cond3A_15 = arith.cmpi ne, %convert_element_type3A, %cond3A : i32
    scf.if %cond3A_15 {
      %add3A_104 = arith.constant 0 : i32
      %add3A_105 = arith.addi %add3A_11, %add3A_104 : i32
      %dma_start3A = tpu.memref_slice %arg2[%add3A_105] : memref<640000xi32, #tpu.memory_space<hbm>> -> memref<64xi32, #tpu.memory_space<hbm>>
      %dma_start3A_106 = tpu.memref_slice %arg2[%add3A_105] : memref<640000xi32, #tpu.memory_space<hbm>> -> memref<64xi32, #tpu.memory_space<hbm>>
      tpu.enqueue_dma source(%dma_start3A_106 : memref<64xi32, #tpu.memory_space<hbm>>) target(%arg6 : memref<64xi32, #tpu.memory_space<vmem>>) target_semaphore(%arg17 : memref<!tpu.dma_semaphore, #tpu.memory_space<semaphore_mem>>)
    } else {
    }
    %gt3A_16 = arith.constant 1 : i32
    %gt3A_17 = arith.cmpi sgt, %min3A_3, %gt3A_16 : i32
    %convert_element_type3A_18 = arith.extui %gt3A_17 : i1 to i32
    %cond3A_19 = arith.constant 0 : i32
    %cond3A_20 = arith.cmpi ne, %convert_element_type3A_18, %cond3A_19 : i32
    scf.if %cond3A_20 {
      %add3A_104 = arith.constant 64 : i32
      %add3A_105 = arith.addi %add3A_11, %add3A_104 : i32
      %dma_start3A = tpu.memref_slice %arg2[%add3A_105] : memref<640000xi32, #tpu.memory_space<hbm>> -> memref<64xi32, #tpu.memory_space<hbm>>
      %dma_start3A_106 = tpu.memref_slice %arg2[%add3A_105] : memref<640000xi32, #tpu.memory_space<hbm>> -> memref<64xi32, #tpu.memory_space<hbm>>
      tpu.enqueue_dma source(%dma_start3A_106 : memref<64xi32, #tpu.memory_space<hbm>>) target(%arg7 : memref<64xi32, #tpu.memory_space<vmem>>) target_semaphore(%arg18 : memref<!tpu.dma_semaphore, #tpu.memory_space<semaphore_mem>>)
    } else {
    }
    %gt3A_21 = arith.constant 2 : i32
    %gt3A_22 = arith.cmpi sgt, %min3A_3, %gt3A_21 : i32
    %convert_element_type3A_23 = arith.extui %gt3A_22 : i1 to i32
    %cond3A_24 = arith.constant 0 : i32
    %cond3A_25 = arith.cmpi ne, %convert_element_type3A_23, %cond3A_24 : i32
    scf.if %cond3A_25 {
      %add3A_104 = arith.constant 128 : i32
      %add3A_105 = arith.addi %add3A_11, %add3A_104 : i32
      %dma_start3A = tpu.memref_slice %arg2[%add3A_105] : memref<640000xi32, #tpu.memory_space<hbm>> -> memref<64xi32, #tpu.memory_space<hbm>>
      %dma_start3A_106 = tpu.memref_slice %arg2[%add3A_105] : memref<640000xi32, #tpu.memory_space<hbm>> -> memref<64xi32, #tpu.memory_space<hbm>>
      tpu.enqueue_dma source(%dma_start3A_106 : memref<64xi32, #tpu.memory_space<hbm>>) target(%arg8 : memref<64xi32, #tpu.memory_space<vmem>>) target_semaphore(%arg19 : memref<!tpu.dma_semaphore, #tpu.memory_space<semaphore_mem>>)
    } else {
    }
    %gt3A_26 = arith.constant 3 : i32
    %gt3A_27 = arith.cmpi sgt, %min3A_3, %gt3A_26 : i32
    %convert_element_type3A_28 = arith.extui %gt3A_27 : i1 to i32
    %cond3A_29 = arith.constant 0 : i32
    %cond3A_30 = arith.cmpi ne, %convert_element_type3A_28, %cond3A_29 : i32
    scf.if %cond3A_30 {
      %add3A_104 = arith.constant 192 : i32
      %add3A_105 = arith.addi %add3A_11, %add3A_104 : i32
      %dma_start3A = tpu.memref_slice %arg2[%add3A_105] : memref<640000xi32, #tpu.memory_space<hbm>> -> memref<64xi32, #tpu.memory_space<hbm>>
      %dma_start3A_106 = tpu.memref_slice %arg2[%add3A_105] : memref<640000xi32, #tpu.memory_space<hbm>> -> memref<64xi32, #tpu.memory_space<hbm>>
      tpu.enqueue_dma source(%dma_start3A_106 : memref<64xi32, #tpu.memory_space<hbm>>) target(%arg9 : memref<64xi32, #tpu.memory_space<vmem>>) target_semaphore(%arg20 : memref<!tpu.dma_semaphore, #tpu.memory_space<semaphore_mem>>)
    } else {
    }
    %gt3A_31 = arith.constant 4 : i32
    %gt3A_32 = arith.cmpi sgt, %min3A_3, %gt3A_31 : i32
    %convert_element_type3A_33 = arith.extui %gt3A_32 : i1 to i32
    %cond3A_34 = arith.constant 0 : i32
    %cond3A_35 = arith.cmpi ne, %convert_element_type3A_33, %cond3A_34 : i32
    scf.if %cond3A_35 {
      %add3A_104 = arith.constant 256 : i32
      %add3A_105 = arith.addi %add3A_11, %add3A_104 : i32
      %dma_start3A = tpu.memref_slice %arg2[%add3A_105] : memref<640000xi32, #tpu.memory_space<hbm>> -> memref<64xi32, #tpu.memory_space<hbm>>
      %dma_start3A_106 = tpu.memref_slice %arg2[%add3A_105] : memref<640000xi32, #tpu.memory_space<hbm>> -> memref<64xi32, #tpu.memory_space<hbm>>
      tpu.enqueue_dma source(%dma_start3A_106 : memref<64xi32, #tpu.memory_space<hbm>>) target(%arg10 : memref<64xi32, #tpu.memory_space<vmem>>) target_semaphore(%arg21 : memref<!tpu.dma_semaphore, #tpu.memory_space<semaphore_mem>>)
    } else {
    }
    %gt3A_36 = arith.constant 5 : i32
    %gt3A_37 = arith.cmpi sgt, %min3A_3, %gt3A_36 : i32
    %convert_element_type3A_38 = arith.extui %gt3A_37 : i1 to i32
    %cond3A_39 = arith.constant 0 : i32
    %cond3A_40 = arith.cmpi ne, %convert_element_type3A_38, %cond3A_39 : i32
    scf.if %cond3A_40 {
      %add3A_104 = arith.constant 320 : i32
      %add3A_105 = arith.addi %add3A_11, %add3A_104 : i32
      %dma_start3A = tpu.memref_slice %arg2[%add3A_105] : memref<640000xi32, #tpu.memory_space<hbm>> -> memref<64xi32, #tpu.memory_space<hbm>>
      %dma_start3A_106 = tpu.memref_slice %arg2[%add3A_105] : memref<640000xi32, #tpu.memory_space<hbm>> -> memref<64xi32, #tpu.memory_space<hbm>>
      tpu.enqueue_dma source(%dma_start3A_106 : memref<64xi32, #tpu.memory_space<hbm>>) target(%arg11 : memref<64xi32, #tpu.memory_space<vmem>>) target_semaphore(%arg22 : memref<!tpu.dma_semaphore, #tpu.memory_space<semaphore_mem>>)
    } else {
    }
    %gt3A_41 = arith.constant 6 : i32
    %gt3A_42 = arith.cmpi sgt, %min3A_3, %gt3A_41 : i32
    %convert_element_type3A_43 = arith.extui %gt3A_42 : i1 to i32
    %cond3A_44 = arith.constant 0 : i32
    %cond3A_45 = arith.cmpi ne, %convert_element_type3A_43, %cond3A_44 : i32
    scf.if %cond3A_45 {
      %add3A_104 = arith.constant 384 : i32
      %add3A_105 = arith.addi %add3A_11, %add3A_104 : i32
      %dma_start3A = tpu.memref_slice %arg2[%add3A_105] : memref<640000xi32, #tpu.memory_space<hbm>> -> memref<64xi32, #tpu.memory_space<hbm>>
      %dma_start3A_106 = tpu.memref_slice %arg2[%add3A_105] : memref<640000xi32, #tpu.memory_space<hbm>> -> memref<64xi32, #tpu.memory_space<hbm>>
      tpu.enqueue_dma source(%dma_start3A_106 : memref<64xi32, #tpu.memory_space<hbm>>) target(%arg12 : memref<64xi32, #tpu.memory_space<vmem>>) target_semaphore(%arg23 : memref<!tpu.dma_semaphore, #tpu.memory_space<semaphore_mem>>)
    } else {
    }
    %gt3A_46 = arith.constant 7 : i32
    %gt3A_47 = arith.cmpi sgt, %min3A_3, %gt3A_46 : i32
    %convert_element_type3A_48 = arith.extui %gt3A_47 : i1 to i32
    %cond3A_49 = arith.constant 0 : i32
    %cond3A_50 = arith.cmpi ne, %convert_element_type3A_48, %cond3A_49 : i32
    scf.if %cond3A_50 {
      %add3A_104 = arith.constant 448 : i32
      %add3A_105 = arith.addi %add3A_11, %add3A_104 : i32
      %dma_start3A = tpu.memref_slice %arg2[%add3A_105] : memref<640000xi32, #tpu.memory_space<hbm>> -> memref<64xi32, #tpu.memory_space<hbm>>
      %dma_start3A_106 = tpu.memref_slice %arg2[%add3A_105] : memref<640000xi32, #tpu.memory_space<hbm>> -> memref<64xi32, #tpu.memory_space<hbm>>
      tpu.enqueue_dma source(%dma_start3A_106 : memref<64xi32, #tpu.memory_space<hbm>>) target(%arg13 : memref<64xi32, #tpu.memory_space<vmem>>) target_semaphore(%arg24 : memref<!tpu.dma_semaphore, #tpu.memory_space<semaphore_mem>>)
    } else {
    }
    %scan3A = arith.constant 0 : i32
    %scan3A_51 = arith.constant 0 : i32
    %scan3A_52 = arith.constant 20 : i32
    %scan3A_53 = arith.addi %scan3A_51, %scan3A_52 : i32
    %scan3A_54 = arith.constant 1 : i32
    scf.for %scan3A_104 = %scan3A_51 to %scan3A_53 step %scan3A_54  : i32 {
      %mul3A_105 = arith.constant 8 : i32
      %mul3A_106 = arith.muli %scan3A_104, %mul3A_105 : i32
      %add3A_107 = arith.constant 0 : i32
      %add3A_108 = arith.addi %mul3A_106, %add3A_107 : i32
      %lt3A = arith.cmpi slt, %add3A_108, %min3A_3 : i32
      %convert_element_type3A_109 = arith.extui %lt3A : i1 to i32
      %cond3A_110 = arith.constant 0 : i32
      %cond3A_111 = arith.cmpi ne, %convert_element_type3A_109, %cond3A_110 : i32
      scf.if %cond3A_111 {
        %dma_wait3A = arith.constant 0 : i32
        %dma_wait3A_216 = tpu.memref_slice %arg2[%dma_wait3A] : memref<640000xi32, #tpu.memory_space<hbm>> -> memref<64xi32, #tpu.memory_space<hbm>>
        %dma_wait3A_217 = arith.constant 0 : i32
        %dma_wait3A_218 = tpu.memref_slice %arg2[%dma_wait3A_217] : memref<640000xi32, #tpu.memory_space<hbm>> -> memref<64xi32, #tpu.memory_space<hbm>>
        tpu.wait_dma2 semaphore(%arg17 : memref<!tpu.dma_semaphore, #tpu.memory_space<semaphore_mem>>) src(%dma_wait3A_218 : memref<64xi32, #tpu.memory_space<hbm>>) dst(%arg6 : memref<64xi32, #tpu.memory_space<vmem>>)
        %dma_start3A = arith.constant 0 : i32
        %dma_start3A_219 = tpu.memref_slice %arg16[%dma_start3A] : memref<10112xf32, #tpu.memory_space<vmem_shared>> -> memref<10112xf32, #tpu.memory_space<vmem_shared>>
        tpu.enqueue_indirect_dma source(%arg14 : memref<64xf32, #tpu.memory_space<vmem>>) target(%dma_start3A_219 : memref<10112xf32, #tpu.memory_space<vmem_shared>>) offsets(%arg6 : memref<64xi32, #tpu.memory_space<vmem>>) semaphore(%arg25 : memref<!tpu.dma_semaphore, #tpu.memory_space<semaphore_mem>>) {add = true}
      } else {
      }
      %add3A_112 = arith.constant 8 : i32
      %add3A_113 = arith.addi %add3A_108, %add3A_112 : i32
      %lt3A_114 = arith.cmpi slt, %add3A_113, %min3A_3 : i32
      %convert_element_type3A_115 = arith.extui %lt3A_114 : i1 to i32
      %cond3A_116 = arith.constant 0 : i32
      %cond3A_117 = arith.cmpi ne, %convert_element_type3A_115, %cond3A_116 : i32
      scf.if %cond3A_117 {
        %dma_wait3A = arith.constant 0 : i32
        %dma_wait3A_216 = tpu.memref_slice %arg16[%dma_wait3A] : memref<10112xf32, #tpu.memory_space<vmem_shared>> -> memref<10112xf32, #tpu.memory_space<vmem_shared>>
        tpu.wait_indirect_dma semaphore(%arg25 : memref<!tpu.dma_semaphore, #tpu.memory_space<semaphore_mem>>) src(%arg14 : memref<64xf32, #tpu.memory_space<vmem>>) dst(%dma_wait3A_216 : memref<10112xf32, #tpu.memory_space<vmem_shared>>)
        %add3A_217 = arith.constant 8 : i32
        %add3A_218 = arith.addi %add3A_108, %add3A_217 : i32
        %mul3A_219 = arith.constant 64 : i32
        %mul3A_220 = arith.muli %add3A_218, %mul3A_219 : i32
        %add3A_221 = arith.addi %add3A_11, %mul3A_220 : i32
        %dma_start3A = tpu.memref_slice %arg2[%add3A_221] : memref<640000xi32, #tpu.memory_space<hbm>> -> memref<64xi32, #tpu.memory_space<hbm>>
        %dma_start3A_222 = tpu.memref_slice %arg2[%add3A_221] : memref<640000xi32, #tpu.memory_space<hbm>> -> memref<64xi32, #tpu.memory_space<hbm>>
        tpu.enqueue_dma source(%dma_start3A_222 : memref<64xi32, #tpu.memory_space<hbm>>) target(%arg6 : memref<64xi32, #tpu.memory_space<vmem>>) target_semaphore(%arg17 : memref<!tpu.dma_semaphore, #tpu.memory_space<semaphore_mem>>)
      } else {
      }
      %mul3A_118 = arith.constant 8 : i32
      %mul3A_119 = arith.muli %scan3A_104, %mul3A_118 : i32
      %add3A_120 = arith.constant 1 : i32
      %add3A_121 = arith.addi %mul3A_119, %add3A_120 : i32
      %lt3A_122 = arith.cmpi slt, %add3A_121, %min3A_3 : i32
      %convert_element_type3A_123 = arith.extui %lt3A_122 : i1 to i32
      %cond3A_124 = arith.constant 0 : i32
      %cond3A_125 = arith.cmpi ne, %convert_element_type3A_123, %cond3A_124 : i32
      scf.if %cond3A_125 {
        %dma_wait3A = arith.constant 0 : i32
        %dma_wait3A_216 = tpu.memref_slice %arg2[%dma_wait3A] : memref<640000xi32, #tpu.memory_space<hbm>> -> memref<64xi32, #tpu.memory_space<hbm>>
        %dma_wait3A_217 = arith.constant 0 : i32
        %dma_wait3A_218 = tpu.memref_slice %arg2[%dma_wait3A_217] : memref<640000xi32, #tpu.memory_space<hbm>> -> memref<64xi32, #tpu.memory_space<hbm>>
        tpu.wait_dma2 semaphore(%arg18 : memref<!tpu.dma_semaphore, #tpu.memory_space<semaphore_mem>>) src(%dma_wait3A_218 : memref<64xi32, #tpu.memory_space<hbm>>) dst(%arg7 : memref<64xi32, #tpu.memory_space<vmem>>)
        %dma_start3A = arith.constant 0 : i32
        %dma_start3A_219 = tpu.memref_slice %arg16[%dma_start3A] : memref<10112xf32, #tpu.memory_space<vmem_shared>> -> memref<10112xf32, #tpu.memory_space<vmem_shared>>
        tpu.enqueue_indirect_dma source(%arg14 : memref<64xf32, #tpu.memory_space<vmem>>) target(%dma_start3A_219 : memref<10112xf32, #tpu.memory_space<vmem_shared>>) offsets(%arg7 : memref<64xi32, #tpu.memory_space<vmem>>) semaphore(%arg26 : memref<!tpu.dma_semaphore, #tpu.memory_space<semaphore_mem>>) {add = true}
      } else {
      }
      %add3A_126 = arith.constant 8 : i32
      %add3A_127 = arith.addi %add3A_121, %add3A_126 : i32
      %lt3A_128 = arith.cmpi slt, %add3A_127, %min3A_3 : i32
      %convert_element_type3A_129 = arith.extui %lt3A_128 : i1 to i32
      %cond3A_130 = arith.constant 0 : i32
      %cond3A_131 = arith.cmpi ne, %convert_element_type3A_129, %cond3A_130 : i32
      scf.if %cond3A_131 {
        %dma_wait3A = arith.constant 0 : i32
        %dma_wait3A_216 = tpu.memref_slice %arg16[%dma_wait3A] : memref<10112xf32, #tpu.memory_space<vmem_shared>> -> memref<10112xf32, #tpu.memory_space<vmem_shared>>
        tpu.wait_indirect_dma semaphore(%arg26 : memref<!tpu.dma_semaphore, #tpu.memory_space<semaphore_mem>>) src(%arg14 : memref<64xf32, #tpu.memory_space<vmem>>) dst(%dma_wait3A_216 : memref<10112xf32, #tpu.memory_space<vmem_shared>>)
        %add3A_217 = arith.constant 8 : i32
        %add3A_218 = arith.addi %add3A_121, %add3A_217 : i32
        %mul3A_219 = arith.constant 64 : i32
        %mul3A_220 = arith.muli %add3A_218, %mul3A_219 : i32
        %add3A_221 = arith.addi %add3A_11, %mul3A_220 : i32
        %dma_start3A = tpu.memref_slice %arg2[%add3A_221] : memref<640000xi32, #tpu.memory_space<hbm>> -> memref<64xi32, #tpu.memory_space<hbm>>
        %dma_start3A_222 = tpu.memref_slice %arg2[%add3A_221] : memref<640000xi32, #tpu.memory_space<hbm>> -> memref<64xi32, #tpu.memory_space<hbm>>
        tpu.enqueue_dma source(%dma_start3A_222 : memref<64xi32, #tpu.memory_space<hbm>>) target(%arg7 : memref<64xi32, #tpu.memory_space<vmem>>) target_semaphore(%arg18 : memref<!tpu.dma_semaphore, #tpu.memory_space<semaphore_mem>>)
      } else {
      }
      %mul3A_132 = arith.constant 8 : i32
      %mul3A_133 = arith.muli %scan3A_104, %mul3A_132 : i32
      %add3A_134 = arith.constant 2 : i32
      %add3A_135 = arith.addi %mul3A_133, %add3A_134 : i32
      %lt3A_136 = arith.cmpi slt, %add3A_135, %min3A_3 : i32
      %convert_element_type3A_137 = arith.extui %lt3A_136 : i1 to i32
      %cond3A_138 = arith.constant 0 : i32
      %cond3A_139 = arith.cmpi ne, %convert_element_type3A_137, %cond3A_138 : i32
      scf.if %cond3A_139 {
        %dma_wait3A = arith.constant 0 : i32
        %dma_wait3A_216 = tpu.memref_slice %arg2[%dma_wait3A] : memref<640000xi32, #tpu.memory_space<hbm>> -> memref<64xi32, #tpu.memory_space<hbm>>
        %dma_wait3A_217 = arith.constant 0 : i32
        %dma_wait3A_218 = tpu.memref_slice %arg2[%dma_wait3A_217] : memref<640000xi32, #tpu.memory_space<hbm>> -> memref<64xi32, #tpu.memory_space<hbm>>
        tpu.wait_dma2 semaphore(%arg19 : memref<!tpu.dma_semaphore, #tpu.memory_space<semaphore_mem>>) src(%dma_wait3A_218 : memref<64xi32, #tpu.memory_space<hbm>>) dst(%arg8 : memref<64xi32, #tpu.memory_space<vmem>>)
        %dma_start3A = arith.constant 0 : i32
        %dma_start3A_219 = tpu.memref_slice %arg16[%dma_start3A] : memref<10112xf32, #tpu.memory_space<vmem_shared>> -> memref<10112xf32, #tpu.memory_space<vmem_shared>>
        tpu.enqueue_indirect_dma source(%arg14 : memref<64xf32, #tpu.memory_space<vmem>>) target(%dma_start3A_219 : memref<10112xf32, #tpu.memory_space<vmem_shared>>) offsets(%arg8 : memref<64xi32, #tpu.memory_space<vmem>>) semaphore(%arg27 : memref<!tpu.dma_semaphore, #tpu.memory_space<semaphore_mem>>) {add = true}
      } else {
      }
      %add3A_140 = arith.constant 8 : i32
      %add3A_141 = arith.addi %add3A_135, %add3A_140 : i32
      %lt3A_142 = arith.cmpi slt, %add3A_141, %min3A_3 : i32
      %convert_element_type3A_143 = arith.extui %lt3A_142 : i1 to i32
      %cond3A_144 = arith.constant 0 : i32
      %cond3A_145 = arith.cmpi ne, %convert_element_type3A_143, %cond3A_144 : i32
      scf.if %cond3A_145 {
        %dma_wait3A = arith.constant 0 : i32
        %dma_wait3A_216 = tpu.memref_slice %arg16[%dma_wait3A] : memref<10112xf32, #tpu.memory_space<vmem_shared>> -> memref<10112xf32, #tpu.memory_space<vmem_shared>>
        tpu.wait_indirect_dma semaphore(%arg27 : memref<!tpu.dma_semaphore, #tpu.memory_space<semaphore_mem>>) src(%arg14 : memref<64xf32, #tpu.memory_space<vmem>>) dst(%dma_wait3A_216 : memref<10112xf32, #tpu.memory_space<vmem_shared>>)
        %add3A_217 = arith.constant 8 : i32
        %add3A_218 = arith.addi %add3A_135, %add3A_217 : i32
        %mul3A_219 = arith.constant 64 : i32
        %mul3A_220 = arith.muli %add3A_218, %mul3A_219 : i32
        %add3A_221 = arith.addi %add3A_11, %mul3A_220 : i32
        %dma_start3A = tpu.memref_slice %arg2[%add3A_221] : memref<640000xi32, #tpu.memory_space<hbm>> -> memref<64xi32, #tpu.memory_space<hbm>>
        %dma_start3A_222 = tpu.memref_slice %arg2[%add3A_221] : memref<640000xi32, #tpu.memory_space<hbm>> -> memref<64xi32, #tpu.memory_space<hbm>>
        tpu.enqueue_dma source(%dma_start3A_222 : memref<64xi32, #tpu.memory_space<hbm>>) target(%arg8 : memref<64xi32, #tpu.memory_space<vmem>>) target_semaphore(%arg19 : memref<!tpu.dma_semaphore, #tpu.memory_space<semaphore_mem>>)
      } else {
      }
      %mul3A_146 = arith.constant 8 : i32
      %mul3A_147 = arith.muli %scan3A_104, %mul3A_146 : i32
      %add3A_148 = arith.constant 3 : i32
      %add3A_149 = arith.addi %mul3A_147, %add3A_148 : i32
      %lt3A_150 = arith.cmpi slt, %add3A_149, %min3A_3 : i32
      %convert_element_type3A_151 = arith.extui %lt3A_150 : i1 to i32
      %cond3A_152 = arith.constant 0 : i32
      %cond3A_153 = arith.cmpi ne, %convert_element_type3A_151, %cond3A_152 : i32
      scf.if %cond3A_153 {
        %dma_wait3A = arith.constant 0 : i32
        %dma_wait3A_216 = tpu.memref_slice %arg2[%dma_wait3A] : memref<640000xi32, #tpu.memory_space<hbm>> -> memref<64xi32, #tpu.memory_space<hbm>>
        %dma_wait3A_217 = arith.constant 0 : i32
        %dma_wait3A_218 = tpu.memref_slice %arg2[%dma_wait3A_217] : memref<640000xi32, #tpu.memory_space<hbm>> -> memref<64xi32, #tpu.memory_space<hbm>>
        tpu.wait_dma2 semaphore(%arg20 : memref<!tpu.dma_semaphore, #tpu.memory_space<semaphore_mem>>) src(%dma_wait3A_218 : memref<64xi32, #tpu.memory_space<hbm>>) dst(%arg9 : memref<64xi32, #tpu.memory_space<vmem>>)
        %dma_start3A = arith.constant 0 : i32
        %dma_start3A_219 = tpu.memref_slice %arg16[%dma_start3A] : memref<10112xf32, #tpu.memory_space<vmem_shared>> -> memref<10112xf32, #tpu.memory_space<vmem_shared>>
        tpu.enqueue_indirect_dma source(%arg14 : memref<64xf32, #tpu.memory_space<vmem>>) target(%dma_start3A_219 : memref<10112xf32, #tpu.memory_space<vmem_shared>>) offsets(%arg9 : memref<64xi32, #tpu.memory_space<vmem>>) semaphore(%arg28 : memref<!tpu.dma_semaphore, #tpu.memory_space<semaphore_mem>>) {add = true}
      } else {
      }
      %add3A_154 = arith.constant 8 : i32
      %add3A_155 = arith.addi %add3A_149, %add3A_154 : i32
      %lt3A_156 = arith.cmpi slt, %add3A_155, %min3A_3 : i32
      %convert_element_type3A_157 = arith.extui %lt3A_156 : i1 to i32
      %cond3A_158 = arith.constant 0 : i32
      %cond3A_159 = arith.cmpi ne, %convert_element_type3A_157, %cond3A_158 : i32
      scf.if %cond3A_159 {
        %dma_wait3A = arith.constant 0 : i32
        %dma_wait3A_216 = tpu.memref_slice %arg16[%dma_wait3A] : memref<10112xf32, #tpu.memory_space<vmem_shared>> -> memref<10112xf32, #tpu.memory_space<vmem_shared>>
        tpu.wait_indirect_dma semaphore(%arg28 : memref<!tpu.dma_semaphore, #tpu.memory_space<semaphore_mem>>) src(%arg14 : memref<64xf32, #tpu.memory_space<vmem>>) dst(%dma_wait3A_216 : memref<10112xf32, #tpu.memory_space<vmem_shared>>)
        %add3A_217 = arith.constant 8 : i32
        %add3A_218 = arith.addi %add3A_149, %add3A_217 : i32
        %mul3A_219 = arith.constant 64 : i32
        %mul3A_220 = arith.muli %add3A_218, %mul3A_219 : i32
        %add3A_221 = arith.addi %add3A_11, %mul3A_220 : i32
        %dma_start3A = tpu.memref_slice %arg2[%add3A_221] : memref<640000xi32, #tpu.memory_space<hbm>> -> memref<64xi32, #tpu.memory_space<hbm>>
        %dma_start3A_222 = tpu.memref_slice %arg2[%add3A_221] : memref<640000xi32, #tpu.memory_space<hbm>> -> memref<64xi32, #tpu.memory_space<hbm>>
        tpu.enqueue_dma source(%dma_start3A_222 : memref<64xi32, #tpu.memory_space<hbm>>) target(%arg9 : memref<64xi32, #tpu.memory_space<vmem>>) target_semaphore(%arg20 : memref<!tpu.dma_semaphore, #tpu.memory_space<semaphore_mem>>)
      } else {
      }
      %mul3A_160 = arith.constant 8 : i32
      %mul3A_161 = arith.muli %scan3A_104, %mul3A_160 : i32
      %add3A_162 = arith.constant 4 : i32
      %add3A_163 = arith.addi %mul3A_161, %add3A_162 : i32
      %lt3A_164 = arith.cmpi slt, %add3A_163, %min3A_3 : i32
      %convert_element_type3A_165 = arith.extui %lt3A_164 : i1 to i32
      %cond3A_166 = arith.constant 0 : i32
      %cond3A_167 = arith.cmpi ne, %convert_element_type3A_165, %cond3A_166 : i32
      scf.if %cond3A_167 {
        %dma_wait3A = arith.constant 0 : i32
        %dma_wait3A_216 = tpu.memref_slice %arg2[%dma_wait3A] : memref<640000xi32, #tpu.memory_space<hbm>> -> memref<64xi32, #tpu.memory_space<hbm>>
        %dma_wait3A_217 = arith.constant 0 : i32
        %dma_wait3A_218 = tpu.memref_slice %arg2[%dma_wait3A_217] : memref<640000xi32, #tpu.memory_space<hbm>> -> memref<64xi32, #tpu.memory_space<hbm>>
        tpu.wait_dma2 semaphore(%arg21 : memref<!tpu.dma_semaphore, #tpu.memory_space<semaphore_mem>>) src(%dma_wait3A_218 : memref<64xi32, #tpu.memory_space<hbm>>) dst(%arg10 : memref<64xi32, #tpu.memory_space<vmem>>)
        %dma_start3A = arith.constant 0 : i32
        %dma_start3A_219 = tpu.memref_slice %arg16[%dma_start3A] : memref<10112xf32, #tpu.memory_space<vmem_shared>> -> memref<10112xf32, #tpu.memory_space<vmem_shared>>
        tpu.enqueue_indirect_dma source(%arg14 : memref<64xf32, #tpu.memory_space<vmem>>) target(%dma_start3A_219 : memref<10112xf32, #tpu.memory_space<vmem_shared>>) offsets(%arg10 : memref<64xi32, #tpu.memory_space<vmem>>) semaphore(%arg29 : memref<!tpu.dma_semaphore, #tpu.memory_space<semaphore_mem>>) {add = true}
      } else {
      }
      %add3A_168 = arith.constant 8 : i32
      %add3A_169 = arith.addi %add3A_163, %add3A_168 : i32
      %lt3A_170 = arith.cmpi slt, %add3A_169, %min3A_3 : i32
      %convert_element_type3A_171 = arith.extui %lt3A_170 : i1 to i32
      %cond3A_172 = arith.constant 0 : i32
      %cond3A_173 = arith.cmpi ne, %convert_element_type3A_171, %cond3A_172 : i32
      scf.if %cond3A_173 {
        %dma_wait3A = arith.constant 0 : i32
        %dma_wait3A_216 = tpu.memref_slice %arg16[%dma_wait3A] : memref<10112xf32, #tpu.memory_space<vmem_shared>> -> memref<10112xf32, #tpu.memory_space<vmem_shared>>
        tpu.wait_indirect_dma semaphore(%arg29 : memref<!tpu.dma_semaphore, #tpu.memory_space<semaphore_mem>>) src(%arg14 : memref<64xf32, #tpu.memory_space<vmem>>) dst(%dma_wait3A_216 : memref<10112xf32, #tpu.memory_space<vmem_shared>>)
        %add3A_217 = arith.constant 8 : i32
        %add3A_218 = arith.addi %add3A_163, %add3A_217 : i32
        %mul3A_219 = arith.constant 64 : i32
        %mul3A_220 = arith.muli %add3A_218, %mul3A_219 : i32
        %add3A_221 = arith.addi %add3A_11, %mul3A_220 : i32
        %dma_start3A = tpu.memref_slice %arg2[%add3A_221] : memref<640000xi32, #tpu.memory_space<hbm>> -> memref<64xi32, #tpu.memory_space<hbm>>
        %dma_start3A_222 = tpu.memref_slice %arg2[%add3A_221] : memref<640000xi32, #tpu.memory_space<hbm>> -> memref<64xi32, #tpu.memory_space<hbm>>
        tpu.enqueue_dma source(%dma_start3A_222 : memref<64xi32, #tpu.memory_space<hbm>>) target(%arg10 : memref<64xi32, #tpu.memory_space<vmem>>) target_semaphore(%arg21 : memref<!tpu.dma_semaphore, #tpu.memory_space<semaphore_mem>>)
      } else {
      }
      %mul3A_174 = arith.constant 8 : i32
      %mul3A_175 = arith.muli %scan3A_104, %mul3A_174 : i32
      %add3A_176 = arith.constant 5 : i32
      %add3A_177 = arith.addi %mul3A_175, %add3A_176 : i32
      %lt3A_178 = arith.cmpi slt, %add3A_177, %min3A_3 : i32
      %convert_element_type3A_179 = arith.extui %lt3A_178 : i1 to i32
      %cond3A_180 = arith.constant 0 : i32
      %cond3A_181 = arith.cmpi ne, %convert_element_type3A_179, %cond3A_180 : i32
      scf.if %cond3A_181 {
        %dma_wait3A = arith.constant 0 : i32
        %dma_wait3A_216 = tpu.memref_slice %arg2[%dma_wait3A] : memref<640000xi32, #tpu.memory_space<hbm>> -> memref<64xi32, #tpu.memory_space<hbm>>
        %dma_wait3A_217 = arith.constant 0 : i32
        %dma_wait3A_218 = tpu.memref_slice %arg2[%dma_wait3A_217] : memref<640000xi32, #tpu.memory_space<hbm>> -> memref<64xi32, #tpu.memory_space<hbm>>
        tpu.wait_dma2 semaphore(%arg22 : memref<!tpu.dma_semaphore, #tpu.memory_space<semaphore_mem>>) src(%dma_wait3A_218 : memref<64xi32, #tpu.memory_space<hbm>>) dst(%arg11 : memref<64xi32, #tpu.memory_space<vmem>>)
        %dma_start3A = arith.constant 0 : i32
        %dma_start3A_219 = tpu.memref_slice %arg16[%dma_start3A] : memref<10112xf32, #tpu.memory_space<vmem_shared>> -> memref<10112xf32, #tpu.memory_space<vmem_shared>>
        tpu.enqueue_indirect_dma source(%arg14 : memref<64xf32, #tpu.memory_space<vmem>>) target(%dma_start3A_219 : memref<10112xf32, #tpu.memory_space<vmem_shared>>) offsets(%arg11 : memref<64xi32, #tpu.memory_space<vmem>>) semaphore(%arg30 : memref<!tpu.dma_semaphore, #tpu.memory_space<semaphore_mem>>) {add = true}
      } else {
      }
      %add3A_182 = arith.constant 8 : i32
      %add3A_183 = arith.addi %add3A_177, %add3A_182 : i32
      %lt3A_184 = arith.cmpi slt, %add3A_183, %min3A_3 : i32
      %convert_element_type3A_185 = arith.extui %lt3A_184 : i1 to i32
      %cond3A_186 = arith.constant 0 : i32
      %cond3A_187 = arith.cmpi ne, %convert_element_type3A_185, %cond3A_186 : i32
      scf.if %cond3A_187 {
        %dma_wait3A = arith.constant 0 : i32
        %dma_wait3A_216 = tpu.memref_slice %arg16[%dma_wait3A] : memref<10112xf32, #tpu.memory_space<vmem_shared>> -> memref<10112xf32, #tpu.memory_space<vmem_shared>>
        tpu.wait_indirect_dma semaphore(%arg30 : memref<!tpu.dma_semaphore, #tpu.memory_space<semaphore_mem>>) src(%arg14 : memref<64xf32, #tpu.memory_space<vmem>>) dst(%dma_wait3A_216 : memref<10112xf32, #tpu.memory_space<vmem_shared>>)
        %add3A_217 = arith.constant 8 : i32
        %add3A_218 = arith.addi %add3A_177, %add3A_217 : i32
        %mul3A_219 = arith.constant 64 : i32
        %mul3A_220 = arith.muli %add3A_218, %mul3A_219 : i32
        %add3A_221 = arith.addi %add3A_11, %mul3A_220 : i32
        %dma_start3A = tpu.memref_slice %arg2[%add3A_221] : memref<640000xi32, #tpu.memory_space<hbm>> -> memref<64xi32, #tpu.memory_space<hbm>>
        %dma_start3A_222 = tpu.memref_slice %arg2[%add3A_221] : memref<640000xi32, #tpu.memory_space<hbm>> -> memref<64xi32, #tpu.memory_space<hbm>>
        tpu.enqueue_dma source(%dma_start3A_222 : memref<64xi32, #tpu.memory_space<hbm>>) target(%arg11 : memref<64xi32, #tpu.memory_space<vmem>>) target_semaphore(%arg22 : memref<!tpu.dma_semaphore, #tpu.memory_space<semaphore_mem>>)
      } else {
      }
      %mul3A_188 = arith.constant 8 : i32
      %mul3A_189 = arith.muli %scan3A_104, %mul3A_188 : i32
      %add3A_190 = arith.constant 6 : i32
      %add3A_191 = arith.addi %mul3A_189, %add3A_190 : i32
      %lt3A_192 = arith.cmpi slt, %add3A_191, %min3A_3 : i32
      %convert_element_type3A_193 = arith.extui %lt3A_192 : i1 to i32
      %cond3A_194 = arith.constant 0 : i32
      %cond3A_195 = arith.cmpi ne, %convert_element_type3A_193, %cond3A_194 : i32
      scf.if %cond3A_195 {
        %dma_wait3A = arith.constant 0 : i32
        %dma_wait3A_216 = tpu.memref_slice %arg2[%dma_wait3A] : memref<640000xi32, #tpu.memory_space<hbm>> -> memref<64xi32, #tpu.memory_space<hbm>>
        %dma_wait3A_217 = arith.constant 0 : i32
        %dma_wait3A_218 = tpu.memref_slice %arg2[%dma_wait3A_217] : memref<640000xi32, #tpu.memory_space<hbm>> -> memref<64xi32, #tpu.memory_space<hbm>>
        tpu.wait_dma2 semaphore(%arg23 : memref<!tpu.dma_semaphore, #tpu.memory_space<semaphore_mem>>) src(%dma_wait3A_218 : memref<64xi32, #tpu.memory_space<hbm>>) dst(%arg12 : memref<64xi32, #tpu.memory_space<vmem>>)
        %dma_start3A = arith.constant 0 : i32
        %dma_start3A_219 = tpu.memref_slice %arg16[%dma_start3A] : memref<10112xf32, #tpu.memory_space<vmem_shared>> -> memref<10112xf32, #tpu.memory_space<vmem_shared>>
        tpu.enqueue_indirect_dma source(%arg14 : memref<64xf32, #tpu.memory_space<vmem>>) target(%dma_start3A_219 : memref<10112xf32, #tpu.memory_space<vmem_shared>>) offsets(%arg12 : memref<64xi32, #tpu.memory_space<vmem>>) semaphore(%arg31 : memref<!tpu.dma_semaphore, #tpu.memory_space<semaphore_mem>>) {add = true}
      } else {
      }
      %add3A_196 = arith.constant 8 : i32
      %add3A_197 = arith.addi %add3A_191, %add3A_196 : i32
      %lt3A_198 = arith.cmpi slt, %add3A_197, %min3A_3 : i32
      %convert_element_type3A_199 = arith.extui %lt3A_198 : i1 to i32
      %cond3A_200 = arith.constant 0 : i32
      %cond3A_201 = arith.cmpi ne, %convert_element_type3A_199, %cond3A_200 : i32
      scf.if %cond3A_201 {
        %dma_wait3A = arith.constant 0 : i32
        %dma_wait3A_216 = tpu.memref_slice %arg16[%dma_wait3A] : memref<10112xf32, #tpu.memory_space<vmem_shared>> -> memref<10112xf32, #tpu.memory_space<vmem_shared>>
        tpu.wait_indirect_dma semaphore(%arg31 : memref<!tpu.dma_semaphore, #tpu.memory_space<semaphore_mem>>) src(%arg14 : memref<64xf32, #tpu.memory_space<vmem>>) dst(%dma_wait3A_216 : memref<10112xf32, #tpu.memory_space<vmem_shared>>)
        %add3A_217 = arith.constant 8 : i32
        %add3A_218 = arith.addi %add3A_191, %add3A_217 : i32
        %mul3A_219 = arith.constant 64 : i32
        %mul3A_220 = arith.muli %add3A_218, %mul3A_219 : i32
        %add3A_221 = arith.addi %add3A_11, %mul3A_220 : i32
        %dma_start3A = tpu.memref_slice %arg2[%add3A_221] : memref<640000xi32, #tpu.memory_space<hbm>> -> memref<64xi32, #tpu.memory_space<hbm>>
        %dma_start3A_222 = tpu.memref_slice %arg2[%add3A_221] : memref<640000xi32, #tpu.memory_space<hbm>> -> memref<64xi32, #tpu.memory_space<hbm>>
        tpu.enqueue_dma source(%dma_start3A_222 : memref<64xi32, #tpu.memory_space<hbm>>) target(%arg12 : memref<64xi32, #tpu.memory_space<vmem>>) target_semaphore(%arg23 : memref<!tpu.dma_semaphore, #tpu.memory_space<semaphore_mem>>)
      } else {
      }
      %mul3A_202 = arith.constant 8 : i32
      %mul3A_203 = arith.muli %scan3A_104, %mul3A_202 : i32
      %add3A_204 = arith.constant 7 : i32
      %add3A_205 = arith.addi %mul3A_203, %add3A_204 : i32
      %lt3A_206 = arith.cmpi slt, %add3A_205, %min3A_3 : i32
      %convert_element_type3A_207 = arith.extui %lt3A_206 : i1 to i32
      %cond3A_208 = arith.constant 0 : i32
      %cond3A_209 = arith.cmpi ne, %convert_element_type3A_207, %cond3A_208 : i32
      scf.if %cond3A_209 {
        %dma_wait3A = arith.constant 0 : i32
        %dma_wait3A_216 = tpu.memref_slice %arg2[%dma_wait3A] : memref<640000xi32, #tpu.memory_space<hbm>> -> memref<64xi32, #tpu.memory_space<hbm>>
        %dma_wait3A_217 = arith.constant 0 : i32
        %dma_wait3A_218 = tpu.memref_slice %arg2[%dma_wait3A_217] : memref<640000xi32, #tpu.memory_space<hbm>> -> memref<64xi32, #tpu.memory_space<hbm>>
        tpu.wait_dma2 semaphore(%arg24 : memref<!tpu.dma_semaphore, #tpu.memory_space<semaphore_mem>>) src(%dma_wait3A_218 : memref<64xi32, #tpu.memory_space<hbm>>) dst(%arg13 : memref<64xi32, #tpu.memory_space<vmem>>)
        %dma_start3A = arith.constant 0 : i32
        %dma_start3A_219 = tpu.memref_slice %arg16[%dma_start3A] : memref<10112xf32, #tpu.memory_space<vmem_shared>> -> memref<10112xf32, #tpu.memory_space<vmem_shared>>
        tpu.enqueue_indirect_dma source(%arg14 : memref<64xf32, #tpu.memory_space<vmem>>) target(%dma_start3A_219 : memref<10112xf32, #tpu.memory_space<vmem_shared>>) offsets(%arg13 : memref<64xi32, #tpu.memory_space<vmem>>) semaphore(%arg32 : memref<!tpu.dma_semaphore, #tpu.memory_space<semaphore_mem>>) {add = true}
      } else {
      }
      %add3A_210 = arith.constant 8 : i32
      %add3A_211 = arith.addi %add3A_205, %add3A_210 : i32
      %lt3A_212 = arith.cmpi slt, %add3A_211, %min3A_3 : i32
      %convert_element_type3A_213 = arith.extui %lt3A_212 : i1 to i32
      %cond3A_214 = arith.constant 0 : i32
      %cond3A_215 = arith.cmpi ne, %convert_element_type3A_213, %cond3A_214 : i32
      scf.if %cond3A_215 {
        %dma_wait3A = arith.constant 0 : i32
        %dma_wait3A_216 = tpu.memref_slice %arg16[%dma_wait3A] : memref<10112xf32, #tpu.memory_space<vmem_shared>> -> memref<10112xf32, #tpu.memory_space<vmem_shared>>
        tpu.wait_indirect_dma semaphore(%arg32 : memref<!tpu.dma_semaphore, #tpu.memory_space<semaphore_mem>>) src(%arg14 : memref<64xf32, #tpu.memory_space<vmem>>) dst(%dma_wait3A_216 : memref<10112xf32, #tpu.memory_space<vmem_shared>>)
        %add3A_217 = arith.constant 8 : i32
        %add3A_218 = arith.addi %add3A_205, %add3A_217 : i32
        %mul3A_219 = arith.constant 64 : i32
        %mul3A_220 = arith.muli %add3A_218, %mul3A_219 : i32
        %add3A_221 = arith.addi %add3A_11, %mul3A_220 : i32
        %dma_start3A = tpu.memref_slice %arg2[%add3A_221] : memref<640000xi32, #tpu.memory_space<hbm>> -> memref<64xi32, #tpu.memory_space<hbm>>
        %dma_start3A_222 = tpu.memref_slice %arg2[%add3A_221] : memref<640000xi32, #tpu.memory_space<hbm>> -> memref<64xi32, #tpu.memory_space<hbm>>
        tpu.enqueue_dma source(%dma_start3A_222 : memref<64xi32, #tpu.memory_space<hbm>>) target(%arg13 : memref<64xi32, #tpu.memory_space<vmem>>) target_semaphore(%arg24 : memref<!tpu.dma_semaphore, #tpu.memory_space<semaphore_mem>>)
      } else {
      }
    }
    %scan3A_55 = arith.constant 20 : i32
    %gt3A_56 = arith.constant 0 : i32
    %gt3A_57 = arith.cmpi sgt, %min3A_3, %gt3A_56 : i32
    %convert_element_type3A_58 = arith.extui %gt3A_57 : i1 to i32
    %cond3A_59 = arith.constant 0 : i32
    %cond3A_60 = arith.cmpi ne, %convert_element_type3A_58, %cond3A_59 : i32
    scf.if %cond3A_60 {
      %dma_wait3A = arith.constant 0 : i32
      %dma_wait3A_104 = tpu.memref_slice %arg16[%dma_wait3A] : memref<10112xf32, #tpu.memory_space<vmem_shared>> -> memref<10112xf32, #tpu.memory_space<vmem_shared>>
      tpu.wait_indirect_dma semaphore(%arg25 : memref<!tpu.dma_semaphore, #tpu.memory_space<semaphore_mem>>) src(%arg14 : memref<64xf32, #tpu.memory_space<vmem>>) dst(%dma_wait3A_104 : memref<10112xf32, #tpu.memory_space<vmem_shared>>)
    } else {
    }
    %gt3A_61 = arith.constant 1 : i32
    %gt3A_62 = arith.cmpi sgt, %min3A_3, %gt3A_61 : i32
    %convert_element_type3A_63 = arith.extui %gt3A_62 : i1 to i32
    %cond3A_64 = arith.constant 0 : i32
    %cond3A_65 = arith.cmpi ne, %convert_element_type3A_63, %cond3A_64 : i32
    scf.if %cond3A_65 {
      %dma_wait3A = arith.constant 0 : i32
      %dma_wait3A_104 = tpu.memref_slice %arg16[%dma_wait3A] : memref<10112xf32, #tpu.memory_space<vmem_shared>> -> memref<10112xf32, #tpu.memory_space<vmem_shared>>
      tpu.wait_indirect_dma semaphore(%arg26 : memref<!tpu.dma_semaphore, #tpu.memory_space<semaphore_mem>>) src(%arg14 : memref<64xf32, #tpu.memory_space<vmem>>) dst(%dma_wait3A_104 : memref<10112xf32, #tpu.memory_space<vmem_shared>>)
    } else {
    }
    %gt3A_66 = arith.constant 2 : i32
    %gt3A_67 = arith.cmpi sgt, %min3A_3, %gt3A_66 : i32
    %convert_element_type3A_68 = arith.extui %gt3A_67 : i1 to i32
    %cond3A_69 = arith.constant 0 : i32
    %cond3A_70 = arith.cmpi ne, %convert_element_type3A_68, %cond3A_69 : i32
    scf.if %cond3A_70 {
      %dma_wait3A = arith.constant 0 : i32
      %dma_wait3A_104 = tpu.memref_slice %arg16[%dma_wait3A] : memref<10112xf32, #tpu.memory_space<vmem_shared>> -> memref<10112xf32, #tpu.memory_space<vmem_shared>>
      tpu.wait_indirect_dma semaphore(%arg27 : memref<!tpu.dma_semaphore, #tpu.memory_space<semaphore_mem>>) src(%arg14 : memref<64xf32, #tpu.memory_space<vmem>>) dst(%dma_wait3A_104 : memref<10112xf32, #tpu.memory_space<vmem_shared>>)
    } else {
    }
    %gt3A_71 = arith.constant 3 : i32
    %gt3A_72 = arith.cmpi sgt, %min3A_3, %gt3A_71 : i32
    %convert_element_type3A_73 = arith.extui %gt3A_72 : i1 to i32
    %cond3A_74 = arith.constant 0 : i32
    %cond3A_75 = arith.cmpi ne, %convert_element_type3A_73, %cond3A_74 : i32
    scf.if %cond3A_75 {
      %dma_wait3A = arith.constant 0 : i32
      %dma_wait3A_104 = tpu.memref_slice %arg16[%dma_wait3A] : memref<10112xf32, #tpu.memory_space<vmem_shared>> -> memref<10112xf32, #tpu.memory_space<vmem_shared>>
      tpu.wait_indirect_dma semaphore(%arg28 : memref<!tpu.dma_semaphore, #tpu.memory_space<semaphore_mem>>) src(%arg14 : memref<64xf32, #tpu.memory_space<vmem>>) dst(%dma_wait3A_104 : memref<10112xf32, #tpu.memory_space<vmem_shared>>)
    } else {
    }
    %gt3A_76 = arith.constant 4 : i32
    %gt3A_77 = arith.cmpi sgt, %min3A_3, %gt3A_76 : i32
    %convert_element_type3A_78 = arith.extui %gt3A_77 : i1 to i32
    %cond3A_79 = arith.constant 0 : i32
    %cond3A_80 = arith.cmpi ne, %convert_element_type3A_78, %cond3A_79 : i32
    scf.if %cond3A_80 {
      %dma_wait3A = arith.constant 0 : i32
      %dma_wait3A_104 = tpu.memref_slice %arg16[%dma_wait3A] : memref<10112xf32, #tpu.memory_space<vmem_shared>> -> memref<10112xf32, #tpu.memory_space<vmem_shared>>
      tpu.wait_indirect_dma semaphore(%arg29 : memref<!tpu.dma_semaphore, #tpu.memory_space<semaphore_mem>>) src(%arg14 : memref<64xf32, #tpu.memory_space<vmem>>) dst(%dma_wait3A_104 : memref<10112xf32, #tpu.memory_space<vmem_shared>>)
    } else {
    }
    %gt3A_81 = arith.constant 5 : i32
    %gt3A_82 = arith.cmpi sgt, %min3A_3, %gt3A_81 : i32
    %convert_element_type3A_83 = arith.extui %gt3A_82 : i1 to i32
    %cond3A_84 = arith.constant 0 : i32
    %cond3A_85 = arith.cmpi ne, %convert_element_type3A_83, %cond3A_84 : i32
    scf.if %cond3A_85 {
      %dma_wait3A = arith.constant 0 : i32
      %dma_wait3A_104 = tpu.memref_slice %arg16[%dma_wait3A] : memref<10112xf32, #tpu.memory_space<vmem_shared>> -> memref<10112xf32, #tpu.memory_space<vmem_shared>>
      tpu.wait_indirect_dma semaphore(%arg30 : memref<!tpu.dma_semaphore, #tpu.memory_space<semaphore_mem>>) src(%arg14 : memref<64xf32, #tpu.memory_space<vmem>>) dst(%dma_wait3A_104 : memref<10112xf32, #tpu.memory_space<vmem_shared>>)
    } else {
    }
    %gt3A_86 = arith.constant 6 : i32
    %gt3A_87 = arith.cmpi sgt, %min3A_3, %gt3A_86 : i32
    %convert_element_type3A_88 = arith.extui %gt3A_87 : i1 to i32
    %cond3A_89 = arith.constant 0 : i32
    %cond3A_90 = arith.cmpi ne, %convert_element_type3A_88, %cond3A_89 : i32
    scf.if %cond3A_90 {
      %dma_wait3A = arith.constant 0 : i32
      %dma_wait3A_104 = tpu.memref_slice %arg16[%dma_wait3A] : memref<10112xf32, #tpu.memory_space<vmem_shared>> -> memref<10112xf32, #tpu.memory_space<vmem_shared>>
      tpu.wait_indirect_dma semaphore(%arg31 : memref<!tpu.dma_semaphore, #tpu.memory_space<semaphore_mem>>) src(%arg14 : memref<64xf32, #tpu.memory_space<vmem>>) dst(%dma_wait3A_104 : memref<10112xf32, #tpu.memory_space<vmem_shared>>)
    } else {
    }
    %gt3A_91 = arith.constant 7 : i32
    %gt3A_92 = arith.cmpi sgt, %min3A_3, %gt3A_91 : i32
    %convert_element_type3A_93 = arith.extui %gt3A_92 : i1 to i32
    %cond3A_94 = arith.constant 0 : i32
    %cond3A_95 = arith.cmpi ne, %convert_element_type3A_93, %cond3A_94 : i32
    scf.if %cond3A_95 {
      %dma_wait3A = arith.constant 0 : i32
      %dma_wait3A_104 = tpu.memref_slice %arg16[%dma_wait3A] : memref<10112xf32, #tpu.memory_space<vmem_shared>> -> memref<10112xf32, #tpu.memory_space<vmem_shared>>
      tpu.wait_indirect_dma semaphore(%arg32 : memref<!tpu.dma_semaphore, #tpu.memory_space<semaphore_mem>>) src(%arg14 : memref<64xf32, #tpu.memory_space<vmem>>) dst(%dma_wait3A_104 : memref<10112xf32, #tpu.memory_space<vmem_shared>>)
    } else {
    }
    %barrier3A_96 = arith.constant 0 : index
    tpu.barrier barrier_id(%barrier3A_96)
    %mul3A_97 = arith.constant 632 : i32
    %mul3A_98 = arith.muli %arg1, %mul3A_97 : i32
    "tpu.region"() ({
      %run_scoped3A = tpu.sem_alloc : memref<!tpu.dma_semaphore, #tpu.memory_space<semaphore_mem>>
      %dma_start3A = tpu.memref_slice %arg16[%mul3A_98] : memref<10112xf32, #tpu.memory_space<vmem_shared>> -> memref<632xf32, #tpu.memory_space<vmem_shared>>
      %dma_start3A_104 = tpu.memref_slice %arg16[%mul3A_98] : memref<10112xf32, #tpu.memory_space<vmem_shared>> -> memref<632xf32, #tpu.memory_space<vmem_shared>>
      tpu.enqueue_dma source(%dma_start3A_104 : memref<632xf32, #tpu.memory_space<vmem_shared>>) target(%arg15 : memref<632xf32, #tpu.memory_space<vmem>>) target_semaphore(%run_scoped3A : memref<!tpu.dma_semaphore, #tpu.memory_space<semaphore_mem>>)
      %dma_wait3A = tpu.memref_slice %arg16[%mul3A_98] : memref<10112xf32, #tpu.memory_space<vmem_shared>> -> memref<632xf32, #tpu.memory_space<vmem_shared>>
      %dma_wait3A_105 = tpu.memref_slice %arg16[%mul3A_98] : memref<10112xf32, #tpu.memory_space<vmem_shared>> -> memref<632xf32, #tpu.memory_space<vmem_shared>>
      tpu.wait_dma2 semaphore(%run_scoped3A : memref<!tpu.dma_semaphore, #tpu.memory_space<semaphore_mem>>) src(%dma_wait3A_105 : memref<632xf32, #tpu.memory_space<vmem_shared>>) dst(%arg15 : memref<632xf32, #tpu.memory_space<vmem>>)
      tpu.yield
    }) : () -> ()
    %mul3A_99 = arith.constant 10112 : i32
    %mul3A_100 = arith.muli %arg0, %mul3A_99 : i32
    %mul3A_101 = arith.constant 632 : i32
    %mul3A_102 = arith.muli %arg1, %mul3A_101 : i32
    %add3A_103 = arith.addi %mul3A_100, %mul3A_102 : i32
    "tpu.region"() ({
      %run_scoped3A = tpu.sem_alloc : memref<!tpu.dma_semaphore, #tpu.memory_space<semaphore_mem>>
      %dma_start3A = tpu.memref_slice %arg5[%add3A_103] : memref<20224xf32, #tpu.memory_space<hbm>> -> memref<632xf32, #tpu.memory_space<hbm>>
      %dma_start3A_104 = tpu.memref_slice %arg5[%add3A_103] : memref<20224xf32, #tpu.memory_space<hbm>> -> memref<632xf32, #tpu.memory_space<hbm>>
      tpu.enqueue_dma source(%arg15 : memref<632xf32, #tpu.memory_space<vmem>>) target(%dma_start3A_104 : memref<632xf32, #tpu.memory_space<hbm>>) target_semaphore(%run_scoped3A : memref<!tpu.dma_semaphore, #tpu.memory_space<semaphore_mem>>)
      %dma_wait3A = tpu.memref_slice %arg5[%add3A_103] : memref<20224xf32, #tpu.memory_space<hbm>> -> memref<632xf32, #tpu.memory_space<hbm>>
      %dma_wait3A_105 = tpu.memref_slice %arg5[%add3A_103] : memref<20224xf32, #tpu.memory_space<hbm>> -> memref<632xf32, #tpu.memory_space<hbm>>
      tpu.wait_dma2 semaphore(%run_scoped3A : memref<!tpu.dma_semaphore, #tpu.memory_space<semaphore_mem>>) src(%arg15 : memref<632xf32, #tpu.memory_space<vmem>>) dst(%dma_wait3A_105 : memref<632xf32, #tpu.memory_space<hbm>>)
      tpu.yield
    }) : () -> ()
    return
  }
}

#map = affine_map<(d0, d1) -> (0, 0)>
#map1 = affine_map<(d0, d1) -> (0)>
#map2 = affine_map<(d0, d1) -> (0, 0, 0)>
module attributes {stable_mosaic.version = 14 : i64} {
  func.func @agg(%arg0: i32, %arg1: i32, %arg2: memref<10000x128xf32, #tpu.memory_space<hbm>>, %arg3: memref<640000xi32, #tpu.memory_space<hbm>>, %arg4: memref<632x128xf32, #tpu.memory_space<hbm>>, %arg5: memref<2x10112x128xf32, #tpu.memory_space<hbm>>, %arg6: memref<64xi32, #tpu.memory_space<vmem>>, %arg7: memref<64xi32, #tpu.memory_space<vmem>>, %arg8: memref<64xi32, #tpu.memory_space<vmem>>, %arg9: memref<64xi32, #tpu.memory_space<vmem>>, %arg10: memref<64xi32, #tpu.memory_space<vmem>>, %arg11: memref<64xi32, #tpu.memory_space<vmem>>, %arg12: memref<64xi32, #tpu.memory_space<vmem>>, %arg13: memref<64xi32, #tpu.memory_space<vmem>>, %arg14: memref<64xi32, #tpu.memory_space<vmem>>, %arg15: memref<64xi32, #tpu.memory_space<vmem>>, %arg16: memref<64xi32, #tpu.memory_space<vmem>>, %arg17: memref<64xi32, #tpu.memory_space<vmem>>, %arg18: memref<64xi32, #tpu.memory_space<vmem>>, %arg19: memref<64xi32, #tpu.memory_space<vmem>>, %arg20: memref<64xi32, #tpu.memory_space<vmem>>, %arg21: memref<64xi32, #tpu.memory_space<vmem>>, %arg22: memref<64x128xf32, #tpu.memory_space<vmem>>, %arg23: memref<64x128xf32, #tpu.memory_space<vmem>>, %arg24: memref<64x128xf32, #tpu.memory_space<vmem>>, %arg25: memref<64x128xf32, #tpu.memory_space<vmem>>, %arg26: memref<!tpu.dma_semaphore, #tpu.memory_space<semaphore_mem>>, %arg27: memref<!tpu.dma_semaphore, #tpu.memory_space<semaphore_mem>>, %arg28: memref<!tpu.dma_semaphore, #tpu.memory_space<semaphore_mem>>, %arg29: memref<!tpu.dma_semaphore, #tpu.memory_space<semaphore_mem>>, %arg30: memref<!tpu.dma_semaphore, #tpu.memory_space<semaphore_mem>>, %arg31: memref<!tpu.dma_semaphore, #tpu.memory_space<semaphore_mem>>, %arg32: memref<!tpu.dma_semaphore, #tpu.memory_space<semaphore_mem>>, %arg33: memref<!tpu.dma_semaphore, #tpu.memory_space<semaphore_mem>>, %arg34: memref<!tpu.dma_semaphore, #tpu.memory_space<semaphore_mem>>, %arg35: memref<!tpu.dma_semaphore, #tpu.memory_space<semaphore_mem>>, %arg36: memref<!tpu.dma_semaphore, #tpu.memory_space<semaphore_mem>>, %arg37: memref<!tpu.dma_semaphore, #tpu.memory_space<semaphore_mem>>, %arg38: memref<!tpu.dma_semaphore, #tpu.memory_space<semaphore_mem>>, %arg39: memref<!tpu.dma_semaphore, #tpu.memory_space<semaphore_mem>>, %arg40: memref<!tpu.dma_semaphore, #tpu.memory_space<semaphore_mem>>, %arg41: memref<!tpu.dma_semaphore, #tpu.memory_space<semaphore_mem>>, %arg42: memref<10112x128xf32, #tpu.memory_space<vmem_shared>>) attributes {dimension_semantics = [#tpu.dimension_semantics<core_parallel>, #tpu.dimension_semantics<subcore_parallel>], iteration_bounds = array<i64: 2, 16>, scalar_prefetch = 0 : i64, scratch_operands = 37 : i64, tpu.core_type = #tpu.core_type<sc_vector_subcore>, window_params = [{transform_indices = #map}, {transform_indices = #map1}, {transform_indices = #map}, {transform_indices = #map2}]} {
    %mul3A = arith.constant 160 : i32
    %mul3A_0 = arith.muli %arg1, %mul3A : i32
    %sub3A = arith.constant 2500 : i32
    %sub3A_1 = arith.subi %sub3A, %mul3A_0 : i32
    %max3A = arith.constant 0 : i32
    %max3A_2 = arith.maxsi %sub3A_1, %max3A : i32
    %min3A = arith.constant 160 : i32
    %min3A_3 = arith.minsi %max3A_2, %min3A : i32
    %mul3A_4 = arith.constant 2500 : i32
    %mul3A_5 = arith.muli %arg0, %mul3A_4 : i32
    %mul3A_6 = arith.constant 160 : i32
    %mul3A_7 = arith.muli %arg1, %mul3A_6 : i32
    %add3A = arith.addi %mul3A_5, %mul3A_7 : i32
    %mul3A_8 = arith.constant 64 : i32
    %mul3A_9 = arith.muli %add3A, %mul3A_8 : i32
    %eq3A = arith.constant 0 : i32
    %eq3A_10 = arith.cmpi eq, %arg0, %eq3A : i32
    %lt3A = arith.constant 15 : i32
    %lt3A_11 = arith.cmpi slt, %arg1, %lt3A : i32
    %and3A = arith.andi %eq3A_10, %lt3A_11 : i1
    %convert_element_type3A = arith.extui %and3A : i1 to i32
    %cond3A = arith.constant 0 : i32
    %cond3A_12 = arith.cmpi ne, %convert_element_type3A, %cond3A : i32
    scf.if %cond3A_12 {
      %mul3A_95 = arith.constant 632 : i32
      %mul3A_96 = arith.muli %arg1, %mul3A_95 : i32
      %mul3A_97 = arith.constant 632 : i32
      %mul3A_98 = arith.muli %arg1, %mul3A_97 : i32
      "tpu.region"() ({
        %run_scoped3A = tpu.sem_alloc : memref<!tpu.dma_semaphore, #tpu.memory_space<semaphore_mem>>
        %dma_start3A = arith.constant 0 : i32
        %dma_start3A_99 = tpu.memref_slice %arg42[%mul3A_98, %dma_start3A] : memref<10112x128xf32, #tpu.memory_space<vmem_shared>> -> memref<632x128xf32, #tpu.memory_space<vmem_shared>>
        %dma_start3A_100 = arith.constant 0 : i32
        %dma_start3A_101 = tpu.memref_slice %arg2[%mul3A_96, %dma_start3A_100] : memref<10000x128xf32, #tpu.memory_space<hbm>> -> memref<632x128xf32, #tpu.memory_space<hbm>>
        tpu.enqueue_dma source(%dma_start3A_101 : memref<632x128xf32, #tpu.memory_space<hbm>>) target(%dma_start3A_99 : memref<632x128xf32, #tpu.memory_space<vmem_shared>>) target_semaphore(%run_scoped3A : memref<!tpu.dma_semaphore, #tpu.memory_space<semaphore_mem>>)
        %dma_wait3A = arith.constant 0 : i32
        %dma_wait3A_102 = tpu.memref_slice %arg42[%mul3A_98, %dma_wait3A] : memref<10112x128xf32, #tpu.memory_space<vmem_shared>> -> memref<632x128xf32, #tpu.memory_space<vmem_shared>>
        %dma_wait3A_103 = arith.constant 0 : i32
        %dma_wait3A_104 = tpu.memref_slice %arg2[%mul3A_96, %dma_wait3A_103] : memref<10000x128xf32, #tpu.memory_space<hbm>> -> memref<632x128xf32, #tpu.memory_space<hbm>>
        tpu.wait_dma2 semaphore(%run_scoped3A : memref<!tpu.dma_semaphore, #tpu.memory_space<semaphore_mem>>) src(%dma_wait3A_104 : memref<632x128xf32, #tpu.memory_space<hbm>>) dst(%dma_wait3A_102 : memref<632x128xf32, #tpu.memory_space<vmem_shared>>)
        tpu.yield
      }) : () -> ()
    } else {
    }
    %eq3A_13 = arith.constant 0 : i32
    %eq3A_14 = arith.cmpi eq, %arg0, %eq3A_13 : i32
    %eq3A_15 = arith.constant 15 : i32
    %eq3A_16 = arith.cmpi eq, %arg1, %eq3A_15 : i32
    %and3A_17 = arith.andi %eq3A_14, %eq3A_16 : i1
    %convert_element_type3A_18 = arith.extui %and3A_17 : i1 to i32
    %cond3A_19 = arith.constant 0 : i32
    %cond3A_20 = arith.cmpi ne, %convert_element_type3A_18, %cond3A_19 : i32
    scf.if %cond3A_20 {
      "tpu.region"() ({
        %run_scoped3A = tpu.sem_alloc : memref<!tpu.dma_semaphore, #tpu.memory_space<semaphore_mem>>
        %dma_start3A = arith.constant 9480 : i32
        %dma_start3A_95 = arith.constant 0 : i32
        %dma_start3A_96 = tpu.memref_slice %arg42[%dma_start3A, %dma_start3A_95] : memref<10112x128xf32, #tpu.memory_space<vmem_shared>> -> memref<520x128xf32, #tpu.memory_space<vmem_shared>>
        %dma_start3A_97 = arith.constant 9480 : i32
        %dma_start3A_98 = arith.constant 0 : i32
        %dma_start3A_99 = tpu.memref_slice %arg2[%dma_start3A_97, %dma_start3A_98] : memref<10000x128xf32, #tpu.memory_space<hbm>> -> memref<520x128xf32, #tpu.memory_space<hbm>>
        tpu.enqueue_dma source(%dma_start3A_99 : memref<520x128xf32, #tpu.memory_space<hbm>>) target(%dma_start3A_96 : memref<520x128xf32, #tpu.memory_space<vmem_shared>>) target_semaphore(%run_scoped3A : memref<!tpu.dma_semaphore, #tpu.memory_space<semaphore_mem>>)
        %dma_wait3A = arith.constant 9480 : i32
        %dma_wait3A_100 = arith.constant 0 : i32
        %dma_wait3A_101 = tpu.memref_slice %arg42[%dma_wait3A, %dma_wait3A_100] : memref<10112x128xf32, #tpu.memory_space<vmem_shared>> -> memref<520x128xf32, #tpu.memory_space<vmem_shared>>
        %dma_wait3A_102 = arith.constant 9480 : i32
        %dma_wait3A_103 = arith.constant 0 : i32
        %dma_wait3A_104 = tpu.memref_slice %arg2[%dma_wait3A_102, %dma_wait3A_103] : memref<10000x128xf32, #tpu.memory_space<hbm>> -> memref<520x128xf32, #tpu.memory_space<hbm>>
        tpu.wait_dma2 semaphore(%run_scoped3A : memref<!tpu.dma_semaphore, #tpu.memory_space<semaphore_mem>>) src(%dma_wait3A_104 : memref<520x128xf32, #tpu.memory_space<hbm>>) dst(%dma_wait3A_101 : memref<520x128xf32, #tpu.memory_space<vmem_shared>>)
        tpu.yield
      }) : () -> ()
      "tpu.region"() ({
        %run_scoped3A = tpu.sem_alloc : memref<!tpu.dma_semaphore, #tpu.memory_space<semaphore_mem>>
        %dma_start3A = arith.constant 10000 : i32
        %dma_start3A_95 = arith.constant 0 : i32
        %dma_start3A_96 = tpu.memref_slice %arg42[%dma_start3A, %dma_start3A_95] : memref<10112x128xf32, #tpu.memory_space<vmem_shared>> -> memref<112x128xf32, #tpu.memory_space<vmem_shared>>
        %dma_start3A_97 = arith.constant 0 : i32
        %dma_start3A_98 = arith.constant 0 : i32
        %dma_start3A_99 = tpu.memref_slice %arg4[%dma_start3A_97, %dma_start3A_98] : memref<632x128xf32, #tpu.memory_space<hbm>> -> memref<112x128xf32, #tpu.memory_space<hbm>>
        tpu.enqueue_dma source(%dma_start3A_99 : memref<112x128xf32, #tpu.memory_space<hbm>>) target(%dma_start3A_96 : memref<112x128xf32, #tpu.memory_space<vmem_shared>>) target_semaphore(%run_scoped3A : memref<!tpu.dma_semaphore, #tpu.memory_space<semaphore_mem>>)
        %dma_wait3A = arith.constant 10000 : i32
        %dma_wait3A_100 = arith.constant 0 : i32
        %dma_wait3A_101 = tpu.memref_slice %arg42[%dma_wait3A, %dma_wait3A_100] : memref<10112x128xf32, #tpu.memory_space<vmem_shared>> -> memref<112x128xf32, #tpu.memory_space<vmem_shared>>
        %dma_wait3A_102 = arith.constant 0 : i32
        %dma_wait3A_103 = arith.constant 0 : i32
        %dma_wait3A_104 = tpu.memref_slice %arg4[%dma_wait3A_102, %dma_wait3A_103] : memref<632x128xf32, #tpu.memory_space<hbm>> -> memref<112x128xf32, #tpu.memory_space<hbm>>
        tpu.wait_dma2 semaphore(%run_scoped3A : memref<!tpu.dma_semaphore, #tpu.memory_space<semaphore_mem>>) src(%dma_wait3A_104 : memref<112x128xf32, #tpu.memory_space<hbm>>) dst(%dma_wait3A_101 : memref<112x128xf32, #tpu.memory_space<vmem_shared>>)
        tpu.yield
      }) : () -> ()
    } else {
    }
    %eq3A_21 = arith.constant 1 : i32
    %eq3A_22 = arith.cmpi eq, %arg0, %eq3A_21 : i32
    %convert_element_type3A_23 = arith.extui %eq3A_22 : i1 to i32
    %cond3A_24 = arith.constant 0 : i32
    %cond3A_25 = arith.cmpi ne, %convert_element_type3A_23, %cond3A_24 : i32
    scf.if %cond3A_25 {
      %mul3A_95 = arith.constant 632 : i32
      %mul3A_96 = arith.muli %arg1, %mul3A_95 : i32
      "tpu.region"() ({
        %run_scoped3A = tpu.sem_alloc : memref<!tpu.dma_semaphore, #tpu.memory_space<semaphore_mem>>
        %dma_start3A = arith.constant 0 : i32
        %dma_start3A_97 = tpu.memref_slice %arg42[%mul3A_96, %dma_start3A] : memref<10112x128xf32, #tpu.memory_space<vmem_shared>> -> memref<632x128xf32, #tpu.memory_space<vmem_shared>>
        tpu.enqueue_dma source(%arg4 : memref<632x128xf32, #tpu.memory_space<hbm>>) target(%dma_start3A_97 : memref<632x128xf32, #tpu.memory_space<vmem_shared>>) target_semaphore(%run_scoped3A : memref<!tpu.dma_semaphore, #tpu.memory_space<semaphore_mem>>)
        %dma_wait3A = arith.constant 0 : i32
        %dma_wait3A_98 = tpu.memref_slice %arg42[%mul3A_96, %dma_wait3A] : memref<10112x128xf32, #tpu.memory_space<vmem_shared>> -> memref<632x128xf32, #tpu.memory_space<vmem_shared>>
        tpu.wait_dma2 semaphore(%run_scoped3A : memref<!tpu.dma_semaphore, #tpu.memory_space<semaphore_mem>>) src(%arg4 : memref<632x128xf32, #tpu.memory_space<hbm>>) dst(%dma_wait3A_98 : memref<632x128xf32, #tpu.memory_space<vmem_shared>>)
        tpu.yield
      }) : () -> ()
    } else {
    }
    %barrier3A = arith.constant 0 : index
    tpu.barrier barrier_id(%barrier3A)
    %gt3A = arith.constant 0 : i32
    %gt3A_26 = arith.cmpi sgt, %min3A_3, %gt3A : i32
    %convert_element_type3A_27 = arith.extui %gt3A_26 : i1 to i32
    %cond3A_28 = arith.constant 0 : i32
    %cond3A_29 = arith.cmpi ne, %convert_element_type3A_27, %cond3A_28 : i32
    scf.if %cond3A_29 {
      %add3A_95 = arith.constant 0 : i32
      %add3A_96 = arith.addi %mul3A_9, %add3A_95 : i32
      %dma_start3A = tpu.memref_slice %arg3[%add3A_96] : memref<640000xi32, #tpu.memory_space<hbm>> -> memref<64xi32, #tpu.memory_space<hbm>>
      %dma_start3A_97 = tpu.memref_slice %arg3[%add3A_96] : memref<640000xi32, #tpu.memory_space<hbm>> -> memref<64xi32, #tpu.memory_space<hbm>>
      tpu.enqueue_dma source(%dma_start3A_97 : memref<64xi32, #tpu.memory_space<hbm>>) target(%arg6 : memref<64xi32, #tpu.memory_space<vmem>>) target_semaphore(%arg26 : memref<!tpu.dma_semaphore, #tpu.memory_space<semaphore_mem>>)
      %add3A_98 = arith.constant 320000 : i32
      %add3A_99 = arith.addi %add3A_98, %add3A_96 : i32
      %dma_start3A_100 = tpu.memref_slice %arg3[%add3A_99] : memref<640000xi32, #tpu.memory_space<hbm>> -> memref<64xi32, #tpu.memory_space<hbm>>
      %dma_start3A_101 = tpu.memref_slice %arg3[%add3A_99] : memref<640000xi32, #tpu.memory_space<hbm>> -> memref<64xi32, #tpu.memory_space<hbm>>
      tpu.enqueue_dma source(%dma_start3A_101 : memref<64xi32, #tpu.memory_space<hbm>>) target(%arg14 : memref<64xi32, #tpu.memory_space<vmem>>) target_semaphore(%arg26 : memref<!tpu.dma_semaphore, #tpu.memory_space<semaphore_mem>>)
    } else {
    }
    %gt3A_30 = arith.constant 1 : i32
    %gt3A_31 = arith.cmpi sgt, %min3A_3, %gt3A_30 : i32
    %convert_element_type3A_32 = arith.extui %gt3A_31 : i1 to i32
    %cond3A_33 = arith.constant 0 : i32
    %cond3A_34 = arith.cmpi ne, %convert_element_type3A_32, %cond3A_33 : i32
    scf.if %cond3A_34 {
      %add3A_95 = arith.constant 64 : i32
      %add3A_96 = arith.addi %mul3A_9, %add3A_95 : i32
      %dma_start3A = tpu.memref_slice %arg3[%add3A_96] : memref<640000xi32, #tpu.memory_space<hbm>> -> memref<64xi32, #tpu.memory_space<hbm>>
      %dma_start3A_97 = tpu.memref_slice %arg3[%add3A_96] : memref<640000xi32, #tpu.memory_space<hbm>> -> memref<64xi32, #tpu.memory_space<hbm>>
      tpu.enqueue_dma source(%dma_start3A_97 : memref<64xi32, #tpu.memory_space<hbm>>) target(%arg7 : memref<64xi32, #tpu.memory_space<vmem>>) target_semaphore(%arg27 : memref<!tpu.dma_semaphore, #tpu.memory_space<semaphore_mem>>)
      %add3A_98 = arith.constant 320000 : i32
      %add3A_99 = arith.addi %add3A_98, %add3A_96 : i32
      %dma_start3A_100 = tpu.memref_slice %arg3[%add3A_99] : memref<640000xi32, #tpu.memory_space<hbm>> -> memref<64xi32, #tpu.memory_space<hbm>>
      %dma_start3A_101 = tpu.memref_slice %arg3[%add3A_99] : memref<640000xi32, #tpu.memory_space<hbm>> -> memref<64xi32, #tpu.memory_space<hbm>>
      tpu.enqueue_dma source(%dma_start3A_101 : memref<64xi32, #tpu.memory_space<hbm>>) target(%arg15 : memref<64xi32, #tpu.memory_space<vmem>>) target_semaphore(%arg27 : memref<!tpu.dma_semaphore, #tpu.memory_space<semaphore_mem>>)
    } else {
    }
    %gt3A_35 = arith.constant 2 : i32
    %gt3A_36 = arith.cmpi sgt, %min3A_3, %gt3A_35 : i32
    %convert_element_type3A_37 = arith.extui %gt3A_36 : i1 to i32
    %cond3A_38 = arith.constant 0 : i32
    %cond3A_39 = arith.cmpi ne, %convert_element_type3A_37, %cond3A_38 : i32
    scf.if %cond3A_39 {
      %add3A_95 = arith.constant 128 : i32
      %add3A_96 = arith.addi %mul3A_9, %add3A_95 : i32
      %dma_start3A = tpu.memref_slice %arg3[%add3A_96] : memref<640000xi32, #tpu.memory_space<hbm>> -> memref<64xi32, #tpu.memory_space<hbm>>
      %dma_start3A_97 = tpu.memref_slice %arg3[%add3A_96] : memref<640000xi32, #tpu.memory_space<hbm>> -> memref<64xi32, #tpu.memory_space<hbm>>
      tpu.enqueue_dma source(%dma_start3A_97 : memref<64xi32, #tpu.memory_space<hbm>>) target(%arg8 : memref<64xi32, #tpu.memory_space<vmem>>) target_semaphore(%arg28 : memref<!tpu.dma_semaphore, #tpu.memory_space<semaphore_mem>>)
      %add3A_98 = arith.constant 320000 : i32
      %add3A_99 = arith.addi %add3A_98, %add3A_96 : i32
      %dma_start3A_100 = tpu.memref_slice %arg3[%add3A_99] : memref<640000xi32, #tpu.memory_space<hbm>> -> memref<64xi32, #tpu.memory_space<hbm>>
      %dma_start3A_101 = tpu.memref_slice %arg3[%add3A_99] : memref<640000xi32, #tpu.memory_space<hbm>> -> memref<64xi32, #tpu.memory_space<hbm>>
      tpu.enqueue_dma source(%dma_start3A_101 : memref<64xi32, #tpu.memory_space<hbm>>) target(%arg16 : memref<64xi32, #tpu.memory_space<vmem>>) target_semaphore(%arg28 : memref<!tpu.dma_semaphore, #tpu.memory_space<semaphore_mem>>)
    } else {
    }
    %gt3A_40 = arith.constant 3 : i32
    %gt3A_41 = arith.cmpi sgt, %min3A_3, %gt3A_40 : i32
    %convert_element_type3A_42 = arith.extui %gt3A_41 : i1 to i32
    %cond3A_43 = arith.constant 0 : i32
    %cond3A_44 = arith.cmpi ne, %convert_element_type3A_42, %cond3A_43 : i32
    scf.if %cond3A_44 {
      %add3A_95 = arith.constant 192 : i32
      %add3A_96 = arith.addi %mul3A_9, %add3A_95 : i32
      %dma_start3A = tpu.memref_slice %arg3[%add3A_96] : memref<640000xi32, #tpu.memory_space<hbm>> -> memref<64xi32, #tpu.memory_space<hbm>>
      %dma_start3A_97 = tpu.memref_slice %arg3[%add3A_96] : memref<640000xi32, #tpu.memory_space<hbm>> -> memref<64xi32, #tpu.memory_space<hbm>>
      tpu.enqueue_dma source(%dma_start3A_97 : memref<64xi32, #tpu.memory_space<hbm>>) target(%arg9 : memref<64xi32, #tpu.memory_space<vmem>>) target_semaphore(%arg29 : memref<!tpu.dma_semaphore, #tpu.memory_space<semaphore_mem>>)
      %add3A_98 = arith.constant 320000 : i32
      %add3A_99 = arith.addi %add3A_98, %add3A_96 : i32
      %dma_start3A_100 = tpu.memref_slice %arg3[%add3A_99] : memref<640000xi32, #tpu.memory_space<hbm>> -> memref<64xi32, #tpu.memory_space<hbm>>
      %dma_start3A_101 = tpu.memref_slice %arg3[%add3A_99] : memref<640000xi32, #tpu.memory_space<hbm>> -> memref<64xi32, #tpu.memory_space<hbm>>
      tpu.enqueue_dma source(%dma_start3A_101 : memref<64xi32, #tpu.memory_space<hbm>>) target(%arg17 : memref<64xi32, #tpu.memory_space<vmem>>) target_semaphore(%arg29 : memref<!tpu.dma_semaphore, #tpu.memory_space<semaphore_mem>>)
    } else {
    }
    %gt3A_45 = arith.constant 4 : i32
    %gt3A_46 = arith.cmpi sgt, %min3A_3, %gt3A_45 : i32
    %convert_element_type3A_47 = arith.extui %gt3A_46 : i1 to i32
    %cond3A_48 = arith.constant 0 : i32
    %cond3A_49 = arith.cmpi ne, %convert_element_type3A_47, %cond3A_48 : i32
    scf.if %cond3A_49 {
      %add3A_95 = arith.constant 256 : i32
      %add3A_96 = arith.addi %mul3A_9, %add3A_95 : i32
      %dma_start3A = tpu.memref_slice %arg3[%add3A_96] : memref<640000xi32, #tpu.memory_space<hbm>> -> memref<64xi32, #tpu.memory_space<hbm>>
      %dma_start3A_97 = tpu.memref_slice %arg3[%add3A_96] : memref<640000xi32, #tpu.memory_space<hbm>> -> memref<64xi32, #tpu.memory_space<hbm>>
      tpu.enqueue_dma source(%dma_start3A_97 : memref<64xi32, #tpu.memory_space<hbm>>) target(%arg10 : memref<64xi32, #tpu.memory_space<vmem>>) target_semaphore(%arg30 : memref<!tpu.dma_semaphore, #tpu.memory_space<semaphore_mem>>)
      %add3A_98 = arith.constant 320000 : i32
      %add3A_99 = arith.addi %add3A_98, %add3A_96 : i32
      %dma_start3A_100 = tpu.memref_slice %arg3[%add3A_99] : memref<640000xi32, #tpu.memory_space<hbm>> -> memref<64xi32, #tpu.memory_space<hbm>>
      %dma_start3A_101 = tpu.memref_slice %arg3[%add3A_99] : memref<640000xi32, #tpu.memory_space<hbm>> -> memref<64xi32, #tpu.memory_space<hbm>>
      tpu.enqueue_dma source(%dma_start3A_101 : memref<64xi32, #tpu.memory_space<hbm>>) target(%arg18 : memref<64xi32, #tpu.memory_space<vmem>>) target_semaphore(%arg30 : memref<!tpu.dma_semaphore, #tpu.memory_space<semaphore_mem>>)
    } else {
    }
    %gt3A_50 = arith.constant 5 : i32
    %gt3A_51 = arith.cmpi sgt, %min3A_3, %gt3A_50 : i32
    %convert_element_type3A_52 = arith.extui %gt3A_51 : i1 to i32
    %cond3A_53 = arith.constant 0 : i32
    %cond3A_54 = arith.cmpi ne, %convert_element_type3A_52, %cond3A_53 : i32
    scf.if %cond3A_54 {
      %add3A_95 = arith.constant 320 : i32
      %add3A_96 = arith.addi %mul3A_9, %add3A_95 : i32
      %dma_start3A = tpu.memref_slice %arg3[%add3A_96] : memref<640000xi32, #tpu.memory_space<hbm>> -> memref<64xi32, #tpu.memory_space<hbm>>
      %dma_start3A_97 = tpu.memref_slice %arg3[%add3A_96] : memref<640000xi32, #tpu.memory_space<hbm>> -> memref<64xi32, #tpu.memory_space<hbm>>
      tpu.enqueue_dma source(%dma_start3A_97 : memref<64xi32, #tpu.memory_space<hbm>>) target(%arg11 : memref<64xi32, #tpu.memory_space<vmem>>) target_semaphore(%arg31 : memref<!tpu.dma_semaphore, #tpu.memory_space<semaphore_mem>>)
      %add3A_98 = arith.constant 320000 : i32
      %add3A_99 = arith.addi %add3A_98, %add3A_96 : i32
      %dma_start3A_100 = tpu.memref_slice %arg3[%add3A_99] : memref<640000xi32, #tpu.memory_space<hbm>> -> memref<64xi32, #tpu.memory_space<hbm>>
      %dma_start3A_101 = tpu.memref_slice %arg3[%add3A_99] : memref<640000xi32, #tpu.memory_space<hbm>> -> memref<64xi32, #tpu.memory_space<hbm>>
      tpu.enqueue_dma source(%dma_start3A_101 : memref<64xi32, #tpu.memory_space<hbm>>) target(%arg19 : memref<64xi32, #tpu.memory_space<vmem>>) target_semaphore(%arg31 : memref<!tpu.dma_semaphore, #tpu.memory_space<semaphore_mem>>)
    } else {
    }
    %gt3A_55 = arith.constant 6 : i32
    %gt3A_56 = arith.cmpi sgt, %min3A_3, %gt3A_55 : i32
    %convert_element_type3A_57 = arith.extui %gt3A_56 : i1 to i32
    %cond3A_58 = arith.constant 0 : i32
    %cond3A_59 = arith.cmpi ne, %convert_element_type3A_57, %cond3A_58 : i32
    scf.if %cond3A_59 {
      %add3A_95 = arith.constant 384 : i32
      %add3A_96 = arith.addi %mul3A_9, %add3A_95 : i32
      %dma_start3A = tpu.memref_slice %arg3[%add3A_96] : memref<640000xi32, #tpu.memory_space<hbm>> -> memref<64xi32, #tpu.memory_space<hbm>>
      %dma_start3A_97 = tpu.memref_slice %arg3[%add3A_96] : memref<640000xi32, #tpu.memory_space<hbm>> -> memref<64xi32, #tpu.memory_space<hbm>>
      tpu.enqueue_dma source(%dma_start3A_97 : memref<64xi32, #tpu.memory_space<hbm>>) target(%arg12 : memref<64xi32, #tpu.memory_space<vmem>>) target_semaphore(%arg32 : memref<!tpu.dma_semaphore, #tpu.memory_space<semaphore_mem>>)
      %add3A_98 = arith.constant 320000 : i32
      %add3A_99 = arith.addi %add3A_98, %add3A_96 : i32
      %dma_start3A_100 = tpu.memref_slice %arg3[%add3A_99] : memref<640000xi32, #tpu.memory_space<hbm>> -> memref<64xi32, #tpu.memory_space<hbm>>
      %dma_start3A_101 = tpu.memref_slice %arg3[%add3A_99] : memref<640000xi32, #tpu.memory_space<hbm>> -> memref<64xi32, #tpu.memory_space<hbm>>
      tpu.enqueue_dma source(%dma_start3A_101 : memref<64xi32, #tpu.memory_space<hbm>>) target(%arg20 : memref<64xi32, #tpu.memory_space<vmem>>) target_semaphore(%arg32 : memref<!tpu.dma_semaphore, #tpu.memory_space<semaphore_mem>>)
    } else {
    }
    %gt3A_60 = arith.constant 7 : i32
    %gt3A_61 = arith.cmpi sgt, %min3A_3, %gt3A_60 : i32
    %convert_element_type3A_62 = arith.extui %gt3A_61 : i1 to i32
    %cond3A_63 = arith.constant 0 : i32
    %cond3A_64 = arith.cmpi ne, %convert_element_type3A_62, %cond3A_63 : i32
    scf.if %cond3A_64 {
      %add3A_95 = arith.constant 448 : i32
      %add3A_96 = arith.addi %mul3A_9, %add3A_95 : i32
      %dma_start3A = tpu.memref_slice %arg3[%add3A_96] : memref<640000xi32, #tpu.memory_space<hbm>> -> memref<64xi32, #tpu.memory_space<hbm>>
      %dma_start3A_97 = tpu.memref_slice %arg3[%add3A_96] : memref<640000xi32, #tpu.memory_space<hbm>> -> memref<64xi32, #tpu.memory_space<hbm>>
      tpu.enqueue_dma source(%dma_start3A_97 : memref<64xi32, #tpu.memory_space<hbm>>) target(%arg13 : memref<64xi32, #tpu.memory_space<vmem>>) target_semaphore(%arg33 : memref<!tpu.dma_semaphore, #tpu.memory_space<semaphore_mem>>)
      %add3A_98 = arith.constant 320000 : i32
      %add3A_99 = arith.addi %add3A_98, %add3A_96 : i32
      %dma_start3A_100 = tpu.memref_slice %arg3[%add3A_99] : memref<640000xi32, #tpu.memory_space<hbm>> -> memref<64xi32, #tpu.memory_space<hbm>>
      %dma_start3A_101 = tpu.memref_slice %arg3[%add3A_99] : memref<640000xi32, #tpu.memory_space<hbm>> -> memref<64xi32, #tpu.memory_space<hbm>>
      tpu.enqueue_dma source(%dma_start3A_101 : memref<64xi32, #tpu.memory_space<hbm>>) target(%arg21 : memref<64xi32, #tpu.memory_space<vmem>>) target_semaphore(%arg33 : memref<!tpu.dma_semaphore, #tpu.memory_space<semaphore_mem>>)
    } else {
    }
    %gt3A_65 = arith.constant 0 : i32
    %gt3A_66 = arith.cmpi sgt, %min3A_3, %gt3A_65 : i32
    %convert_element_type3A_67 = arith.extui %gt3A_66 : i1 to i32
    %cond3A_68 = arith.constant 0 : i32
    %cond3A_69 = arith.cmpi ne, %convert_element_type3A_67, %cond3A_68 : i32
    scf.if %cond3A_69 {
      %dma_wait3A = arith.constant 0 : i32
      %dma_wait3A_95 = tpu.memref_slice %arg3[%dma_wait3A] : memref<640000xi32, #tpu.memory_space<hbm>> -> memref<64xi32, #tpu.memory_space<hbm>>
      %dma_wait3A_96 = arith.constant 0 : i32
      %dma_wait3A_97 = tpu.memref_slice %arg3[%dma_wait3A_96] : memref<640000xi32, #tpu.memory_space<hbm>> -> memref<64xi32, #tpu.memory_space<hbm>>
      tpu.wait_dma2 semaphore(%arg26 : memref<!tpu.dma_semaphore, #tpu.memory_space<semaphore_mem>>) src(%dma_wait3A_97 : memref<64xi32, #tpu.memory_space<hbm>>) dst(%arg6 : memref<64xi32, #tpu.memory_space<vmem>>)
      %dma_wait3A_98 = arith.constant 0 : i32
      %dma_wait3A_99 = tpu.memref_slice %arg3[%dma_wait3A_98] : memref<640000xi32, #tpu.memory_space<hbm>> -> memref<64xi32, #tpu.memory_space<hbm>>
      %dma_wait3A_100 = arith.constant 0 : i32
      %dma_wait3A_101 = tpu.memref_slice %arg3[%dma_wait3A_100] : memref<640000xi32, #tpu.memory_space<hbm>> -> memref<64xi32, #tpu.memory_space<hbm>>
      tpu.wait_dma2 semaphore(%arg26 : memref<!tpu.dma_semaphore, #tpu.memory_space<semaphore_mem>>) src(%dma_wait3A_101 : memref<64xi32, #tpu.memory_space<hbm>>) dst(%arg14 : memref<64xi32, #tpu.memory_space<vmem>>)
      %dma_start3A = arith.constant 0 : i32
      %dma_start3A_102 = arith.constant 0 : i32
      %dma_start3A_103 = tpu.memref_slice %arg2[%dma_start3A, %dma_start3A_102] : memref<10000x128xf32, #tpu.memory_space<hbm>> -> memref<10000x128xf32, #tpu.memory_space<hbm>>
      tpu.enqueue_indirect_dma source(%dma_start3A_103 : memref<10000x128xf32, #tpu.memory_space<hbm>>) target(%arg22 : memref<64x128xf32, #tpu.memory_space<vmem>>) offsets(%arg6 : memref<64xi32, #tpu.memory_space<vmem>>) semaphore(%arg34 : memref<!tpu.dma_semaphore, #tpu.memory_space<semaphore_mem>>)
    } else {
    }
    %gt3A_70 = arith.constant 1 : i32
    %gt3A_71 = arith.cmpi sgt, %min3A_3, %gt3A_70 : i32
    %convert_element_type3A_72 = arith.extui %gt3A_71 : i1 to i32
    %cond3A_73 = arith.constant 0 : i32
    %cond3A_74 = arith.cmpi ne, %convert_element_type3A_72, %cond3A_73 : i32
    scf.if %cond3A_74 {
      %dma_wait3A = arith.constant 0 : i32
      %dma_wait3A_95 = tpu.memref_slice %arg3[%dma_wait3A] : memref<640000xi32, #tpu.memory_space<hbm>> -> memref<64xi32, #tpu.memory_space<hbm>>
      %dma_wait3A_96 = arith.constant 0 : i32
      %dma_wait3A_97 = tpu.memref_slice %arg3[%dma_wait3A_96] : memref<640000xi32, #tpu.memory_space<hbm>> -> memref<64xi32, #tpu.memory_space<hbm>>
      tpu.wait_dma2 semaphore(%arg27 : memref<!tpu.dma_semaphore, #tpu.memory_space<semaphore_mem>>) src(%dma_wait3A_97 : memref<64xi32, #tpu.memory_space<hbm>>) dst(%arg7 : memref<64xi32, #tpu.memory_space<vmem>>)
      %dma_wait3A_98 = arith.constant 0 : i32
      %dma_wait3A_99 = tpu.memref_slice %arg3[%dma_wait3A_98] : memref<640000xi32, #tpu.memory_space<hbm>> -> memref<64xi32, #tpu.memory_space<hbm>>
      %dma_wait3A_100 = arith.constant 0 : i32
      %dma_wait3A_101 = tpu.memref_slice %arg3[%dma_wait3A_100] : memref<640000xi32, #tpu.memory_space<hbm>> -> memref<64xi32, #tpu.memory_space<hbm>>
      tpu.wait_dma2 semaphore(%arg27 : memref<!tpu.dma_semaphore, #tpu.memory_space<semaphore_mem>>) src(%dma_wait3A_101 : memref<64xi32, #tpu.memory_space<hbm>>) dst(%arg15 : memref<64xi32, #tpu.memory_space<vmem>>)
      %dma_start3A = arith.constant 0 : i32
      %dma_start3A_102 = arith.constant 0 : i32
      %dma_start3A_103 = tpu.memref_slice %arg2[%dma_start3A, %dma_start3A_102] : memref<10000x128xf32, #tpu.memory_space<hbm>> -> memref<10000x128xf32, #tpu.memory_space<hbm>>
      tpu.enqueue_indirect_dma source(%dma_start3A_103 : memref<10000x128xf32, #tpu.memory_space<hbm>>) target(%arg23 : memref<64x128xf32, #tpu.memory_space<vmem>>) offsets(%arg7 : memref<64xi32, #tpu.memory_space<vmem>>) semaphore(%arg35 : memref<!tpu.dma_semaphore, #tpu.memory_space<semaphore_mem>>)
    } else {
    }
    %gt3A_75 = arith.constant 2 : i32
    %gt3A_76 = arith.cmpi sgt, %min3A_3, %gt3A_75 : i32
    %convert_element_type3A_77 = arith.extui %gt3A_76 : i1 to i32
    %cond3A_78 = arith.constant 0 : i32
    %cond3A_79 = arith.cmpi ne, %convert_element_type3A_77, %cond3A_78 : i32
    scf.if %cond3A_79 {
      %dma_wait3A = arith.constant 0 : i32
      %dma_wait3A_95 = tpu.memref_slice %arg3[%dma_wait3A] : memref<640000xi32, #tpu.memory_space<hbm>> -> memref<64xi32, #tpu.memory_space<hbm>>
      %dma_wait3A_96 = arith.constant 0 : i32
      %dma_wait3A_97 = tpu.memref_slice %arg3[%dma_wait3A_96] : memref<640000xi32, #tpu.memory_space<hbm>> -> memref<64xi32, #tpu.memory_space<hbm>>
      tpu.wait_dma2 semaphore(%arg28 : memref<!tpu.dma_semaphore, #tpu.memory_space<semaphore_mem>>) src(%dma_wait3A_97 : memref<64xi32, #tpu.memory_space<hbm>>) dst(%arg8 : memref<64xi32, #tpu.memory_space<vmem>>)
      %dma_wait3A_98 = arith.constant 0 : i32
      %dma_wait3A_99 = tpu.memref_slice %arg3[%dma_wait3A_98] : memref<640000xi32, #tpu.memory_space<hbm>> -> memref<64xi32, #tpu.memory_space<hbm>>
      %dma_wait3A_100 = arith.constant 0 : i32
      %dma_wait3A_101 = tpu.memref_slice %arg3[%dma_wait3A_100] : memref<640000xi32, #tpu.memory_space<hbm>> -> memref<64xi32, #tpu.memory_space<hbm>>
      tpu.wait_dma2 semaphore(%arg28 : memref<!tpu.dma_semaphore, #tpu.memory_space<semaphore_mem>>) src(%dma_wait3A_101 : memref<64xi32, #tpu.memory_space<hbm>>) dst(%arg16 : memref<64xi32, #tpu.memory_space<vmem>>)
      %dma_start3A = arith.constant 0 : i32
      %dma_start3A_102 = arith.constant 0 : i32
      %dma_start3A_103 = tpu.memref_slice %arg2[%dma_start3A, %dma_start3A_102] : memref<10000x128xf32, #tpu.memory_space<hbm>> -> memref<10000x128xf32, #tpu.memory_space<hbm>>
      tpu.enqueue_indirect_dma source(%dma_start3A_103 : memref<10000x128xf32, #tpu.memory_space<hbm>>) target(%arg24 : memref<64x128xf32, #tpu.memory_space<vmem>>) offsets(%arg8 : memref<64xi32, #tpu.memory_space<vmem>>) semaphore(%arg36 : memref<!tpu.dma_semaphore, #tpu.memory_space<semaphore_mem>>)
    } else {
    }
    %gt3A_80 = arith.constant 3 : i32
    %gt3A_81 = arith.cmpi sgt, %min3A_3, %gt3A_80 : i32
    %convert_element_type3A_82 = arith.extui %gt3A_81 : i1 to i32
    %cond3A_83 = arith.constant 0 : i32
    %cond3A_84 = arith.cmpi ne, %convert_element_type3A_82, %cond3A_83 : i32
    scf.if %cond3A_84 {
      %dma_wait3A = arith.constant 0 : i32
      %dma_wait3A_95 = tpu.memref_slice %arg3[%dma_wait3A] : memref<640000xi32, #tpu.memory_space<hbm>> -> memref<64xi32, #tpu.memory_space<hbm>>
      %dma_wait3A_96 = arith.constant 0 : i32
      %dma_wait3A_97 = tpu.memref_slice %arg3[%dma_wait3A_96] : memref<640000xi32, #tpu.memory_space<hbm>> -> memref<64xi32, #tpu.memory_space<hbm>>
      tpu.wait_dma2 semaphore(%arg29 : memref<!tpu.dma_semaphore, #tpu.memory_space<semaphore_mem>>) src(%dma_wait3A_97 : memref<64xi32, #tpu.memory_space<hbm>>) dst(%arg9 : memref<64xi32, #tpu.memory_space<vmem>>)
      %dma_wait3A_98 = arith.constant 0 : i32
      %dma_wait3A_99 = tpu.memref_slice %arg3[%dma_wait3A_98] : memref<640000xi32, #tpu.memory_space<hbm>> -> memref<64xi32, #tpu.memory_space<hbm>>
      %dma_wait3A_100 = arith.constant 0 : i32
      %dma_wait3A_101 = tpu.memref_slice %arg3[%dma_wait3A_100] : memref<640000xi32, #tpu.memory_space<hbm>> -> memref<64xi32, #tpu.memory_space<hbm>>
      tpu.wait_dma2 semaphore(%arg29 : memref<!tpu.dma_semaphore, #tpu.memory_space<semaphore_mem>>) src(%dma_wait3A_101 : memref<64xi32, #tpu.memory_space<hbm>>) dst(%arg17 : memref<64xi32, #tpu.memory_space<vmem>>)
      %dma_start3A = arith.constant 0 : i32
      %dma_start3A_102 = arith.constant 0 : i32
      %dma_start3A_103 = tpu.memref_slice %arg2[%dma_start3A, %dma_start3A_102] : memref<10000x128xf32, #tpu.memory_space<hbm>> -> memref<10000x128xf32, #tpu.memory_space<hbm>>
      tpu.enqueue_indirect_dma source(%dma_start3A_103 : memref<10000x128xf32, #tpu.memory_space<hbm>>) target(%arg25 : memref<64x128xf32, #tpu.memory_space<vmem>>) offsets(%arg9 : memref<64xi32, #tpu.memory_space<vmem>>) semaphore(%arg37 : memref<!tpu.dma_semaphore, #tpu.memory_space<semaphore_mem>>)
    } else {
    }
    %scan3A = arith.constant 0 : i32
    %scan3A_85 = arith.constant 0 : i32
    %scan3A_86 = arith.constant 20 : i32
    %scan3A_87 = arith.addi %scan3A_85, %scan3A_86 : i32
    %scan3A_88 = arith.constant 1 : i32
    scf.for %scan3A_95 = %scan3A_85 to %scan3A_87 step %scan3A_88  : i32 {
      %mul3A_96 = arith.constant 8 : i32
      %mul3A_97 = arith.muli %scan3A_95, %mul3A_96 : i32
      %add3A_98 = arith.constant 0 : i32
      %add3A_99 = arith.addi %mul3A_97, %add3A_98 : i32
      %lt3A_100 = arith.cmpi slt, %add3A_99, %min3A_3 : i32
      %convert_element_type3A_101 = arith.extui %lt3A_100 : i1 to i32
      %cond3A_102 = arith.constant 0 : i32
      %cond3A_103 = arith.cmpi ne, %convert_element_type3A_101, %cond3A_102 : i32
      scf.if %cond3A_103 {
        %dma_wait3A = arith.constant 0 : i32
        %dma_wait3A_319 = arith.constant 0 : i32
        %dma_wait3A_320 = tpu.memref_slice %arg2[%dma_wait3A, %dma_wait3A_319] : memref<10000x128xf32, #tpu.memory_space<hbm>> -> memref<64x128xf32, #tpu.memory_space<hbm>>
        %dma_wait3A_321 = arith.constant 0 : i32
        %dma_wait3A_322 = arith.constant 0 : i32
        %dma_wait3A_323 = tpu.memref_slice %arg2[%dma_wait3A_321, %dma_wait3A_322] : memref<10000x128xf32, #tpu.memory_space<hbm>> -> memref<64x128xf32, #tpu.memory_space<hbm>>
        tpu.wait_dma2 semaphore(%arg34 : memref<!tpu.dma_semaphore, #tpu.memory_space<semaphore_mem>>) src(%dma_wait3A_323 : memref<64x128xf32, #tpu.memory_space<hbm>>) dst(%arg22 : memref<64x128xf32, #tpu.memory_space<vmem>>)
        %dma_start3A = arith.constant 0 : i32
        %dma_start3A_324 = arith.constant 0 : i32
        %dma_start3A_325 = tpu.memref_slice %arg42[%dma_start3A, %dma_start3A_324] : memref<10112x128xf32, #tpu.memory_space<vmem_shared>> -> memref<10112x128xf32, #tpu.memory_space<vmem_shared>>
        tpu.enqueue_indirect_dma source(%arg22 : memref<64x128xf32, #tpu.memory_space<vmem>>) target(%dma_start3A_325 : memref<10112x128xf32, #tpu.memory_space<vmem_shared>>) offsets(%arg14 : memref<64xi32, #tpu.memory_space<vmem>>) semaphore(%arg38 : memref<!tpu.dma_semaphore, #tpu.memory_space<semaphore_mem>>) {add = true}
      } else {
      }
      %add3A_104 = arith.constant 4 : i32
      %add3A_105 = arith.addi %add3A_99, %add3A_104 : i32
      %lt3A_106 = arith.cmpi slt, %add3A_105, %min3A_3 : i32
      %convert_element_type3A_107 = arith.extui %lt3A_106 : i1 to i32
      %cond3A_108 = arith.constant 0 : i32
      %cond3A_109 = arith.cmpi ne, %convert_element_type3A_107, %cond3A_108 : i32
      scf.if %cond3A_109 {
        %dma_wait3A = arith.constant 0 : i32
        %dma_wait3A_319 = arith.constant 0 : i32
        %dma_wait3A_320 = tpu.memref_slice %arg42[%dma_wait3A, %dma_wait3A_319] : memref<10112x128xf32, #tpu.memory_space<vmem_shared>> -> memref<10112x128xf32, #tpu.memory_space<vmem_shared>>
        tpu.wait_indirect_dma semaphore(%arg38 : memref<!tpu.dma_semaphore, #tpu.memory_space<semaphore_mem>>) src(%arg22 : memref<64x128xf32, #tpu.memory_space<vmem>>) dst(%dma_wait3A_320 : memref<10112x128xf32, #tpu.memory_space<vmem_shared>>)
        %dma_wait3A_321 = arith.constant 0 : i32
        %dma_wait3A_322 = tpu.memref_slice %arg3[%dma_wait3A_321] : memref<640000xi32, #tpu.memory_space<hbm>> -> memref<64xi32, #tpu.memory_space<hbm>>
        %dma_wait3A_323 = arith.constant 0 : i32
        %dma_wait3A_324 = tpu.memref_slice %arg3[%dma_wait3A_323] : memref<640000xi32, #tpu.memory_space<hbm>> -> memref<64xi32, #tpu.memory_space<hbm>>
        tpu.wait_dma2 semaphore(%arg30 : memref<!tpu.dma_semaphore, #tpu.memory_space<semaphore_mem>>) src(%dma_wait3A_324 : memref<64xi32, #tpu.memory_space<hbm>>) dst(%arg10 : memref<64xi32, #tpu.memory_space<vmem>>)
        %dma_wait3A_325 = arith.constant 0 : i32
        %dma_wait3A_326 = tpu.memref_slice %arg3[%dma_wait3A_325] : memref<640000xi32, #tpu.memory_space<hbm>> -> memref<64xi32, #tpu.memory_space<hbm>>
        %dma_wait3A_327 = arith.constant 0 : i32
        %dma_wait3A_328 = tpu.memref_slice %arg3[%dma_wait3A_327] : memref<640000xi32, #tpu.memory_space<hbm>> -> memref<64xi32, #tpu.memory_space<hbm>>
        tpu.wait_dma2 semaphore(%arg30 : memref<!tpu.dma_semaphore, #tpu.memory_space<semaphore_mem>>) src(%dma_wait3A_328 : memref<64xi32, #tpu.memory_space<hbm>>) dst(%arg18 : memref<64xi32, #tpu.memory_space<vmem>>)
        %dma_start3A = arith.constant 0 : i32
        %dma_start3A_329 = arith.constant 0 : i32
        %dma_start3A_330 = tpu.memref_slice %arg2[%dma_start3A, %dma_start3A_329] : memref<10000x128xf32, #tpu.memory_space<hbm>> -> memref<10000x128xf32, #tpu.memory_space<hbm>>
        tpu.enqueue_indirect_dma source(%dma_start3A_330 : memref<10000x128xf32, #tpu.memory_space<hbm>>) target(%arg22 : memref<64x128xf32, #tpu.memory_space<vmem>>) offsets(%arg10 : memref<64xi32, #tpu.memory_space<vmem>>) semaphore(%arg34 : memref<!tpu.dma_semaphore, #tpu.memory_space<semaphore_mem>>)
      } else {
      }
      %add3A_110 = arith.constant 4 : i32
      %add3A_111 = arith.addi %add3A_99, %add3A_110 : i32
      %ge3A = arith.cmpi sge, %add3A_111, %min3A_3 : i32
      %lt3A_112 = arith.cmpi slt, %add3A_99, %min3A_3 : i32
      %and3A_113 = arith.andi %ge3A, %lt3A_112 : i1
      %convert_element_type3A_114 = arith.extui %and3A_113 : i1 to i32
      %cond3A_115 = arith.constant 0 : i32
      %cond3A_116 = arith.cmpi ne, %convert_element_type3A_114, %cond3A_115 : i32
      scf.if %cond3A_116 {
        %dma_wait3A = arith.constant 0 : i32
        %dma_wait3A_319 = arith.constant 0 : i32
        %dma_wait3A_320 = tpu.memref_slice %arg42[%dma_wait3A, %dma_wait3A_319] : memref<10112x128xf32, #tpu.memory_space<vmem_shared>> -> memref<10112x128xf32, #tpu.memory_space<vmem_shared>>
        tpu.wait_indirect_dma semaphore(%arg38 : memref<!tpu.dma_semaphore, #tpu.memory_space<semaphore_mem>>) src(%arg22 : memref<64x128xf32, #tpu.memory_space<vmem>>) dst(%dma_wait3A_320 : memref<10112x128xf32, #tpu.memory_space<vmem_shared>>)
      } else {
      }
      %add3A_117 = arith.constant 8 : i32
      %add3A_118 = arith.addi %add3A_99, %add3A_117 : i32
      %lt3A_119 = arith.cmpi slt, %add3A_118, %min3A_3 : i32
      %convert_element_type3A_120 = arith.extui %lt3A_119 : i1 to i32
      %cond3A_121 = arith.constant 0 : i32
      %cond3A_122 = arith.cmpi ne, %convert_element_type3A_120, %cond3A_121 : i32
      scf.if %cond3A_122 {
        %add3A_319 = arith.constant 8 : i32
        %add3A_320 = arith.addi %add3A_99, %add3A_319 : i32
        %mul3A_321 = arith.constant 64 : i32
        %mul3A_322 = arith.muli %add3A_320, %mul3A_321 : i32
        %add3A_323 = arith.addi %mul3A_9, %mul3A_322 : i32
        %dma_start3A = tpu.memref_slice %arg3[%add3A_323] : memref<640000xi32, #tpu.memory_space<hbm>> -> memref<64xi32, #tpu.memory_space<hbm>>
        %dma_start3A_324 = tpu.memref_slice %arg3[%add3A_323] : memref<640000xi32, #tpu.memory_space<hbm>> -> memref<64xi32, #tpu.memory_space<hbm>>
        tpu.enqueue_dma source(%dma_start3A_324 : memref<64xi32, #tpu.memory_space<hbm>>) target(%arg6 : memref<64xi32, #tpu.memory_space<vmem>>) target_semaphore(%arg26 : memref<!tpu.dma_semaphore, #tpu.memory_space<semaphore_mem>>)
        %add3A_325 = arith.constant 320000 : i32
        %add3A_326 = arith.addi %add3A_325, %add3A_323 : i32
        %dma_start3A_327 = tpu.memref_slice %arg3[%add3A_326] : memref<640000xi32, #tpu.memory_space<hbm>> -> memref<64xi32, #tpu.memory_space<hbm>>
        %dma_start3A_328 = tpu.memref_slice %arg3[%add3A_326] : memref<640000xi32, #tpu.memory_space<hbm>> -> memref<64xi32, #tpu.memory_space<hbm>>
        tpu.enqueue_dma source(%dma_start3A_328 : memref<64xi32, #tpu.memory_space<hbm>>) target(%arg14 : memref<64xi32, #tpu.memory_space<vmem>>) target_semaphore(%arg26 : memref<!tpu.dma_semaphore, #tpu.memory_space<semaphore_mem>>)
      } else {
      }
      %mul3A_123 = arith.constant 8 : i32
      %mul3A_124 = arith.muli %scan3A_95, %mul3A_123 : i32
      %add3A_125 = arith.constant 1 : i32
      %add3A_126 = arith.addi %mul3A_124, %add3A_125 : i32
      %lt3A_127 = arith.cmpi slt, %add3A_126, %min3A_3 : i32
      %convert_element_type3A_128 = arith.extui %lt3A_127 : i1 to i32
      %cond3A_129 = arith.constant 0 : i32
      %cond3A_130 = arith.cmpi ne, %convert_element_type3A_128, %cond3A_129 : i32
      scf.if %cond3A_130 {
        %dma_wait3A = arith.constant 0 : i32
        %dma_wait3A_319 = arith.constant 0 : i32
        %dma_wait3A_320 = tpu.memref_slice %arg2[%dma_wait3A, %dma_wait3A_319] : memref<10000x128xf32, #tpu.memory_space<hbm>> -> memref<64x128xf32, #tpu.memory_space<hbm>>
        %dma_wait3A_321 = arith.constant 0 : i32
        %dma_wait3A_322 = arith.constant 0 : i32
        %dma_wait3A_323 = tpu.memref_slice %arg2[%dma_wait3A_321, %dma_wait3A_322] : memref<10000x128xf32, #tpu.memory_space<hbm>> -> memref<64x128xf32, #tpu.memory_space<hbm>>
        tpu.wait_dma2 semaphore(%arg35 : memref<!tpu.dma_semaphore, #tpu.memory_space<semaphore_mem>>) src(%dma_wait3A_323 : memref<64x128xf32, #tpu.memory_space<hbm>>) dst(%arg23 : memref<64x128xf32, #tpu.memory_space<vmem>>)
        %dma_start3A = arith.constant 0 : i32
        %dma_start3A_324 = arith.constant 0 : i32
        %dma_start3A_325 = tpu.memref_slice %arg42[%dma_start3A, %dma_start3A_324] : memref<10112x128xf32, #tpu.memory_space<vmem_shared>> -> memref<10112x128xf32, #tpu.memory_space<vmem_shared>>
        tpu.enqueue_indirect_dma source(%arg23 : memref<64x128xf32, #tpu.memory_space<vmem>>) target(%dma_start3A_325 : memref<10112x128xf32, #tpu.memory_space<vmem_shared>>) offsets(%arg15 : memref<64xi32, #tpu.memory_space<vmem>>) semaphore(%arg39 : memref<!tpu.dma_semaphore, #tpu.memory_space<semaphore_mem>>) {add = true}
      } else {
      }
      %add3A_131 = arith.constant 4 : i32
      %add3A_132 = arith.addi %add3A_126, %add3A_131 : i32
      %lt3A_133 = arith.cmpi slt, %add3A_132, %min3A_3 : i32
      %convert_element_type3A_134 = arith.extui %lt3A_133 : i1 to i32
      %cond3A_135 = arith.constant 0 : i32
      %cond3A_136 = arith.cmpi ne, %convert_element_type3A_134, %cond3A_135 : i32
      scf.if %cond3A_136 {
        %dma_wait3A = arith.constant 0 : i32
        %dma_wait3A_319 = arith.constant 0 : i32
        %dma_wait3A_320 = tpu.memref_slice %arg42[%dma_wait3A, %dma_wait3A_319] : memref<10112x128xf32, #tpu.memory_space<vmem_shared>> -> memref<10112x128xf32, #tpu.memory_space<vmem_shared>>
        tpu.wait_indirect_dma semaphore(%arg39 : memref<!tpu.dma_semaphore, #tpu.memory_space<semaphore_mem>>) src(%arg23 : memref<64x128xf32, #tpu.memory_space<vmem>>) dst(%dma_wait3A_320 : memref<10112x128xf32, #tpu.memory_space<vmem_shared>>)
        %dma_wait3A_321 = arith.constant 0 : i32
        %dma_wait3A_322 = tpu.memref_slice %arg3[%dma_wait3A_321] : memref<640000xi32, #tpu.memory_space<hbm>> -> memref<64xi32, #tpu.memory_space<hbm>>
        %dma_wait3A_323 = arith.constant 0 : i32
        %dma_wait3A_324 = tpu.memref_slice %arg3[%dma_wait3A_323] : memref<640000xi32, #tpu.memory_space<hbm>> -> memref<64xi32, #tpu.memory_space<hbm>>
        tpu.wait_dma2 semaphore(%arg31 : memref<!tpu.dma_semaphore, #tpu.memory_space<semaphore_mem>>) src(%dma_wait3A_324 : memref<64xi32, #tpu.memory_space<hbm>>) dst(%arg11 : memref<64xi32, #tpu.memory_space<vmem>>)
        %dma_wait3A_325 = arith.constant 0 : i32
        %dma_wait3A_326 = tpu.memref_slice %arg3[%dma_wait3A_325] : memref<640000xi32, #tpu.memory_space<hbm>> -> memref<64xi32, #tpu.memory_space<hbm>>
        %dma_wait3A_327 = arith.constant 0 : i32
        %dma_wait3A_328 = tpu.memref_slice %arg3[%dma_wait3A_327] : memref<640000xi32, #tpu.memory_space<hbm>> -> memref<64xi32, #tpu.memory_space<hbm>>
        tpu.wait_dma2 semaphore(%arg31 : memref<!tpu.dma_semaphore, #tpu.memory_space<semaphore_mem>>) src(%dma_wait3A_328 : memref<64xi32, #tpu.memory_space<hbm>>) dst(%arg19 : memref<64xi32, #tpu.memory_space<vmem>>)
        %dma_start3A = arith.constant 0 : i32
        %dma_start3A_329 = arith.constant 0 : i32
        %dma_start3A_330 = tpu.memref_slice %arg2[%dma_start3A, %dma_start3A_329] : memref<10000x128xf32, #tpu.memory_space<hbm>> -> memref<10000x128xf32, #tpu.memory_space<hbm>>
        tpu.enqueue_indirect_dma source(%dma_start3A_330 : memref<10000x128xf32, #tpu.memory_space<hbm>>) target(%arg23 : memref<64x128xf32, #tpu.memory_space<vmem>>) offsets(%arg11 : memref<64xi32, #tpu.memory_space<vmem>>) semaphore(%arg35 : memref<!tpu.dma_semaphore, #tpu.memory_space<semaphore_mem>>)
      } else {
      }
      %add3A_137 = arith.constant 4 : i32
      %add3A_138 = arith.addi %add3A_126, %add3A_137 : i32
      %ge3A_139 = arith.cmpi sge, %add3A_138, %min3A_3 : i32
      %lt3A_140 = arith.cmpi slt, %add3A_126, %min3A_3 : i32
      %and3A_141 = arith.andi %ge3A_139, %lt3A_140 : i1
      %convert_element_type3A_142 = arith.extui %and3A_141 : i1 to i32
      %cond3A_143 = arith.constant 0 : i32
      %cond3A_144 = arith.cmpi ne, %convert_element_type3A_142, %cond3A_143 : i32
      scf.if %cond3A_144 {
        %dma_wait3A = arith.constant 0 : i32
        %dma_wait3A_319 = arith.constant 0 : i32
        %dma_wait3A_320 = tpu.memref_slice %arg42[%dma_wait3A, %dma_wait3A_319] : memref<10112x128xf32, #tpu.memory_space<vmem_shared>> -> memref<10112x128xf32, #tpu.memory_space<vmem_shared>>
        tpu.wait_indirect_dma semaphore(%arg39 : memref<!tpu.dma_semaphore, #tpu.memory_space<semaphore_mem>>) src(%arg23 : memref<64x128xf32, #tpu.memory_space<vmem>>) dst(%dma_wait3A_320 : memref<10112x128xf32, #tpu.memory_space<vmem_shared>>)
      } else {
      }
      %add3A_145 = arith.constant 8 : i32
      %add3A_146 = arith.addi %add3A_126, %add3A_145 : i32
      %lt3A_147 = arith.cmpi slt, %add3A_146, %min3A_3 : i32
      %convert_element_type3A_148 = arith.extui %lt3A_147 : i1 to i32
      %cond3A_149 = arith.constant 0 : i32
      %cond3A_150 = arith.cmpi ne, %convert_element_type3A_148, %cond3A_149 : i32
      scf.if %cond3A_150 {
        %add3A_319 = arith.constant 8 : i32
        %add3A_320 = arith.addi %add3A_126, %add3A_319 : i32
        %mul3A_321 = arith.constant 64 : i32
        %mul3A_322 = arith.muli %add3A_320, %mul3A_321 : i32
        %add3A_323 = arith.addi %mul3A_9, %mul3A_322 : i32
        %dma_start3A = tpu.memref_slice %arg3[%add3A_323] : memref<640000xi32, #tpu.memory_space<hbm>> -> memref<64xi32, #tpu.memory_space<hbm>>
        %dma_start3A_324 = tpu.memref_slice %arg3[%add3A_323] : memref<640000xi32, #tpu.memory_space<hbm>> -> memref<64xi32, #tpu.memory_space<hbm>>
        tpu.enqueue_dma source(%dma_start3A_324 : memref<64xi32, #tpu.memory_space<hbm>>) target(%arg7 : memref<64xi32, #tpu.memory_space<vmem>>) target_semaphore(%arg27 : memref<!tpu.dma_semaphore, #tpu.memory_space<semaphore_mem>>)
        %add3A_325 = arith.constant 320000 : i32
        %add3A_326 = arith.addi %add3A_325, %add3A_323 : i32
        %dma_start3A_327 = tpu.memref_slice %arg3[%add3A_326] : memref<640000xi32, #tpu.memory_space<hbm>> -> memref<64xi32, #tpu.memory_space<hbm>>
        %dma_start3A_328 = tpu.memref_slice %arg3[%add3A_326] : memref<640000xi32, #tpu.memory_space<hbm>> -> memref<64xi32, #tpu.memory_space<hbm>>
        tpu.enqueue_dma source(%dma_start3A_328 : memref<64xi32, #tpu.memory_space<hbm>>) target(%arg15 : memref<64xi32, #tpu.memory_space<vmem>>) target_semaphore(%arg27 : memref<!tpu.dma_semaphore, #tpu.memory_space<semaphore_mem>>)
      } else {
      }
      %mul3A_151 = arith.constant 8 : i32
      %mul3A_152 = arith.muli %scan3A_95, %mul3A_151 : i32
      %add3A_153 = arith.constant 2 : i32
      %add3A_154 = arith.addi %mul3A_152, %add3A_153 : i32
      %lt3A_155 = arith.cmpi slt, %add3A_154, %min3A_3 : i32
      %convert_element_type3A_156 = arith.extui %lt3A_155 : i1 to i32
      %cond3A_157 = arith.constant 0 : i32
      %cond3A_158 = arith.cmpi ne, %convert_element_type3A_156, %cond3A_157 : i32
      scf.if %cond3A_158 {
        %dma_wait3A = arith.constant 0 : i32
        %dma_wait3A_319 = arith.constant 0 : i32
        %dma_wait3A_320 = tpu.memref_slice %arg2[%dma_wait3A, %dma_wait3A_319] : memref<10000x128xf32, #tpu.memory_space<hbm>> -> memref<64x128xf32, #tpu.memory_space<hbm>>
        %dma_wait3A_321 = arith.constant 0 : i32
        %dma_wait3A_322 = arith.constant 0 : i32
        %dma_wait3A_323 = tpu.memref_slice %arg2[%dma_wait3A_321, %dma_wait3A_322] : memref<10000x128xf32, #tpu.memory_space<hbm>> -> memref<64x128xf32, #tpu.memory_space<hbm>>
        tpu.wait_dma2 semaphore(%arg36 : memref<!tpu.dma_semaphore, #tpu.memory_space<semaphore_mem>>) src(%dma_wait3A_323 : memref<64x128xf32, #tpu.memory_space<hbm>>) dst(%arg24 : memref<64x128xf32, #tpu.memory_space<vmem>>)
        %dma_start3A = arith.constant 0 : i32
        %dma_start3A_324 = arith.constant 0 : i32
        %dma_start3A_325 = tpu.memref_slice %arg42[%dma_start3A, %dma_start3A_324] : memref<10112x128xf32, #tpu.memory_space<vmem_shared>> -> memref<10112x128xf32, #tpu.memory_space<vmem_shared>>
        tpu.enqueue_indirect_dma source(%arg24 : memref<64x128xf32, #tpu.memory_space<vmem>>) target(%dma_start3A_325 : memref<10112x128xf32, #tpu.memory_space<vmem_shared>>) offsets(%arg16 : memref<64xi32, #tpu.memory_space<vmem>>) semaphore(%arg40 : memref<!tpu.dma_semaphore, #tpu.memory_space<semaphore_mem>>) {add = true}
      } else {
      }
      %add3A_159 = arith.constant 4 : i32
      %add3A_160 = arith.addi %add3A_154, %add3A_159 : i32
      %lt3A_161 = arith.cmpi slt, %add3A_160, %min3A_3 : i32
      %convert_element_type3A_162 = arith.extui %lt3A_161 : i1 to i32
      %cond3A_163 = arith.constant 0 : i32
      %cond3A_164 = arith.cmpi ne, %convert_element_type3A_162, %cond3A_163 : i32
      scf.if %cond3A_164 {
        %dma_wait3A = arith.constant 0 : i32
        %dma_wait3A_319 = arith.constant 0 : i32
        %dma_wait3A_320 = tpu.memref_slice %arg42[%dma_wait3A, %dma_wait3A_319] : memref<10112x128xf32, #tpu.memory_space<vmem_shared>> -> memref<10112x128xf32, #tpu.memory_space<vmem_shared>>
        tpu.wait_indirect_dma semaphore(%arg40 : memref<!tpu.dma_semaphore, #tpu.memory_space<semaphore_mem>>) src(%arg24 : memref<64x128xf32, #tpu.memory_space<vmem>>) dst(%dma_wait3A_320 : memref<10112x128xf32, #tpu.memory_space<vmem_shared>>)
        %dma_wait3A_321 = arith.constant 0 : i32
        %dma_wait3A_322 = tpu.memref_slice %arg3[%dma_wait3A_321] : memref<640000xi32, #tpu.memory_space<hbm>> -> memref<64xi32, #tpu.memory_space<hbm>>
        %dma_wait3A_323 = arith.constant 0 : i32
        %dma_wait3A_324 = tpu.memref_slice %arg3[%dma_wait3A_323] : memref<640000xi32, #tpu.memory_space<hbm>> -> memref<64xi32, #tpu.memory_space<hbm>>
        tpu.wait_dma2 semaphore(%arg32 : memref<!tpu.dma_semaphore, #tpu.memory_space<semaphore_mem>>) src(%dma_wait3A_324 : memref<64xi32, #tpu.memory_space<hbm>>) dst(%arg12 : memref<64xi32, #tpu.memory_space<vmem>>)
        %dma_wait3A_325 = arith.constant 0 : i32
        %dma_wait3A_326 = tpu.memref_slice %arg3[%dma_wait3A_325] : memref<640000xi32, #tpu.memory_space<hbm>> -> memref<64xi32, #tpu.memory_space<hbm>>
        %dma_wait3A_327 = arith.constant 0 : i32
        %dma_wait3A_328 = tpu.memref_slice %arg3[%dma_wait3A_327] : memref<640000xi32, #tpu.memory_space<hbm>> -> memref<64xi32, #tpu.memory_space<hbm>>
        tpu.wait_dma2 semaphore(%arg32 : memref<!tpu.dma_semaphore, #tpu.memory_space<semaphore_mem>>) src(%dma_wait3A_328 : memref<64xi32, #tpu.memory_space<hbm>>) dst(%arg20 : memref<64xi32, #tpu.memory_space<vmem>>)
        %dma_start3A = arith.constant 0 : i32
        %dma_start3A_329 = arith.constant 0 : i32
        %dma_start3A_330 = tpu.memref_slice %arg2[%dma_start3A, %dma_start3A_329] : memref<10000x128xf32, #tpu.memory_space<hbm>> -> memref<10000x128xf32, #tpu.memory_space<hbm>>
        tpu.enqueue_indirect_dma source(%dma_start3A_330 : memref<10000x128xf32, #tpu.memory_space<hbm>>) target(%arg24 : memref<64x128xf32, #tpu.memory_space<vmem>>) offsets(%arg12 : memref<64xi32, #tpu.memory_space<vmem>>) semaphore(%arg36 : memref<!tpu.dma_semaphore, #tpu.memory_space<semaphore_mem>>)
      } else {
      }
      %add3A_165 = arith.constant 4 : i32
      %add3A_166 = arith.addi %add3A_154, %add3A_165 : i32
      %ge3A_167 = arith.cmpi sge, %add3A_166, %min3A_3 : i32
      %lt3A_168 = arith.cmpi slt, %add3A_154, %min3A_3 : i32
      %and3A_169 = arith.andi %ge3A_167, %lt3A_168 : i1
      %convert_element_type3A_170 = arith.extui %and3A_169 : i1 to i32
      %cond3A_171 = arith.constant 0 : i32
      %cond3A_172 = arith.cmpi ne, %convert_element_type3A_170, %cond3A_171 : i32
      scf.if %cond3A_172 {
        %dma_wait3A = arith.constant 0 : i32
        %dma_wait3A_319 = arith.constant 0 : i32
        %dma_wait3A_320 = tpu.memref_slice %arg42[%dma_wait3A, %dma_wait3A_319] : memref<10112x128xf32, #tpu.memory_space<vmem_shared>> -> memref<10112x128xf32, #tpu.memory_space<vmem_shared>>
        tpu.wait_indirect_dma semaphore(%arg40 : memref<!tpu.dma_semaphore, #tpu.memory_space<semaphore_mem>>) src(%arg24 : memref<64x128xf32, #tpu.memory_space<vmem>>) dst(%dma_wait3A_320 : memref<10112x128xf32, #tpu.memory_space<vmem_shared>>)
      } else {
      }
      %add3A_173 = arith.constant 8 : i32
      %add3A_174 = arith.addi %add3A_154, %add3A_173 : i32
      %lt3A_175 = arith.cmpi slt, %add3A_174, %min3A_3 : i32
      %convert_element_type3A_176 = arith.extui %lt3A_175 : i1 to i32
      %cond3A_177 = arith.constant 0 : i32
      %cond3A_178 = arith.cmpi ne, %convert_element_type3A_176, %cond3A_177 : i32
      scf.if %cond3A_178 {
        %add3A_319 = arith.constant 8 : i32
        %add3A_320 = arith.addi %add3A_154, %add3A_319 : i32
        %mul3A_321 = arith.constant 64 : i32
        %mul3A_322 = arith.muli %add3A_320, %mul3A_321 : i32
        %add3A_323 = arith.addi %mul3A_9, %mul3A_322 : i32
        %dma_start3A = tpu.memref_slice %arg3[%add3A_323] : memref<640000xi32, #tpu.memory_space<hbm>> -> memref<64xi32, #tpu.memory_space<hbm>>
        %dma_start3A_324 = tpu.memref_slice %arg3[%add3A_323] : memref<640000xi32, #tpu.memory_space<hbm>> -> memref<64xi32, #tpu.memory_space<hbm>>
        tpu.enqueue_dma source(%dma_start3A_324 : memref<64xi32, #tpu.memory_space<hbm>>) target(%arg8 : memref<64xi32, #tpu.memory_space<vmem>>) target_semaphore(%arg28 : memref<!tpu.dma_semaphore, #tpu.memory_space<semaphore_mem>>)
        %add3A_325 = arith.constant 320000 : i32
        %add3A_326 = arith.addi %add3A_325, %add3A_323 : i32
        %dma_start3A_327 = tpu.memref_slice %arg3[%add3A_326] : memref<640000xi32, #tpu.memory_space<hbm>> -> memref<64xi32, #tpu.memory_space<hbm>>
        %dma_start3A_328 = tpu.memref_slice %arg3[%add3A_326] : memref<640000xi32, #tpu.memory_space<hbm>> -> memref<64xi32, #tpu.memory_space<hbm>>
        tpu.enqueue_dma source(%dma_start3A_328 : memref<64xi32, #tpu.memory_space<hbm>>) target(%arg16 : memref<64xi32, #tpu.memory_space<vmem>>) target_semaphore(%arg28 : memref<!tpu.dma_semaphore, #tpu.memory_space<semaphore_mem>>)
      } else {
      }
      %mul3A_179 = arith.constant 8 : i32
      %mul3A_180 = arith.muli %scan3A_95, %mul3A_179 : i32
      %add3A_181 = arith.constant 3 : i32
      %add3A_182 = arith.addi %mul3A_180, %add3A_181 : i32
      %lt3A_183 = arith.cmpi slt, %add3A_182, %min3A_3 : i32
      %convert_element_type3A_184 = arith.extui %lt3A_183 : i1 to i32
      %cond3A_185 = arith.constant 0 : i32
      %cond3A_186 = arith.cmpi ne, %convert_element_type3A_184, %cond3A_185 : i32
      scf.if %cond3A_186 {
        %dma_wait3A = arith.constant 0 : i32
        %dma_wait3A_319 = arith.constant 0 : i32
        %dma_wait3A_320 = tpu.memref_slice %arg2[%dma_wait3A, %dma_wait3A_319] : memref<10000x128xf32, #tpu.memory_space<hbm>> -> memref<64x128xf32, #tpu.memory_space<hbm>>
        %dma_wait3A_321 = arith.constant 0 : i32
        %dma_wait3A_322 = arith.constant 0 : i32
        %dma_wait3A_323 = tpu.memref_slice %arg2[%dma_wait3A_321, %dma_wait3A_322] : memref<10000x128xf32, #tpu.memory_space<hbm>> -> memref<64x128xf32, #tpu.memory_space<hbm>>
        tpu.wait_dma2 semaphore(%arg37 : memref<!tpu.dma_semaphore, #tpu.memory_space<semaphore_mem>>) src(%dma_wait3A_323 : memref<64x128xf32, #tpu.memory_space<hbm>>) dst(%arg25 : memref<64x128xf32, #tpu.memory_space<vmem>>)
        %dma_start3A = arith.constant 0 : i32
        %dma_start3A_324 = arith.constant 0 : i32
        %dma_start3A_325 = tpu.memref_slice %arg42[%dma_start3A, %dma_start3A_324] : memref<10112x128xf32, #tpu.memory_space<vmem_shared>> -> memref<10112x128xf32, #tpu.memory_space<vmem_shared>>
        tpu.enqueue_indirect_dma source(%arg25 : memref<64x128xf32, #tpu.memory_space<vmem>>) target(%dma_start3A_325 : memref<10112x128xf32, #tpu.memory_space<vmem_shared>>) offsets(%arg17 : memref<64xi32, #tpu.memory_space<vmem>>) semaphore(%arg41 : memref<!tpu.dma_semaphore, #tpu.memory_space<semaphore_mem>>) {add = true}
      } else {
      }
      %add3A_187 = arith.constant 4 : i32
      %add3A_188 = arith.addi %add3A_182, %add3A_187 : i32
      %lt3A_189 = arith.cmpi slt, %add3A_188, %min3A_3 : i32
      %convert_element_type3A_190 = arith.extui %lt3A_189 : i1 to i32
      %cond3A_191 = arith.constant 0 : i32
      %cond3A_192 = arith.cmpi ne, %convert_element_type3A_190, %cond3A_191 : i32
      scf.if %cond3A_192 {
        %dma_wait3A = arith.constant 0 : i32
        %dma_wait3A_319 = arith.constant 0 : i32
        %dma_wait3A_320 = tpu.memref_slice %arg42[%dma_wait3A, %dma_wait3A_319] : memref<10112x128xf32, #tpu.memory_space<vmem_shared>> -> memref<10112x128xf32, #tpu.memory_space<vmem_shared>>
        tpu.wait_indirect_dma semaphore(%arg41 : memref<!tpu.dma_semaphore, #tpu.memory_space<semaphore_mem>>) src(%arg25 : memref<64x128xf32, #tpu.memory_space<vmem>>) dst(%dma_wait3A_320 : memref<10112x128xf32, #tpu.memory_space<vmem_shared>>)
        %dma_wait3A_321 = arith.constant 0 : i32
        %dma_wait3A_322 = tpu.memref_slice %arg3[%dma_wait3A_321] : memref<640000xi32, #tpu.memory_space<hbm>> -> memref<64xi32, #tpu.memory_space<hbm>>
        %dma_wait3A_323 = arith.constant 0 : i32
        %dma_wait3A_324 = tpu.memref_slice %arg3[%dma_wait3A_323] : memref<640000xi32, #tpu.memory_space<hbm>> -> memref<64xi32, #tpu.memory_space<hbm>>
        tpu.wait_dma2 semaphore(%arg33 : memref<!tpu.dma_semaphore, #tpu.memory_space<semaphore_mem>>) src(%dma_wait3A_324 : memref<64xi32, #tpu.memory_space<hbm>>) dst(%arg13 : memref<64xi32, #tpu.memory_space<vmem>>)
        %dma_wait3A_325 = arith.constant 0 : i32
        %dma_wait3A_326 = tpu.memref_slice %arg3[%dma_wait3A_325] : memref<640000xi32, #tpu.memory_space<hbm>> -> memref<64xi32, #tpu.memory_space<hbm>>
        %dma_wait3A_327 = arith.constant 0 : i32
        %dma_wait3A_328 = tpu.memref_slice %arg3[%dma_wait3A_327] : memref<640000xi32, #tpu.memory_space<hbm>> -> memref<64xi32, #tpu.memory_space<hbm>>
        tpu.wait_dma2 semaphore(%arg33 : memref<!tpu.dma_semaphore, #tpu.memory_space<semaphore_mem>>) src(%dma_wait3A_328 : memref<64xi32, #tpu.memory_space<hbm>>) dst(%arg21 : memref<64xi32, #tpu.memory_space<vmem>>)
        %dma_start3A = arith.constant 0 : i32
        %dma_start3A_329 = arith.constant 0 : i32
        %dma_start3A_330 = tpu.memref_slice %arg2[%dma_start3A, %dma_start3A_329] : memref<10000x128xf32, #tpu.memory_space<hbm>> -> memref<10000x128xf32, #tpu.memory_space<hbm>>
        tpu.enqueue_indirect_dma source(%dma_start3A_330 : memref<10000x128xf32, #tpu.memory_space<hbm>>) target(%arg25 : memref<64x128xf32, #tpu.memory_space<vmem>>) offsets(%arg13 : memref<64xi32, #tpu.memory_space<vmem>>) semaphore(%arg37 : memref<!tpu.dma_semaphore, #tpu.memory_space<semaphore_mem>>)
      } else {
      }
      %add3A_193 = arith.constant 4 : i32
      %add3A_194 = arith.addi %add3A_182, %add3A_193 : i32
      %ge3A_195 = arith.cmpi sge, %add3A_194, %min3A_3 : i32
      %lt3A_196 = arith.cmpi slt, %add3A_182, %min3A_3 : i32
      %and3A_197 = arith.andi %ge3A_195, %lt3A_196 : i1
      %convert_element_type3A_198 = arith.extui %and3A_197 : i1 to i32
      %cond3A_199 = arith.constant 0 : i32
      %cond3A_200 = arith.cmpi ne, %convert_element_type3A_198, %cond3A_199 : i32
      scf.if %cond3A_200 {
        %dma_wait3A = arith.constant 0 : i32
        %dma_wait3A_319 = arith.constant 0 : i32
        %dma_wait3A_320 = tpu.memref_slice %arg42[%dma_wait3A, %dma_wait3A_319] : memref<10112x128xf32, #tpu.memory_space<vmem_shared>> -> memref<10112x128xf32, #tpu.memory_space<vmem_shared>>
        tpu.wait_indirect_dma semaphore(%arg41 : memref<!tpu.dma_semaphore, #tpu.memory_space<semaphore_mem>>) src(%arg25 : memref<64x128xf32, #tpu.memory_space<vmem>>) dst(%dma_wait3A_320 : memref<10112x128xf32, #tpu.memory_space<vmem_shared>>)
      } else {
      }
      %add3A_201 = arith.constant 8 : i32
      %add3A_202 = arith.addi %add3A_182, %add3A_201 : i32
      %lt3A_203 = arith.cmpi slt, %add3A_202, %min3A_3 : i32
      %convert_element_type3A_204 = arith.extui %lt3A_203 : i1 to i32
      %cond3A_205 = arith.constant 0 : i32
      %cond3A_206 = arith.cmpi ne, %convert_element_type3A_204, %cond3A_205 : i32
      scf.if %cond3A_206 {
        %add3A_319 = arith.constant 8 : i32
        %add3A_320 = arith.addi %add3A_182, %add3A_319 : i32
        %mul3A_321 = arith.constant 64 : i32
        %mul3A_322 = arith.muli %add3A_320, %mul3A_321 : i32
        %add3A_323 = arith.addi %mul3A_9, %mul3A_322 : i32
        %dma_start3A = tpu.memref_slice %arg3[%add3A_323] : memref<640000xi32, #tpu.memory_space<hbm>> -> memref<64xi32, #tpu.memory_space<hbm>>
        %dma_start3A_324 = tpu.memref_slice %arg3[%add3A_323] : memref<640000xi32, #tpu.memory_space<hbm>> -> memref<64xi32, #tpu.memory_space<hbm>>
        tpu.enqueue_dma source(%dma_start3A_324 : memref<64xi32, #tpu.memory_space<hbm>>) target(%arg9 : memref<64xi32, #tpu.memory_space<vmem>>) target_semaphore(%arg29 : memref<!tpu.dma_semaphore, #tpu.memory_space<semaphore_mem>>)
        %add3A_325 = arith.constant 320000 : i32
        %add3A_326 = arith.addi %add3A_325, %add3A_323 : i32
        %dma_start3A_327 = tpu.memref_slice %arg3[%add3A_326] : memref<640000xi32, #tpu.memory_space<hbm>> -> memref<64xi32, #tpu.memory_space<hbm>>
        %dma_start3A_328 = tpu.memref_slice %arg3[%add3A_326] : memref<640000xi32, #tpu.memory_space<hbm>> -> memref<64xi32, #tpu.memory_space<hbm>>
        tpu.enqueue_dma source(%dma_start3A_328 : memref<64xi32, #tpu.memory_space<hbm>>) target(%arg17 : memref<64xi32, #tpu.memory_space<vmem>>) target_semaphore(%arg29 : memref<!tpu.dma_semaphore, #tpu.memory_space<semaphore_mem>>)
      } else {
      }
      %mul3A_207 = arith.constant 8 : i32
      %mul3A_208 = arith.muli %scan3A_95, %mul3A_207 : i32
      %add3A_209 = arith.constant 4 : i32
      %add3A_210 = arith.addi %mul3A_208, %add3A_209 : i32
      %lt3A_211 = arith.cmpi slt, %add3A_210, %min3A_3 : i32
      %convert_element_type3A_212 = arith.extui %lt3A_211 : i1 to i32
      %cond3A_213 = arith.constant 0 : i32
      %cond3A_214 = arith.cmpi ne, %convert_element_type3A_212, %cond3A_213 : i32
      scf.if %cond3A_214 {
        %dma_wait3A = arith.constant 0 : i32
        %dma_wait3A_319 = arith.constant 0 : i32
        %dma_wait3A_320 = tpu.memref_slice %arg2[%dma_wait3A, %dma_wait3A_319] : memref<10000x128xf32, #tpu.memory_space<hbm>> -> memref<64x128xf32, #tpu.memory_space<hbm>>
        %dma_wait3A_321 = arith.constant 0 : i32
        %dma_wait3A_322 = arith.constant 0 : i32
        %dma_wait3A_323 = tpu.memref_slice %arg2[%dma_wait3A_321, %dma_wait3A_322] : memref<10000x128xf32, #tpu.memory_space<hbm>> -> memref<64x128xf32, #tpu.memory_space<hbm>>
        tpu.wait_dma2 semaphore(%arg34 : memref<!tpu.dma_semaphore, #tpu.memory_space<semaphore_mem>>) src(%dma_wait3A_323 : memref<64x128xf32, #tpu.memory_space<hbm>>) dst(%arg22 : memref<64x128xf32, #tpu.memory_space<vmem>>)
        %dma_start3A = arith.constant 0 : i32
        %dma_start3A_324 = arith.constant 0 : i32
        %dma_start3A_325 = tpu.memref_slice %arg42[%dma_start3A, %dma_start3A_324] : memref<10112x128xf32, #tpu.memory_space<vmem_shared>> -> memref<10112x128xf32, #tpu.memory_space<vmem_shared>>
        tpu.enqueue_indirect_dma source(%arg22 : memref<64x128xf32, #tpu.memory_space<vmem>>) target(%dma_start3A_325 : memref<10112x128xf32, #tpu.memory_space<vmem_shared>>) offsets(%arg18 : memref<64xi32, #tpu.memory_space<vmem>>) semaphore(%arg38 : memref<!tpu.dma_semaphore, #tpu.memory_space<semaphore_mem>>) {add = true}
      } else {
      }
      %add3A_215 = arith.constant 4 : i32
      %add3A_216 = arith.addi %add3A_210, %add3A_215 : i32
      %lt3A_217 = arith.cmpi slt, %add3A_216, %min3A_3 : i32
      %convert_element_type3A_218 = arith.extui %lt3A_217 : i1 to i32
      %cond3A_219 = arith.constant 0 : i32
      %cond3A_220 = arith.cmpi ne, %convert_element_type3A_218, %cond3A_219 : i32
      scf.if %cond3A_220 {
        %dma_wait3A = arith.constant 0 : i32
        %dma_wait3A_319 = arith.constant 0 : i32
        %dma_wait3A_320 = tpu.memref_slice %arg42[%dma_wait3A, %dma_wait3A_319] : memref<10112x128xf32, #tpu.memory_space<vmem_shared>> -> memref<10112x128xf32, #tpu.memory_space<vmem_shared>>
        tpu.wait_indirect_dma semaphore(%arg38 : memref<!tpu.dma_semaphore, #tpu.memory_space<semaphore_mem>>) src(%arg22 : memref<64x128xf32, #tpu.memory_space<vmem>>) dst(%dma_wait3A_320 : memref<10112x128xf32, #tpu.memory_space<vmem_shared>>)
        %dma_wait3A_321 = arith.constant 0 : i32
        %dma_wait3A_322 = tpu.memref_slice %arg3[%dma_wait3A_321] : memref<640000xi32, #tpu.memory_space<hbm>> -> memref<64xi32, #tpu.memory_space<hbm>>
        %dma_wait3A_323 = arith.constant 0 : i32
        %dma_wait3A_324 = tpu.memref_slice %arg3[%dma_wait3A_323] : memref<640000xi32, #tpu.memory_space<hbm>> -> memref<64xi32, #tpu.memory_space<hbm>>
        tpu.wait_dma2 semaphore(%arg26 : memref<!tpu.dma_semaphore, #tpu.memory_space<semaphore_mem>>) src(%dma_wait3A_324 : memref<64xi32, #tpu.memory_space<hbm>>) dst(%arg6 : memref<64xi32, #tpu.memory_space<vmem>>)
        %dma_wait3A_325 = arith.constant 0 : i32
        %dma_wait3A_326 = tpu.memref_slice %arg3[%dma_wait3A_325] : memref<640000xi32, #tpu.memory_space<hbm>> -> memref<64xi32, #tpu.memory_space<hbm>>
        %dma_wait3A_327 = arith.constant 0 : i32
        %dma_wait3A_328 = tpu.memref_slice %arg3[%dma_wait3A_327] : memref<640000xi32, #tpu.memory_space<hbm>> -> memref<64xi32, #tpu.memory_space<hbm>>
        tpu.wait_dma2 semaphore(%arg26 : memref<!tpu.dma_semaphore, #tpu.memory_space<semaphore_mem>>) src(%dma_wait3A_328 : memref<64xi32, #tpu.memory_space<hbm>>) dst(%arg14 : memref<64xi32, #tpu.memory_space<vmem>>)
        %dma_start3A = arith.constant 0 : i32
        %dma_start3A_329 = arith.constant 0 : i32
        %dma_start3A_330 = tpu.memref_slice %arg2[%dma_start3A, %dma_start3A_329] : memref<10000x128xf32, #tpu.memory_space<hbm>> -> memref<10000x128xf32, #tpu.memory_space<hbm>>
        tpu.enqueue_indirect_dma source(%dma_start3A_330 : memref<10000x128xf32, #tpu.memory_space<hbm>>) target(%arg22 : memref<64x128xf32, #tpu.memory_space<vmem>>) offsets(%arg6 : memref<64xi32, #tpu.memory_space<vmem>>) semaphore(%arg34 : memref<!tpu.dma_semaphore, #tpu.memory_space<semaphore_mem>>)
      } else {
      }
      %add3A_221 = arith.constant 4 : i32
      %add3A_222 = arith.addi %add3A_210, %add3A_221 : i32
      %ge3A_223 = arith.cmpi sge, %add3A_222, %min3A_3 : i32
      %lt3A_224 = arith.cmpi slt, %add3A_210, %min3A_3 : i32
      %and3A_225 = arith.andi %ge3A_223, %lt3A_224 : i1
      %convert_element_type3A_226 = arith.extui %and3A_225 : i1 to i32
      %cond3A_227 = arith.constant 0 : i32
      %cond3A_228 = arith.cmpi ne, %convert_element_type3A_226, %cond3A_227 : i32
      scf.if %cond3A_228 {
        %dma_wait3A = arith.constant 0 : i32
        %dma_wait3A_319 = arith.constant 0 : i32
        %dma_wait3A_320 = tpu.memref_slice %arg42[%dma_wait3A, %dma_wait3A_319] : memref<10112x128xf32, #tpu.memory_space<vmem_shared>> -> memref<10112x128xf32, #tpu.memory_space<vmem_shared>>
        tpu.wait_indirect_dma semaphore(%arg38 : memref<!tpu.dma_semaphore, #tpu.memory_space<semaphore_mem>>) src(%arg22 : memref<64x128xf32, #tpu.memory_space<vmem>>) dst(%dma_wait3A_320 : memref<10112x128xf32, #tpu.memory_space<vmem_shared>>)
      } else {
      }
      %add3A_229 = arith.constant 8 : i32
      %add3A_230 = arith.addi %add3A_210, %add3A_229 : i32
      %lt3A_231 = arith.cmpi slt, %add3A_230, %min3A_3 : i32
      %convert_element_type3A_232 = arith.extui %lt3A_231 : i1 to i32
      %cond3A_233 = arith.constant 0 : i32
      %cond3A_234 = arith.cmpi ne, %convert_element_type3A_232, %cond3A_233 : i32
      scf.if %cond3A_234 {
        %add3A_319 = arith.constant 8 : i32
        %add3A_320 = arith.addi %add3A_210, %add3A_319 : i32
        %mul3A_321 = arith.constant 64 : i32
        %mul3A_322 = arith.muli %add3A_320, %mul3A_321 : i32
        %add3A_323 = arith.addi %mul3A_9, %mul3A_322 : i32
        %dma_start3A = tpu.memref_slice %arg3[%add3A_323] : memref<640000xi32, #tpu.memory_space<hbm>> -> memref<64xi32, #tpu.memory_space<hbm>>
        %dma_start3A_324 = tpu.memref_slice %arg3[%add3A_323] : memref<640000xi32, #tpu.memory_space<hbm>> -> memref<64xi32, #tpu.memory_space<hbm>>
        tpu.enqueue_dma source(%dma_start3A_324 : memref<64xi32, #tpu.memory_space<hbm>>) target(%arg10 : memref<64xi32, #tpu.memory_space<vmem>>) target_semaphore(%arg30 : memref<!tpu.dma_semaphore, #tpu.memory_space<semaphore_mem>>)
        %add3A_325 = arith.constant 320000 : i32
        %add3A_326 = arith.addi %add3A_325, %add3A_323 : i32
        %dma_start3A_327 = tpu.memref_slice %arg3[%add3A_326] : memref<640000xi32, #tpu.memory_space<hbm>> -> memref<64xi32, #tpu.memory_space<hbm>>
        %dma_start3A_328 = tpu.memref_slice %arg3[%add3A_326] : memref<640000xi32, #tpu.memory_space<hbm>> -> memref<64xi32, #tpu.memory_space<hbm>>
        tpu.enqueue_dma source(%dma_start3A_328 : memref<64xi32, #tpu.memory_space<hbm>>) target(%arg18 : memref<64xi32, #tpu.memory_space<vmem>>) target_semaphore(%arg30 : memref<!tpu.dma_semaphore, #tpu.memory_space<semaphore_mem>>)
      } else {
      }
      %mul3A_235 = arith.constant 8 : i32
      %mul3A_236 = arith.muli %scan3A_95, %mul3A_235 : i32
      %add3A_237 = arith.constant 5 : i32
      %add3A_238 = arith.addi %mul3A_236, %add3A_237 : i32
      %lt3A_239 = arith.cmpi slt, %add3A_238, %min3A_3 : i32
      %convert_element_type3A_240 = arith.extui %lt3A_239 : i1 to i32
      %cond3A_241 = arith.constant 0 : i32
      %cond3A_242 = arith.cmpi ne, %convert_element_type3A_240, %cond3A_241 : i32
      scf.if %cond3A_242 {
        %dma_wait3A = arith.constant 0 : i32
        %dma_wait3A_319 = arith.constant 0 : i32
        %dma_wait3A_320 = tpu.memref_slice %arg2[%dma_wait3A, %dma_wait3A_319] : memref<10000x128xf32, #tpu.memory_space<hbm>> -> memref<64x128xf32, #tpu.memory_space<hbm>>
        %dma_wait3A_321 = arith.constant 0 : i32
        %dma_wait3A_322 = arith.constant 0 : i32
        %dma_wait3A_323 = tpu.memref_slice %arg2[%dma_wait3A_321, %dma_wait3A_322] : memref<10000x128xf32, #tpu.memory_space<hbm>> -> memref<64x128xf32, #tpu.memory_space<hbm>>
        tpu.wait_dma2 semaphore(%arg35 : memref<!tpu.dma_semaphore, #tpu.memory_space<semaphore_mem>>) src(%dma_wait3A_323 : memref<64x128xf32, #tpu.memory_space<hbm>>) dst(%arg23 : memref<64x128xf32, #tpu.memory_space<vmem>>)
        %dma_start3A = arith.constant 0 : i32
        %dma_start3A_324 = arith.constant 0 : i32
        %dma_start3A_325 = tpu.memref_slice %arg42[%dma_start3A, %dma_start3A_324] : memref<10112x128xf32, #tpu.memory_space<vmem_shared>> -> memref<10112x128xf32, #tpu.memory_space<vmem_shared>>
        tpu.enqueue_indirect_dma source(%arg23 : memref<64x128xf32, #tpu.memory_space<vmem>>) target(%dma_start3A_325 : memref<10112x128xf32, #tpu.memory_space<vmem_shared>>) offsets(%arg19 : memref<64xi32, #tpu.memory_space<vmem>>) semaphore(%arg39 : memref<!tpu.dma_semaphore, #tpu.memory_space<semaphore_mem>>) {add = true}
      } else {
      }
      %add3A_243 = arith.constant 4 : i32
      %add3A_244 = arith.addi %add3A_238, %add3A_243 : i32
      %lt3A_245 = arith.cmpi slt, %add3A_244, %min3A_3 : i32
      %convert_element_type3A_246 = arith.extui %lt3A_245 : i1 to i32
      %cond3A_247 = arith.constant 0 : i32
      %cond3A_248 = arith.cmpi ne, %convert_element_type3A_246, %cond3A_247 : i32
      scf.if %cond3A_248 {
        %dma_wait3A = arith.constant 0 : i32
        %dma_wait3A_319 = arith.constant 0 : i32
        %dma_wait3A_320 = tpu.memref_slice %arg42[%dma_wait3A, %dma_wait3A_319] : memref<10112x128xf32, #tpu.memory_space<vmem_shared>> -> memref<10112x128xf32, #tpu.memory_space<vmem_shared>>
        tpu.wait_indirect_dma semaphore(%arg39 : memref<!tpu.dma_semaphore, #tpu.memory_space<semaphore_mem>>) src(%arg23 : memref<64x128xf32, #tpu.memory_space<vmem>>) dst(%dma_wait3A_320 : memref<10112x128xf32, #tpu.memory_space<vmem_shared>>)
        %dma_wait3A_321 = arith.constant 0 : i32
        %dma_wait3A_322 = tpu.memref_slice %arg3[%dma_wait3A_321] : memref<640000xi32, #tpu.memory_space<hbm>> -> memref<64xi32, #tpu.memory_space<hbm>>
        %dma_wait3A_323 = arith.constant 0 : i32
        %dma_wait3A_324 = tpu.memref_slice %arg3[%dma_wait3A_323] : memref<640000xi32, #tpu.memory_space<hbm>> -> memref<64xi32, #tpu.memory_space<hbm>>
        tpu.wait_dma2 semaphore(%arg27 : memref<!tpu.dma_semaphore, #tpu.memory_space<semaphore_mem>>) src(%dma_wait3A_324 : memref<64xi32, #tpu.memory_space<hbm>>) dst(%arg7 : memref<64xi32, #tpu.memory_space<vmem>>)
        %dma_wait3A_325 = arith.constant 0 : i32
        %dma_wait3A_326 = tpu.memref_slice %arg3[%dma_wait3A_325] : memref<640000xi32, #tpu.memory_space<hbm>> -> memref<64xi32, #tpu.memory_space<hbm>>
        %dma_wait3A_327 = arith.constant 0 : i32
        %dma_wait3A_328 = tpu.memref_slice %arg3[%dma_wait3A_327] : memref<640000xi32, #tpu.memory_space<hbm>> -> memref<64xi32, #tpu.memory_space<hbm>>
        tpu.wait_dma2 semaphore(%arg27 : memref<!tpu.dma_semaphore, #tpu.memory_space<semaphore_mem>>) src(%dma_wait3A_328 : memref<64xi32, #tpu.memory_space<hbm>>) dst(%arg15 : memref<64xi32, #tpu.memory_space<vmem>>)
        %dma_start3A = arith.constant 0 : i32
        %dma_start3A_329 = arith.constant 0 : i32
        %dma_start3A_330 = tpu.memref_slice %arg2[%dma_start3A, %dma_start3A_329] : memref<10000x128xf32, #tpu.memory_space<hbm>> -> memref<10000x128xf32, #tpu.memory_space<hbm>>
        tpu.enqueue_indirect_dma source(%dma_start3A_330 : memref<10000x128xf32, #tpu.memory_space<hbm>>) target(%arg23 : memref<64x128xf32, #tpu.memory_space<vmem>>) offsets(%arg7 : memref<64xi32, #tpu.memory_space<vmem>>) semaphore(%arg35 : memref<!tpu.dma_semaphore, #tpu.memory_space<semaphore_mem>>)
      } else {
      }
      %add3A_249 = arith.constant 4 : i32
      %add3A_250 = arith.addi %add3A_238, %add3A_249 : i32
      %ge3A_251 = arith.cmpi sge, %add3A_250, %min3A_3 : i32
      %lt3A_252 = arith.cmpi slt, %add3A_238, %min3A_3 : i32
      %and3A_253 = arith.andi %ge3A_251, %lt3A_252 : i1
      %convert_element_type3A_254 = arith.extui %and3A_253 : i1 to i32
      %cond3A_255 = arith.constant 0 : i32
      %cond3A_256 = arith.cmpi ne, %convert_element_type3A_254, %cond3A_255 : i32
      scf.if %cond3A_256 {
        %dma_wait3A = arith.constant 0 : i32
        %dma_wait3A_319 = arith.constant 0 : i32
        %dma_wait3A_320 = tpu.memref_slice %arg42[%dma_wait3A, %dma_wait3A_319] : memref<10112x128xf32, #tpu.memory_space<vmem_shared>> -> memref<10112x128xf32, #tpu.memory_space<vmem_shared>>
        tpu.wait_indirect_dma semaphore(%arg39 : memref<!tpu.dma_semaphore, #tpu.memory_space<semaphore_mem>>) src(%arg23 : memref<64x128xf32, #tpu.memory_space<vmem>>) dst(%dma_wait3A_320 : memref<10112x128xf32, #tpu.memory_space<vmem_shared>>)
      } else {
      }
      %add3A_257 = arith.constant 8 : i32
      %add3A_258 = arith.addi %add3A_238, %add3A_257 : i32
      %lt3A_259 = arith.cmpi slt, %add3A_258, %min3A_3 : i32
      %convert_element_type3A_260 = arith.extui %lt3A_259 : i1 to i32
      %cond3A_261 = arith.constant 0 : i32
      %cond3A_262 = arith.cmpi ne, %convert_element_type3A_260, %cond3A_261 : i32
      scf.if %cond3A_262 {
        %add3A_319 = arith.constant 8 : i32
        %add3A_320 = arith.addi %add3A_238, %add3A_319 : i32
        %mul3A_321 = arith.constant 64 : i32
        %mul3A_322 = arith.muli %add3A_320, %mul3A_321 : i32
        %add3A_323 = arith.addi %mul3A_9, %mul3A_322 : i32
        %dma_start3A = tpu.memref_slice %arg3[%add3A_323] : memref<640000xi32, #tpu.memory_space<hbm>> -> memref<64xi32, #tpu.memory_space<hbm>>
        %dma_start3A_324 = tpu.memref_slice %arg3[%add3A_323] : memref<640000xi32, #tpu.memory_space<hbm>> -> memref<64xi32, #tpu.memory_space<hbm>>
        tpu.enqueue_dma source(%dma_start3A_324 : memref<64xi32, #tpu.memory_space<hbm>>) target(%arg11 : memref<64xi32, #tpu.memory_space<vmem>>) target_semaphore(%arg31 : memref<!tpu.dma_semaphore, #tpu.memory_space<semaphore_mem>>)
        %add3A_325 = arith.constant 320000 : i32
        %add3A_326 = arith.addi %add3A_325, %add3A_323 : i32
        %dma_start3A_327 = tpu.memref_slice %arg3[%add3A_326] : memref<640000xi32, #tpu.memory_space<hbm>> -> memref<64xi32, #tpu.memory_space<hbm>>
        %dma_start3A_328 = tpu.memref_slice %arg3[%add3A_326] : memref<640000xi32, #tpu.memory_space<hbm>> -> memref<64xi32, #tpu.memory_space<hbm>>
        tpu.enqueue_dma source(%dma_start3A_328 : memref<64xi32, #tpu.memory_space<hbm>>) target(%arg19 : memref<64xi32, #tpu.memory_space<vmem>>) target_semaphore(%arg31 : memref<!tpu.dma_semaphore, #tpu.memory_space<semaphore_mem>>)
      } else {
      }
      %mul3A_263 = arith.constant 8 : i32
      %mul3A_264 = arith.muli %scan3A_95, %mul3A_263 : i32
      %add3A_265 = arith.constant 6 : i32
      %add3A_266 = arith.addi %mul3A_264, %add3A_265 : i32
      %lt3A_267 = arith.cmpi slt, %add3A_266, %min3A_3 : i32
      %convert_element_type3A_268 = arith.extui %lt3A_267 : i1 to i32
      %cond3A_269 = arith.constant 0 : i32
      %cond3A_270 = arith.cmpi ne, %convert_element_type3A_268, %cond3A_269 : i32
      scf.if %cond3A_270 {
        %dma_wait3A = arith.constant 0 : i32
        %dma_wait3A_319 = arith.constant 0 : i32
        %dma_wait3A_320 = tpu.memref_slice %arg2[%dma_wait3A, %dma_wait3A_319] : memref<10000x128xf32, #tpu.memory_space<hbm>> -> memref<64x128xf32, #tpu.memory_space<hbm>>
        %dma_wait3A_321 = arith.constant 0 : i32
        %dma_wait3A_322 = arith.constant 0 : i32
        %dma_wait3A_323 = tpu.memref_slice %arg2[%dma_wait3A_321, %dma_wait3A_322] : memref<10000x128xf32, #tpu.memory_space<hbm>> -> memref<64x128xf32, #tpu.memory_space<hbm>>
        tpu.wait_dma2 semaphore(%arg36 : memref<!tpu.dma_semaphore, #tpu.memory_space<semaphore_mem>>) src(%dma_wait3A_323 : memref<64x128xf32, #tpu.memory_space<hbm>>) dst(%arg24 : memref<64x128xf32, #tpu.memory_space<vmem>>)
        %dma_start3A = arith.constant 0 : i32
        %dma_start3A_324 = arith.constant 0 : i32
        %dma_start3A_325 = tpu.memref_slice %arg42[%dma_start3A, %dma_start3A_324] : memref<10112x128xf32, #tpu.memory_space<vmem_shared>> -> memref<10112x128xf32, #tpu.memory_space<vmem_shared>>
        tpu.enqueue_indirect_dma source(%arg24 : memref<64x128xf32, #tpu.memory_space<vmem>>) target(%dma_start3A_325 : memref<10112x128xf32, #tpu.memory_space<vmem_shared>>) offsets(%arg20 : memref<64xi32, #tpu.memory_space<vmem>>) semaphore(%arg40 : memref<!tpu.dma_semaphore, #tpu.memory_space<semaphore_mem>>) {add = true}
      } else {
      }
      %add3A_271 = arith.constant 4 : i32
      %add3A_272 = arith.addi %add3A_266, %add3A_271 : i32
      %lt3A_273 = arith.cmpi slt, %add3A_272, %min3A_3 : i32
      %convert_element_type3A_274 = arith.extui %lt3A_273 : i1 to i32
      %cond3A_275 = arith.constant 0 : i32
      %cond3A_276 = arith.cmpi ne, %convert_element_type3A_274, %cond3A_275 : i32
      scf.if %cond3A_276 {
        %dma_wait3A = arith.constant 0 : i32
        %dma_wait3A_319 = arith.constant 0 : i32
        %dma_wait3A_320 = tpu.memref_slice %arg42[%dma_wait3A, %dma_wait3A_319] : memref<10112x128xf32, #tpu.memory_space<vmem_shared>> -> memref<10112x128xf32, #tpu.memory_space<vmem_shared>>
        tpu.wait_indirect_dma semaphore(%arg40 : memref<!tpu.dma_semaphore, #tpu.memory_space<semaphore_mem>>) src(%arg24 : memref<64x128xf32, #tpu.memory_space<vmem>>) dst(%dma_wait3A_320 : memref<10112x128xf32, #tpu.memory_space<vmem_shared>>)
        %dma_wait3A_321 = arith.constant 0 : i32
        %dma_wait3A_322 = tpu.memref_slice %arg3[%dma_wait3A_321] : memref<640000xi32, #tpu.memory_space<hbm>> -> memref<64xi32, #tpu.memory_space<hbm>>
        %dma_wait3A_323 = arith.constant 0 : i32
        %dma_wait3A_324 = tpu.memref_slice %arg3[%dma_wait3A_323] : memref<640000xi32, #tpu.memory_space<hbm>> -> memref<64xi32, #tpu.memory_space<hbm>>
        tpu.wait_dma2 semaphore(%arg28 : memref<!tpu.dma_semaphore, #tpu.memory_space<semaphore_mem>>) src(%dma_wait3A_324 : memref<64xi32, #tpu.memory_space<hbm>>) dst(%arg8 : memref<64xi32, #tpu.memory_space<vmem>>)
        %dma_wait3A_325 = arith.constant 0 : i32
        %dma_wait3A_326 = tpu.memref_slice %arg3[%dma_wait3A_325] : memref<640000xi32, #tpu.memory_space<hbm>> -> memref<64xi32, #tpu.memory_space<hbm>>
        %dma_wait3A_327 = arith.constant 0 : i32
        %dma_wait3A_328 = tpu.memref_slice %arg3[%dma_wait3A_327] : memref<640000xi32, #tpu.memory_space<hbm>> -> memref<64xi32, #tpu.memory_space<hbm>>
        tpu.wait_dma2 semaphore(%arg28 : memref<!tpu.dma_semaphore, #tpu.memory_space<semaphore_mem>>) src(%dma_wait3A_328 : memref<64xi32, #tpu.memory_space<hbm>>) dst(%arg16 : memref<64xi32, #tpu.memory_space<vmem>>)
        %dma_start3A = arith.constant 0 : i32
        %dma_start3A_329 = arith.constant 0 : i32
        %dma_start3A_330 = tpu.memref_slice %arg2[%dma_start3A, %dma_start3A_329] : memref<10000x128xf32, #tpu.memory_space<hbm>> -> memref<10000x128xf32, #tpu.memory_space<hbm>>
        tpu.enqueue_indirect_dma source(%dma_start3A_330 : memref<10000x128xf32, #tpu.memory_space<hbm>>) target(%arg24 : memref<64x128xf32, #tpu.memory_space<vmem>>) offsets(%arg8 : memref<64xi32, #tpu.memory_space<vmem>>) semaphore(%arg36 : memref<!tpu.dma_semaphore, #tpu.memory_space<semaphore_mem>>)
      } else {
      }
      %add3A_277 = arith.constant 4 : i32
      %add3A_278 = arith.addi %add3A_266, %add3A_277 : i32
      %ge3A_279 = arith.cmpi sge, %add3A_278, %min3A_3 : i32
      %lt3A_280 = arith.cmpi slt, %add3A_266, %min3A_3 : i32
      %and3A_281 = arith.andi %ge3A_279, %lt3A_280 : i1
      %convert_element_type3A_282 = arith.extui %and3A_281 : i1 to i32
      %cond3A_283 = arith.constant 0 : i32
      %cond3A_284 = arith.cmpi ne, %convert_element_type3A_282, %cond3A_283 : i32
      scf.if %cond3A_284 {
        %dma_wait3A = arith.constant 0 : i32
        %dma_wait3A_319 = arith.constant 0 : i32
        %dma_wait3A_320 = tpu.memref_slice %arg42[%dma_wait3A, %dma_wait3A_319] : memref<10112x128xf32, #tpu.memory_space<vmem_shared>> -> memref<10112x128xf32, #tpu.memory_space<vmem_shared>>
        tpu.wait_indirect_dma semaphore(%arg40 : memref<!tpu.dma_semaphore, #tpu.memory_space<semaphore_mem>>) src(%arg24 : memref<64x128xf32, #tpu.memory_space<vmem>>) dst(%dma_wait3A_320 : memref<10112x128xf32, #tpu.memory_space<vmem_shared>>)
      } else {
      }
      %add3A_285 = arith.constant 8 : i32
      %add3A_286 = arith.addi %add3A_266, %add3A_285 : i32
      %lt3A_287 = arith.cmpi slt, %add3A_286, %min3A_3 : i32
      %convert_element_type3A_288 = arith.extui %lt3A_287 : i1 to i32
      %cond3A_289 = arith.constant 0 : i32
      %cond3A_290 = arith.cmpi ne, %convert_element_type3A_288, %cond3A_289 : i32
      scf.if %cond3A_290 {
        %add3A_319 = arith.constant 8 : i32
        %add3A_320 = arith.addi %add3A_266, %add3A_319 : i32
        %mul3A_321 = arith.constant 64 : i32
        %mul3A_322 = arith.muli %add3A_320, %mul3A_321 : i32
        %add3A_323 = arith.addi %mul3A_9, %mul3A_322 : i32
        %dma_start3A = tpu.memref_slice %arg3[%add3A_323] : memref<640000xi32, #tpu.memory_space<hbm>> -> memref<64xi32, #tpu.memory_space<hbm>>
        %dma_start3A_324 = tpu.memref_slice %arg3[%add3A_323] : memref<640000xi32, #tpu.memory_space<hbm>> -> memref<64xi32, #tpu.memory_space<hbm>>
        tpu.enqueue_dma source(%dma_start3A_324 : memref<64xi32, #tpu.memory_space<hbm>>) target(%arg12 : memref<64xi32, #tpu.memory_space<vmem>>) target_semaphore(%arg32 : memref<!tpu.dma_semaphore, #tpu.memory_space<semaphore_mem>>)
        %add3A_325 = arith.constant 320000 : i32
        %add3A_326 = arith.addi %add3A_325, %add3A_323 : i32
        %dma_start3A_327 = tpu.memref_slice %arg3[%add3A_326] : memref<640000xi32, #tpu.memory_space<hbm>> -> memref<64xi32, #tpu.memory_space<hbm>>
        %dma_start3A_328 = tpu.memref_slice %arg3[%add3A_326] : memref<640000xi32, #tpu.memory_space<hbm>> -> memref<64xi32, #tpu.memory_space<hbm>>
        tpu.enqueue_dma source(%dma_start3A_328 : memref<64xi32, #tpu.memory_space<hbm>>) target(%arg20 : memref<64xi32, #tpu.memory_space<vmem>>) target_semaphore(%arg32 : memref<!tpu.dma_semaphore, #tpu.memory_space<semaphore_mem>>)
      } else {
      }
      %mul3A_291 = arith.constant 8 : i32
      %mul3A_292 = arith.muli %scan3A_95, %mul3A_291 : i32
      %add3A_293 = arith.constant 7 : i32
      %add3A_294 = arith.addi %mul3A_292, %add3A_293 : i32
      %lt3A_295 = arith.cmpi slt, %add3A_294, %min3A_3 : i32
      %convert_element_type3A_296 = arith.extui %lt3A_295 : i1 to i32
      %cond3A_297 = arith.constant 0 : i32
      %cond3A_298 = arith.cmpi ne, %convert_element_type3A_296, %cond3A_297 : i32
      scf.if %cond3A_298 {
        %dma_wait3A = arith.constant 0 : i32
        %dma_wait3A_319 = arith.constant 0 : i32
        %dma_wait3A_320 = tpu.memref_slice %arg2[%dma_wait3A, %dma_wait3A_319] : memref<10000x128xf32, #tpu.memory_space<hbm>> -> memref<64x128xf32, #tpu.memory_space<hbm>>
        %dma_wait3A_321 = arith.constant 0 : i32
        %dma_wait3A_322 = arith.constant 0 : i32
        %dma_wait3A_323 = tpu.memref_slice %arg2[%dma_wait3A_321, %dma_wait3A_322] : memref<10000x128xf32, #tpu.memory_space<hbm>> -> memref<64x128xf32, #tpu.memory_space<hbm>>
        tpu.wait_dma2 semaphore(%arg37 : memref<!tpu.dma_semaphore, #tpu.memory_space<semaphore_mem>>) src(%dma_wait3A_323 : memref<64x128xf32, #tpu.memory_space<hbm>>) dst(%arg25 : memref<64x128xf32, #tpu.memory_space<vmem>>)
        %dma_start3A = arith.constant 0 : i32
        %dma_start3A_324 = arith.constant 0 : i32
        %dma_start3A_325 = tpu.memref_slice %arg42[%dma_start3A, %dma_start3A_324] : memref<10112x128xf32, #tpu.memory_space<vmem_shared>> -> memref<10112x128xf32, #tpu.memory_space<vmem_shared>>
        tpu.enqueue_indirect_dma source(%arg25 : memref<64x128xf32, #tpu.memory_space<vmem>>) target(%dma_start3A_325 : memref<10112x128xf32, #tpu.memory_space<vmem_shared>>) offsets(%arg21 : memref<64xi32, #tpu.memory_space<vmem>>) semaphore(%arg41 : memref<!tpu.dma_semaphore, #tpu.memory_space<semaphore_mem>>) {add = true}
      } else {
      }
      %add3A_299 = arith.constant 4 : i32
      %add3A_300 = arith.addi %add3A_294, %add3A_299 : i32
      %lt3A_301 = arith.cmpi slt, %add3A_300, %min3A_3 : i32
      %convert_element_type3A_302 = arith.extui %lt3A_301 : i1 to i32
      %cond3A_303 = arith.constant 0 : i32
      %cond3A_304 = arith.cmpi ne, %convert_element_type3A_302, %cond3A_303 : i32
      scf.if %cond3A_304 {
        %dma_wait3A = arith.constant 0 : i32
        %dma_wait3A_319 = arith.constant 0 : i32
        %dma_wait3A_320 = tpu.memref_slice %arg42[%dma_wait3A, %dma_wait3A_319] : memref<10112x128xf32, #tpu.memory_space<vmem_shared>> -> memref<10112x128xf32, #tpu.memory_space<vmem_shared>>
        tpu.wait_indirect_dma semaphore(%arg41 : memref<!tpu.dma_semaphore, #tpu.memory_space<semaphore_mem>>) src(%arg25 : memref<64x128xf32, #tpu.memory_space<vmem>>) dst(%dma_wait3A_320 : memref<10112x128xf32, #tpu.memory_space<vmem_shared>>)
        %dma_wait3A_321 = arith.constant 0 : i32
        %dma_wait3A_322 = tpu.memref_slice %arg3[%dma_wait3A_321] : memref<640000xi32, #tpu.memory_space<hbm>> -> memref<64xi32, #tpu.memory_space<hbm>>
        %dma_wait3A_323 = arith.constant 0 : i32
        %dma_wait3A_324 = tpu.memref_slice %arg3[%dma_wait3A_323] : memref<640000xi32, #tpu.memory_space<hbm>> -> memref<64xi32, #tpu.memory_space<hbm>>
        tpu.wait_dma2 semaphore(%arg29 : memref<!tpu.dma_semaphore, #tpu.memory_space<semaphore_mem>>) src(%dma_wait3A_324 : memref<64xi32, #tpu.memory_space<hbm>>) dst(%arg9 : memref<64xi32, #tpu.memory_space<vmem>>)
        %dma_wait3A_325 = arith.constant 0 : i32
        %dma_wait3A_326 = tpu.memref_slice %arg3[%dma_wait3A_325] : memref<640000xi32, #tpu.memory_space<hbm>> -> memref<64xi32, #tpu.memory_space<hbm>>
        %dma_wait3A_327 = arith.constant 0 : i32
        %dma_wait3A_328 = tpu.memref_slice %arg3[%dma_wait3A_327] : memref<640000xi32, #tpu.memory_space<hbm>> -> memref<64xi32, #tpu.memory_space<hbm>>
        tpu.wait_dma2 semaphore(%arg29 : memref<!tpu.dma_semaphore, #tpu.memory_space<semaphore_mem>>) src(%dma_wait3A_328 : memref<64xi32, #tpu.memory_space<hbm>>) dst(%arg17 : memref<64xi32, #tpu.memory_space<vmem>>)
        %dma_start3A = arith.constant 0 : i32
        %dma_start3A_329 = arith.constant 0 : i32
        %dma_start3A_330 = tpu.memref_slice %arg2[%dma_start3A, %dma_start3A_329] : memref<10000x128xf32, #tpu.memory_space<hbm>> -> memref<10000x128xf32, #tpu.memory_space<hbm>>
        tpu.enqueue_indirect_dma source(%dma_start3A_330 : memref<10000x128xf32, #tpu.memory_space<hbm>>) target(%arg25 : memref<64x128xf32, #tpu.memory_space<vmem>>) offsets(%arg9 : memref<64xi32, #tpu.memory_space<vmem>>) semaphore(%arg37 : memref<!tpu.dma_semaphore, #tpu.memory_space<semaphore_mem>>)
      } else {
      }
      %add3A_305 = arith.constant 4 : i32
      %add3A_306 = arith.addi %add3A_294, %add3A_305 : i32
      %ge3A_307 = arith.cmpi sge, %add3A_306, %min3A_3 : i32
      %lt3A_308 = arith.cmpi slt, %add3A_294, %min3A_3 : i32
      %and3A_309 = arith.andi %ge3A_307, %lt3A_308 : i1
      %convert_element_type3A_310 = arith.extui %and3A_309 : i1 to i32
      %cond3A_311 = arith.constant 0 : i32
      %cond3A_312 = arith.cmpi ne, %convert_element_type3A_310, %cond3A_311 : i32
      scf.if %cond3A_312 {
        %dma_wait3A = arith.constant 0 : i32
        %dma_wait3A_319 = arith.constant 0 : i32
        %dma_wait3A_320 = tpu.memref_slice %arg42[%dma_wait3A, %dma_wait3A_319] : memref<10112x128xf32, #tpu.memory_space<vmem_shared>> -> memref<10112x128xf32, #tpu.memory_space<vmem_shared>>
        tpu.wait_indirect_dma semaphore(%arg41 : memref<!tpu.dma_semaphore, #tpu.memory_space<semaphore_mem>>) src(%arg25 : memref<64x128xf32, #tpu.memory_space<vmem>>) dst(%dma_wait3A_320 : memref<10112x128xf32, #tpu.memory_space<vmem_shared>>)
      } else {
      }
      %add3A_313 = arith.constant 8 : i32
      %add3A_314 = arith.addi %add3A_294, %add3A_313 : i32
      %lt3A_315 = arith.cmpi slt, %add3A_314, %min3A_3 : i32
      %convert_element_type3A_316 = arith.extui %lt3A_315 : i1 to i32
      %cond3A_317 = arith.constant 0 : i32
      %cond3A_318 = arith.cmpi ne, %convert_element_type3A_316, %cond3A_317 : i32
      scf.if %cond3A_318 {
        %add3A_319 = arith.constant 8 : i32
        %add3A_320 = arith.addi %add3A_294, %add3A_319 : i32
        %mul3A_321 = arith.constant 64 : i32
        %mul3A_322 = arith.muli %add3A_320, %mul3A_321 : i32
        %add3A_323 = arith.addi %mul3A_9, %mul3A_322 : i32
        %dma_start3A = tpu.memref_slice %arg3[%add3A_323] : memref<640000xi32, #tpu.memory_space<hbm>> -> memref<64xi32, #tpu.memory_space<hbm>>
        %dma_start3A_324 = tpu.memref_slice %arg3[%add3A_323] : memref<640000xi32, #tpu.memory_space<hbm>> -> memref<64xi32, #tpu.memory_space<hbm>>
        tpu.enqueue_dma source(%dma_start3A_324 : memref<64xi32, #tpu.memory_space<hbm>>) target(%arg13 : memref<64xi32, #tpu.memory_space<vmem>>) target_semaphore(%arg33 : memref<!tpu.dma_semaphore, #tpu.memory_space<semaphore_mem>>)
        %add3A_325 = arith.constant 320000 : i32
        %add3A_326 = arith.addi %add3A_325, %add3A_323 : i32
        %dma_start3A_327 = tpu.memref_slice %arg3[%add3A_326] : memref<640000xi32, #tpu.memory_space<hbm>> -> memref<64xi32, #tpu.memory_space<hbm>>
        %dma_start3A_328 = tpu.memref_slice %arg3[%add3A_326] : memref<640000xi32, #tpu.memory_space<hbm>> -> memref<64xi32, #tpu.memory_space<hbm>>
        tpu.enqueue_dma source(%dma_start3A_328 : memref<64xi32, #tpu.memory_space<hbm>>) target(%arg21 : memref<64xi32, #tpu.memory_space<vmem>>) target_semaphore(%arg33 : memref<!tpu.dma_semaphore, #tpu.memory_space<semaphore_mem>>)
      } else {
      }
    }
    %scan3A_89 = arith.constant 20 : i32
    %barrier3A_90 = arith.constant 0 : index
    tpu.barrier barrier_id(%barrier3A_90)
    %mul3A_91 = arith.constant 632 : i32
    %mul3A_92 = arith.muli %arg1, %mul3A_91 : i32
    %mul3A_93 = arith.constant 632 : i32
    %mul3A_94 = arith.muli %arg1, %mul3A_93 : i32
    "tpu.region"() ({
      %run_scoped3A = tpu.sem_alloc : memref<!tpu.dma_semaphore, #tpu.memory_space<semaphore_mem>>
      %dma_start3A = arith.constant 0 : i32
      %dma_start3A_95 = tpu.memref_slice %arg5[%arg0, %mul3A_94, %dma_start3A] : memref<2x10112x128xf32, #tpu.memory_space<hbm>> -> memref<1x632x128xf32, #tpu.memory_space<hbm>>
      %dma_start3A_96 = tpu.memref_squeeze %dma_start3A_95 : memref<1x632x128xf32, #tpu.memory_space<hbm>> -> memref<632x128xf32, #tpu.memory_space<hbm>>
      %dma_start3A_97 = arith.constant 0 : i32
      %dma_start3A_98 = tpu.memref_slice %arg42[%mul3A_92, %dma_start3A_97] : memref<10112x128xf32, #tpu.memory_space<vmem_shared>> -> memref<632x128xf32, #tpu.memory_space<vmem_shared>>
      tpu.enqueue_dma source(%dma_start3A_98 : memref<632x128xf32, #tpu.memory_space<vmem_shared>>) target(%dma_start3A_96 : memref<632x128xf32, #tpu.memory_space<hbm>>) target_semaphore(%run_scoped3A : memref<!tpu.dma_semaphore, #tpu.memory_space<semaphore_mem>>)
      %dma_wait3A = arith.constant 0 : i32
      %dma_wait3A_99 = tpu.memref_slice %arg5[%arg0, %mul3A_94, %dma_wait3A] : memref<2x10112x128xf32, #tpu.memory_space<hbm>> -> memref<1x632x128xf32, #tpu.memory_space<hbm>>
      %dma_wait3A_100 = tpu.memref_squeeze %dma_wait3A_99 : memref<1x632x128xf32, #tpu.memory_space<hbm>> -> memref<632x128xf32, #tpu.memory_space<hbm>>
      %dma_wait3A_101 = arith.constant 0 : i32
      %dma_wait3A_102 = tpu.memref_slice %arg42[%mul3A_92, %dma_wait3A_101] : memref<10112x128xf32, #tpu.memory_space<vmem_shared>> -> memref<632x128xf32, #tpu.memory_space<vmem_shared>>
      tpu.wait_dma2 semaphore(%run_scoped3A : memref<!tpu.dma_semaphore, #tpu.memory_space<semaphore_mem>>) src(%dma_wait3A_102 : memref<632x128xf32, #tpu.memory_space<vmem_shared>>) dst(%dma_wait3A_100 : memref<632x128xf32, #tpu.memory_space<hbm>>)
      tpu.yield
    }) : () -> ()
    return
  }
}

module attributes {stable_mosaic.version = 14 : i64} {
  func.func @body(%arg0: i32, %arg1: memref<2000x128xf32, #tpu.memory_space<vmem>>, %arg2: memref<128x128xf32, #tpu.memory_space<vmem>>, %arg3: memref<2x2000x1xf32, #tpu.memory_space<vmem>>, %arg4: memref<2000x128xf32, #tpu.memory_space<vmem>>) attributes {dimension_semantics = [#tpu.dimension_semantics<arbitrary>], iteration_bounds = array<i64: 5>, scalar_prefetch = 0 : i64, scratch_operands = 0 : i64, tpu.core_type = #tpu.core_type<tc>, window_params = [{transform_indices = @transform_0, window_bounds = array<i64: 2000, 128>}, {pipeline_mode = #tpu.pipeline_mode<synchronous>, transform_indices = @transform_1, window_bounds = array<i64: 128, 128>}, {transform_indices = @transform_2, window_bounds = array<i64: 2, 2000, 1>}, {transform_indices = @transform_3, window_bounds = array<i64: 2000, 128>}]} {
    %get3A = arith.constant 0 : index
    %get3A_0 = arith.constant 0 : index
    %get3A_1 = arith.constant 0 : index
    %get3A_2 = vector.load %arg3[%get3A, %get3A_0, %get3A_1] : memref<2x2000x1xf32, #tpu.memory_space<vmem>>, vector<1x2000x1xf32>
    %get3A_3 = vector.shape_cast %get3A_2 : vector<1x2000x1xf32> to vector<2000x1xf32>
    %get3A_4 = arith.constant 1 : index
    %get3A_5 = arith.constant 0 : index
    %get3A_6 = arith.constant 0 : index
    %get3A_7 = vector.load %arg3[%get3A_4, %get3A_5, %get3A_6] : memref<2x2000x1xf32, #tpu.memory_space<vmem>>, vector<1x2000x1xf32>
    %get3A_8 = vector.shape_cast %get3A_7 : vector<1x2000x1xf32> to vector<2000x1xf32>
    %add3A = arith.addf %get3A_3, %get3A_8 : vector<2000x1xf32>
    %add3A_9 = arith.constant 1.000000e+00 : f32
    %add3A_10 = vector.broadcast %add3A_9 : f32 to vector<2000x1xf32>
    %add3A_11 = arith.addf %add3A, %add3A_10 : vector<2000x1xf32>
    %rsqrt3A = math.rsqrt %add3A_11 : vector<2000x1xf32>
    %get3A_12 = arith.constant 0 : index
    %get3A_13 = arith.constant 0 : index
    %get3A_14 = vector.load %arg1[%get3A_12, %get3A_13] : memref<2000x128xf32, #tpu.memory_space<vmem>>, vector<2000x128xf32>
    %get3A_15 = arith.constant 0 : index
    %get3A_16 = arith.constant 0 : index
    %get3A_17 = vector.load %arg2[%get3A_15, %get3A_16] : memref<128x128xf32, #tpu.memory_space<vmem>>, vector<128x128xf32>
    %dot_general3A = arith.constant dense<0.000000e+00> : vector<2000x128xf32>
    %dot_general3A_18 = tpu.matmul %get3A_14, %get3A_17, %dot_general3A {dimension_numbers = #tpu.dot_dimension_numbers<[1], [0], [0], [1], [0, 0, 1, 1], [], []>, transpose_lhs_hint = false} : vector<2000x128xf32>, vector<128x128xf32>, vector<2000x128xf32> -> vector<2000x128xf32>
    %mul3A = vector.broadcast %rsqrt3A : vector<2000x1xf32> to vector<2000x128xf32>
    %mul3A_19 = arith.mulf %dot_general3A_18, %mul3A : vector<2000x128xf32>
    %swap3A = arith.constant 0 : index
    %swap3A_20 = arith.constant 0 : index
    %swap3A_21 = vector.load %arg4[%swap3A, %swap3A_20] : memref<2000x128xf32, #tpu.memory_space<vmem>>, vector<2000x128xf32>
    tpu.vector_store %arg4[%swap3A, %swap3A_20], %mul3A_19 {strides = array<i32>} : memref<2000x128xf32, #tpu.memory_space<vmem>>, vector<2000x128xf32>,
    return
  }
  func.func @transform_0(%arg0: i32) -> (i32, i32) {
    %c0_i32 = arith.constant 0 : i32
    %c0_i32_0 = arith.constant 0 : i32
    return %arg0, %c0_i32 : i32, i32
  }
  func.func @transform_1(%arg0: i32) -> (i32, i32) {
    %c0_i32 = arith.constant 0 : i32
    %c0_i32_0 = arith.constant 0 : i32
    %c0_i32_1 = arith.constant 0 : i32
    return %c0_i32, %c0_i32_0 : i32, i32
  }
  func.func @transform_2(%arg0: i32) -> (i32, i32, i32) {
    %c0_i32 = arith.constant 0 : i32
    %c0_i32_0 = arith.constant 0 : i32
    %c0_i32_1 = arith.constant 0 : i32
    return %c0_i32, %arg0, %c0_i32_0 : i32, i32, i32
  }
  func.func @transform_3(%arg0: i32) -> (i32, i32) {
    %c0_i32 = arith.constant 0 : i32
    %c0_i32_0 = arith.constant 0 : i32
    return %arg0, %c0_i32 : i32, i32
  }
}

module attributes {stable_mosaic.version = 14 : i64} {
  func.func @body(%arg0: i32, %arg1: memref<2x2000x128xf32, #tpu.memory_space<vmem>>, %arg2: memref<2x2000x1xf32, #tpu.memory_space<vmem>>, %arg3: memref<1x128xf32, #tpu.memory_space<vmem>>, %arg4: memref<128x384xf32, #tpu.memory_space<vmem>>, %arg5: memref<1x384xf32, #tpu.memory_space<vmem>>, %arg6: memref<128x384xf32, #tpu.memory_space<vmem>>, %arg7: memref<1x384xf32, #tpu.memory_space<vmem>>, %arg8: memref<2000x128xf32, #tpu.memory_space<vmem>>, %arg9: memref<2000x128xf32, #tpu.memory_space<vmem>>) attributes {dimension_semantics = [#tpu.dimension_semantics<arbitrary>], iteration_bounds = array<i64: 5>, scalar_prefetch = 0 : i64, scratch_operands = 0 : i64, tpu.core_type = #tpu.core_type<tc>, window_params = [{transform_indices = @transform_0, window_bounds = array<i64: 2, 2000, 128>}, {transform_indices = @transform_1, window_bounds = array<i64: 2, 2000, 1>}, {pipeline_mode = #tpu.pipeline_mode<synchronous>, transform_indices = @transform_2, window_bounds = array<i64: 1, 128>}, {pipeline_mode = #tpu.pipeline_mode<synchronous>, transform_indices = @transform_3, window_bounds = array<i64: 128, 384>}, {pipeline_mode = #tpu.pipeline_mode<synchronous>, transform_indices = @transform_4, window_bounds = array<i64: 1, 384>}, {pipeline_mode = #tpu.pipeline_mode<synchronous>, transform_indices = @transform_5, window_bounds = array<i64: 128, 384>}, {pipeline_mode = #tpu.pipeline_mode<synchronous>, transform_indices = @transform_6, window_bounds = array<i64: 1, 384>}, {transform_indices = @transform_7, window_bounds = array<i64: 2000, 128>}, {transform_indices = @transform_8, window_bounds = array<i64: 2000, 128>}]} {
    %get3A = arith.constant 0 : index
    %get3A_0 = arith.constant 0 : index
    %get3A_1 = arith.constant 0 : index
    %get3A_2 = vector.load %arg2[%get3A, %get3A_0, %get3A_1] : memref<2x2000x1xf32, #tpu.memory_space<vmem>>, vector<1x2000x1xf32>
    %get3A_3 = vector.shape_cast %get3A_2 : vector<1x2000x1xf32> to vector<2000x1xf32>
    %get3A_4 = arith.constant 1 : index
    %get3A_5 = arith.constant 0 : index
    %get3A_6 = arith.constant 0 : index
    %get3A_7 = vector.load %arg2[%get3A_4, %get3A_5, %get3A_6] : memref<2x2000x1xf32, #tpu.memory_space<vmem>>, vector<1x2000x1xf32>
    %get3A_8 = vector.shape_cast %get3A_7 : vector<1x2000x1xf32> to vector<2000x1xf32>
    %add3A = arith.addf %get3A_3, %get3A_8 : vector<2000x1xf32>
    %add3A_9 = arith.constant 1.000000e+00 : f32
    %add3A_10 = vector.broadcast %add3A_9 : f32 to vector<2000x1xf32>
    %add3A_11 = arith.addf %add3A, %add3A_10 : vector<2000x1xf32>
    %rsqrt3A = math.rsqrt %add3A_11 : vector<2000x1xf32>
    %get3A_12 = arith.constant 0 : index
    %get3A_13 = arith.constant 0 : index
    %get3A_14 = arith.constant 0 : index
    %get3A_15 = vector.load %arg1[%get3A_12, %get3A_13, %get3A_14] : memref<2x2000x128xf32, #tpu.memory_space<vmem>>, vector<1x2000x128xf32>
    %get3A_16 = vector.shape_cast %get3A_15 : vector<1x2000x128xf32> to vector<2000x128xf32>
    %get3A_17 = arith.constant 1 : index
    %get3A_18 = arith.constant 0 : index
    %get3A_19 = arith.constant 0 : index
    %get3A_20 = vector.load %arg1[%get3A_17, %get3A_18, %get3A_19] : memref<2x2000x128xf32, #tpu.memory_space<vmem>>, vector<1x2000x128xf32>
    %get3A_21 = vector.shape_cast %get3A_20 : vector<1x2000x128xf32> to vector<2000x128xf32>
    %add3A_22 = arith.addf %get3A_16, %get3A_21 : vector<2000x128xf32>
    %mul3A = vector.broadcast %rsqrt3A : vector<2000x1xf32> to vector<2000x128xf32>
    %mul3A_23 = arith.mulf %add3A_22, %mul3A : vector<2000x128xf32>
    %get3A_24 = arith.constant 0 : index
    %get3A_25 = arith.constant 0 : index
    %get3A_26 = vector.load %arg3[%get3A_24, %get3A_25] : memref<1x128xf32, #tpu.memory_space<vmem>>, vector<1x128xf32>
    %add3A_27 = vector.broadcast %get3A_26 : vector<1x128xf32> to vector<2000x128xf32>
    %add3A_28 = arith.addf %mul3A_23, %add3A_27 : vector<2000x128xf32>
    %max3A = arith.constant 0.000000e+00 : f32
    %max3A_29 = vector.broadcast %max3A : f32 to vector<2000x128xf32>
    %max3A_30 = arith.maximumf %add3A_28, %max3A_29 : vector<2000x128xf32>
    %get3A_31 = arith.constant 0 : index
    %get3A_32 = arith.constant 0 : index
    %get3A_33 = vector.load %arg8[%get3A_31, %get3A_32] : memref<2000x128xf32, #tpu.memory_space<vmem>>, vector<2000x128xf32>
    %get3A_34 = arith.constant 0 : index
    %get3A_35 = arith.constant 0 : index
    %get3A_36 = vector.load %arg6[%get3A_34, %get3A_35] : memref<128x384xf32, #tpu.memory_space<vmem>>, vector<128x384xf32>
    %dot_general3A = arith.constant dense<0.000000e+00> : vector<2000x384xf32>
    %dot_general3A_37 = tpu.matmul %max3A_30, %get3A_36, %dot_general3A {dimension_numbers = #tpu.dot_dimension_numbers<[1], [0], [0], [1], [0, 0, 1, 1], [], []>, transpose_lhs_hint = false} : vector<2000x128xf32>, vector<128x384xf32>, vector<2000x384xf32> -> vector<2000x384xf32>
    %get3A_38 = arith.constant 0 : index
    %get3A_39 = arith.constant 0 : index
    %get3A_40 = vector.load %arg7[%get3A_38, %get3A_39] : memref<1x384xf32, #tpu.memory_space<vmem>>, vector<1x384xf32>
    %add3A_41 = vector.broadcast %get3A_40 : vector<1x384xf32> to vector<2000x384xf32>
    %add3A_42 = arith.addf %dot_general3A_37, %add3A_41 : vector<2000x384xf32>
    %get3A_43 = arith.constant 0 : index
    %get3A_44 = arith.constant 0 : index
    %get3A_45 = vector.load %arg4[%get3A_43, %get3A_44] : memref<128x384xf32, #tpu.memory_space<vmem>>, vector<128x384xf32>
    %dot_general3A_46 = arith.constant dense<0.000000e+00> : vector<2000x384xf32>
    %dot_general3A_47 = tpu.matmul %get3A_33, %get3A_45, %dot_general3A_46 {dimension_numbers = #tpu.dot_dimension_numbers<[1], [0], [0], [1], [0, 0, 1, 1], [], []>, transpose_lhs_hint = false} : vector<2000x128xf32>, vector<128x384xf32>, vector<2000x384xf32> -> vector<2000x384xf32>
    %get3A_48 = arith.constant 0 : index
    %get3A_49 = arith.constant 0 : index
    %get3A_50 = vector.load %arg5[%get3A_48, %get3A_49] : memref<1x384xf32, #tpu.memory_space<vmem>>, vector<1x384xf32>
    %add3A_51 = vector.broadcast %get3A_50 : vector<1x384xf32> to vector<2000x384xf32>
    %add3A_52 = arith.addf %dot_general3A_47, %add3A_51 : vector<2000x384xf32>
    %slice3A = vector.extract_strided_slice %add3A_42 {offsets = [0, 0], sizes = [2000, 128], strides = [1, 1]} : vector<2000x384xf32> to vector<2000x128xf32>
    %slice3A_53 = vector.extract_strided_slice %add3A_52 {offsets = [0, 0], sizes = [2000, 128], strides = [1, 1]} : vector<2000x384xf32> to vector<2000x128xf32>
    %add3A_54 = arith.addf %slice3A, %slice3A_53 : vector<2000x128xf32>
    %logistic3A = arith.negf %add3A_54 : vector<2000x128xf32>
    %logistic3A_55 = math.exp %logistic3A : vector<2000x128xf32>
    %logistic3A_56 = arith.constant 1.000000e+00 : f32
    %logistic3A_57 = vector.broadcast %logistic3A_56 : f32 to vector<2000x128xf32>
    %logistic3A_58 = arith.addf %logistic3A_57, %logistic3A_55 : vector<2000x128xf32>
    %logistic3A_59 = arith.divf %logistic3A_57, %logistic3A_58 : vector<2000x128xf32>
    %slice3A_60 = vector.extract_strided_slice %add3A_42 {offsets = [0, 128], sizes = [2000, 128], strides = [1, 1]} : vector<2000x384xf32> to vector<2000x128xf32>
    %slice3A_61 = vector.extract_strided_slice %add3A_52 {offsets = [0, 128], sizes = [2000, 128], strides = [1, 1]} : vector<2000x384xf32> to vector<2000x128xf32>
    %add3A_62 = arith.addf %slice3A_60, %slice3A_61 : vector<2000x128xf32>
    %logistic3A_63 = arith.negf %add3A_62 : vector<2000x128xf32>
    %logistic3A_64 = math.exp %logistic3A_63 : vector<2000x128xf32>
    %logistic3A_65 = arith.constant 1.000000e+00 : f32
    %logistic3A_66 = vector.broadcast %logistic3A_65 : f32 to vector<2000x128xf32>
    %logistic3A_67 = arith.addf %logistic3A_66, %logistic3A_64 : vector<2000x128xf32>
    %logistic3A_68 = arith.divf %logistic3A_66, %logistic3A_67 : vector<2000x128xf32>
    %slice3A_69 = vector.extract_strided_slice %add3A_42 {offsets = [0, 256], sizes = [2000, 128], strides = [1, 1]} : vector<2000x384xf32> to vector<2000x128xf32>
    %slice3A_70 = vector.extract_strided_slice %add3A_52 {offsets = [0, 256], sizes = [2000, 128], strides = [1, 1]} : vector<2000x384xf32> to vector<2000x128xf32>
    %mul3A_71 = arith.mulf %logistic3A_59, %slice3A_70 : vector<2000x128xf32>
    %add3A_72 = arith.addf %slice3A_69, %mul3A_71 : vector<2000x128xf32>
    %tanh3A = math.tanh %add3A_72 : vector<2000x128xf32>
    %sub3A = arith.constant 1.000000e+00 : f32
    %sub3A_73 = vector.broadcast %sub3A : f32 to vector<2000x128xf32>
    %sub3A_74 = arith.subf %sub3A_73, %logistic3A_68 : vector<2000x128xf32>
    %mul3A_75 = arith.mulf %sub3A_74, %tanh3A : vector<2000x128xf32>
    %mul3A_76 = arith.mulf %logistic3A_68, %get3A_33 : vector<2000x128xf32>
    %add3A_77 = arith.addf %mul3A_75, %mul3A_76 : vector<2000x128xf32>
    %swap3A = arith.constant 0 : index
    %swap3A_78 = arith.constant 0 : index
    %swap3A_79 = vector.load %arg9[%swap3A, %swap3A_78] : memref<2000x128xf32, #tpu.memory_space<vmem>>, vector<2000x128xf32>
    tpu.vector_store %arg9[%swap3A, %swap3A_78], %add3A_77 {strides = array<i32>} : memref<2000x128xf32, #tpu.memory_space<vmem>>, vector<2000x128xf32>,
    return
  }
  func.func @transform_0(%arg0: i32) -> (i32, i32, i32) {
    %c0_i32 = arith.constant 0 : i32
    %c0_i32_0 = arith.constant 0 : i32
    %c0_i32_1 = arith.constant 0 : i32
    return %c0_i32, %arg0, %c0_i32_0 : i32, i32, i32
  }
  func.func @transform_1(%arg0: i32) -> (i32, i32, i32) {
    %c0_i32 = arith.constant 0 : i32
    %c0_i32_0 = arith.constant 0 : i32
    %c0_i32_1 = arith.constant 0 : i32
    return %c0_i32, %arg0, %c0_i32_0 : i32, i32, i32
  }
  func.func @transform_2(%arg0: i32) -> (i32, i32) {
    %c0_i32 = arith.constant 0 : i32
    %c0_i32_0 = arith.constant 0 : i32
    %c0_i32_1 = arith.constant 0 : i32
    return %c0_i32, %c0_i32_0 : i32, i32
  }
  func.func @transform_3(%arg0: i32) -> (i32, i32) {
    %c0_i32 = arith.constant 0 : i32
    %c0_i32_0 = arith.constant 0 : i32
    %c0_i32_1 = arith.constant 0 : i32
    return %c0_i32, %c0_i32_0 : i32, i32
  }
  func.func @transform_4(%arg0: i32) -> (i32, i32) {
    %c0_i32 = arith.constant 0 : i32
    %c0_i32_0 = arith.constant 0 : i32
    %c0_i32_1 = arith.constant 0 : i32
    return %c0_i32, %c0_i32_0 : i32, i32
  }
  func.func @transform_5(%arg0: i32) -> (i32, i32) {
    %c0_i32 = arith.constant 0 : i32
    %c0_i32_0 = arith.constant 0 : i32
    %c0_i32_1 = arith.constant 0 : i32
    return %c0_i32, %c0_i32_0 : i32, i32
  }
  func.func @transform_6(%arg0: i32) -> (i32, i32) {
    %c0_i32 = arith.constant 0 : i32
    %c0_i32_0 = arith.constant 0 : i32
    %c0_i32_1 = arith.constant 0 : i32
    return %c0_i32, %c0_i32_0 : i32, i32
  }
  func.func @transform_7(%arg0: i32) -> (i32, i32) {
    %c0_i32 = arith.constant 0 : i32
    %c0_i32_0 = arith.constant 0 : i32
    return %arg0, %c0_i32 : i32, i32
  }
  func.func @transform_8(%arg0: i32) -> (i32, i32) {
    %c0_i32 = arith.constant 0 : i32
    %c0_i32_0 = arith.constant 0 : i32
    return %arg0, %c0_i32 : i32, i32
  }
}

</mosaic_0001>

<sc_bundles>
// kernel: kernel.6.cloned.1.call-start
scs
__scs_entry_jumppad:
0x0: {  	(pc) =	sbr.rel $0x88, $3  }
0x1: {  	(tag) =	ssettag $0x0;
	lr =	simm.s32 $0x1  }
0x2: {  	[smem:$0x3F98] =	sst lr;
	_ =	strace $0xD0000000  }
0x3: {  	_ = 	snop  }
0x4: {  	_ = 	snop  }
0x5: {  	_ = 	snop  }
0x6: {  	_ = 	snop  }
0x7: {  	_ = 	snop  }
__scs_overlays_trampoline_lowered:
0x8: {  	[smem:$0x3FA7] =	sst s0  }
0x9: {  	[smem:$0x3FA8] =	sst s1  }
0xa: {  	[smem:$0x3FA9] =	sst s2  }
0xb: {  	[smem:$0x3FAA] =	sst s3  }
0xc: {  	[smem:$0x3FAB] =	sst s4  }
0xd: {  	[smem:$0x3FAC] =	sst s5  }
0xe: {  	[smem:$0x3FAD] =	sst s6  }
0xf: {  	[smem:$0x3FAE] =	sst s7  }
0x10: {  	[smem:$0x3FAF] =	sst s8  }
0x11: {  	[smem:$0x3FB0] =	sst s9;
	s0 =	simm.s32 @!p0 $0x0  }
0x12: {  	s1 =	sld [smem:$0x3F96];
	s0 =	simm.s32 @p0 $0x1  }
0x13: {  	[smem:$0x3FB1] =	sst s0;
	s0 =	simm.s32 @!p1 $0x0  }
0x14: {  	s2 =	sld [smem:$0x3F95];
	s0 =	simm.s32 @p1 $0x1  }
0x15: {  	[smem:$0x3FB2] =	sst s0;
	s0 =	simm.s32 @!p2 $0x0  }
0x16: {  	s3 =	sld [smem:$0x3FDB];
	s0 =	simm.s32 @p2 $0x1  }
0x17: {  	s4 =	simm.s32 $0x1BF5;
	[smem:$0x3FB4] =	sst s0  }
0x18: {  	s0 =	sld [smem:$0x3F97];
	_ =	swait.ge [sflag:s4], $0x0  }
0x19: {  	s7 =	sld [smem:$0x3F98]  }
0x1a: {  	s8 =	sadd.s32 $0xFFFFE003, lr  }
0x1b: {  	s9 =	sadd.s32 $0xFFFFFEF7, lr;
	s5 =	simm.s32 $0xFFFFFFFF;
	p2 =	slt.u32 s8, $0xFFFFF086  }
0x1c: {  	p1 =	slt.u32 s9, $0xF7A;
	s5 =	simm.s32 @!p2 $0x0  }
0x1d: {  	s5 =	simm.s32 @p1 $0x1;
	p0 =	seq.s32 s7, s2  }
0x1e: {  	s7 =	smul.u32 @!p0 $0xF7A, s2;
	p2 =	seq.s32 @!p0 s5, $0x0  }
0x1f: {  	s9 =	smul.u32 $0xF7A, s1;
	s8 =	simm.s32 @!p0 $0x1BF5;
	p2 =	por !p2, p0  }
0x20: {  	[sflag:s8] =	ssyncset.s32 @!p0 $0xFFFFF086;
	s6 =	sadd.s32 @!p0 s3, s7;
	s7 =	simm.s32 @!p0 $0x108  }
0x21: {  	s3 =	sadd.s32 s3, s9;
	s6 =	sadd.s32 @!p0 $0x88, s6;
	s7 =	simm.s32 @p2 $0x1082  }
0x22: {  	[simem:s7], [sflag:s8] =	dma.local @!p0 [hbm:s6], $0xF7A  }
0x23: {  	s9 =	sor.u32 $0xD0000000, s2;
	s6 =	simm.s32 $0x108;
	_ =	swait.ge @!p0 [sflag:s8], $0x0  }
0x24: {  	s3 =	sadd.s32 $0x88, s3;
	s6 =	simm.s32 @!p1 $0x1082;
	[sflag:s4] =	ssyncset.s32 $0xFFFFF086  }
0x25: {  	[simem:s6], [sflag:s4] =	dma.local [hbm:s3], $0xF7A  }
0x26: {  	[smem:$0x3F98] =	sst s1;
	(tag) =	ssettag s2;
	_ =	strace s9  }
0x27: {  	s1 =	sld [smem:$0x3FA8]  }
0x28: {  	s2 =	sld [smem:$0x3FA9]  }
0x29: {  	s4 =	sld [smem:$0x3FAB]  }
0x2a: {  	p0 =	seq.s32 s5, $0x0;
	s5 =	sld [smem:$0x3FAC]  }
0x2b: {  	s6 =	sld [smem:$0x3FAD]  }
0x2c: {  	s7 =	sld [smem:$0x3FAE]  }
0x2d: {  	s3 =	simm.s32 $0x108;
	s8 =	sld [smem:$0x3FAF]  }
0x2e: {  	s3 =	simm.s32 @!p0 $0x1082;
	s9 =	sld [smem:$0x3FB0]  }
0x2f: {  	lr =	sadd.s32 s0, s3;
	s0 =	sld [smem:$0x3FA7]  }
0x30: {  	s3 =	sld [smem:$0x3FAA]  }
0x31: {  	[smem:$0x3FB3] =	sst s10  }
0x32: {  	s10 =	sld [smem:$0x3FB1];
	_ =	sdelay $0x3  }
0x33: {  	p0 =	seq.s32 s10, $0x1;
	s10 =	sld [smem:$0x3FB3];
	_ =	sdelay $0x3  }
0x34: {  	[smem:$0x3FB3] =	sst s10  }
0x35: {  	s10 =	sld [smem:$0x3FB2];
	_ =	sdelay $0x3  }
0x36: {  	p1 =	seq.s32 s10, $0x1;
	s10 =	sld [smem:$0x3FB3];
	_ =	sdelay $0x3  }
0x37: {  	[smem:$0x3FB3] =	sst s10  }
0x38: {  	s10 =	sld [smem:$0x3FB4]  }
0x39: {  	_ = 	snop;
	(pc) =	sbr.ind lr, $3  }
0x3a: {  	_ = 	snop  }
0x3b: {  	_ = 	snop  }
0x3c: {  	p2 =	seq.s32 s10, $0x1;
	s10 =	sld [smem:$0x3FB3]  }
0x3d: {  	_ =	shalt  }
0x3e: {  	_ =	shalt  }
0x3f: {  	_ =	shalt  }
0x40: {  	_ =	shalt  }
0x41: {  	_ =	shalt  }
0x42: {  	_ =	shalt  }
0x43: {  	_ =	shalt  }
0x44: {  	_ =	shalt  }
0x45: {  	_ =	shalt  }
0x46: {  	_ =	shalt  }
0x47: {  	_ =	shalt  }
0x48: {  	_ =	shalt  }
0x49: {  	_ =	shalt  }
0x4a: {  	_ =	shalt  }
0x4b: {  	_ =	shalt  }
0x4c: {  	_ =	shalt  }
0x4d: {  	_ =	shalt  }
0x4e: {  	_ =	shalt  }
0x4f: {  	_ =	shalt  }
0x50: {  	_ =	shalt  }
0x51: {  	_ =	shalt  }
0x52: {  	_ =	shalt  }
0x53: {  	_ =	shalt  }
0x54: {  	_ =	shalt  }
0x55: {  	_ =	shalt  }
0x56: {  	_ =	shalt  }
0x57: {  	_ =	shalt  }
0x58: {  	_ =	shalt  }
0x59: {  	_ =	shalt  }
0x5a: {  	_ =	shalt  }
0x5b: {  	_ =	shalt  }
0x5c: {  	_ =	shalt  }
0x5d: {  	_ =	shalt  }
0x5e: {  	_ =	shalt  }
0x5f: {  	_ =	shalt  }
0x60: {  	_ =	shalt  }
0x61: {  	_ =	shalt  }
0x62: {  	_ =	shalt  }
0x63: {  	_ =	shalt  }
0x64: {  	_ =	shalt  }
0x65: {  	_ =	shalt  }
0x66: {  	_ =	shalt  }
0x67: {  	_ =	shalt  }
0x68: {  	_ =	shalt  }
0x69: {  	_ =	shalt  }
0x6a: {  	_ =	shalt  }
0x6b: {  	_ =	shalt  }
0x6c: {  	_ =	shalt  }
0x6d: {  	_ =	shalt  }
0x6e: {  	_ =	shalt  }
0x6f: {  	_ =	shalt  }
0x70: {  	_ =	shalt  }
0x71: {  	_ =	shalt  }
0x72: {  	_ =	shalt  }
0x73: {  	_ =	shalt  }
0x74: {  	_ =	shalt  }
0x75: {  	_ =	shalt  }
0x76: {  	_ =	shalt  }
0x77: {  	_ =	shalt  }
0x78: {  	_ =	shalt  }
0x79: {  	_ =	shalt  }
0x7a: {  	_ =	shalt  }
0x7b: {  	_ =	shalt  }
0x7c: {  	_ =	shalt  }
0x7d: {  	_ =	shalt  }
0x7e: {  	_ =	shalt  }
0x7f: {  	_ =	shalt  }
0x80: {  	_ =	shalt  }
0x81: {  	_ =	shalt  }
0x82: {  	_ =	shalt  }
0x83: {  	_ =	shalt  }
0x84: {  	_ =	shalt  }
0x85: {  	_ =	shalt  }
0x86: {  	_ =	shalt  }
0x87: {  	_ =	shalt  }
.Lfunc_end0:
.L_simem_size_0:
called_computation_lowered:
.L_overlay_start_0:
0x88: {  	s2 =	sld [smem:$0x3FD9]  }
0x89: {  	s3 =	sld [smem:$0x3FFE];
	_ =	sdelay $0x1  }
0x8a: {  	s1 =	srdreg.scid  }
0x8b: {  	s0 =	sand.u32 $0x1, s1  }
0x8c: {  	s14 =	sshll.u32 s0, $0xA;
	s2 =	sadd.s32 s3, s2  }
0x8d: {  	s2 =	sadd.s32 s2, s14  }
0x8e: {  	[smem:$0x3FBF] =	sst s2  }
0x8f: {  	_ = 	snop  }
0x90: {  	s2 =	sld [smem:$0x3FD0];
	_ =	sdelay $0x2  }
0x91: {  	s15 =	simm.s32 $0xA;
	s4 =	simm.s32 $0x10  }
0x92: {  	[smem:s4], [sflag:s15] =	dma.local [hbm:s2], $0x1  }
0x93: {  	_ =	swait.eq [sflag:s15], $0x1  }
0x94: {  	[sflag:s15] =	ssyncset.done $0x0  }
0x95: {  	s16 =	sld [smem:$0x10];
	[sflag:s15] =	ssyncadd.s32 $0xFFFFFFFF  }
0x96: {  	s17 =	sld [smem:$0x11];
	(tm) =	ssettm $0x1  }
0x97: {  	s18 =	sld [smem:$0x3FFB];
	_ =	sdelay $0x3  }
0x98: {  	_ =	strace s18  }
0x99: {  	s4 =	sld [smem:$0x3FFC];
	_ =	sdelay $0x3  }
0x9a: {  	_ =	strace s4  }
0x9b: {  	s4 =	sld [smem:$0x3FFD];
	_ =	sdelay $0x3  }
0x9c: {  	_ =	strace s4  }
0x9d: {  	_ =	strace $0x8FFFFFFF  }
0x9e: {  	s19 =	sld [smem:$0x3FDB];
	_ =	sdelay $0x1  }
0x9f: {  	s5 =	simm.s32 $_scs_section_size  }
0xa0: {  	s6 =	simm.s32 $_size__tile_overlayer_lowered;
	s7 =	simm.s32 $_tile_overlayer_lowered  }
0xa1: {  	s22 =	simm.s32 $0x1BFF;
	s21 =	sshll.u32 s7, $0x1;
	s4 =	sadd.s32 s5, s19  }
0xa2: {  	s8 =	simm.s32 $0x0;
	s20 =	sshll.u32 s6, $0x1;
	s6 =	sadd.s32 s21, s4  }
0xa3: {  	[timem:s8], [sflag:s22] =	dma.local [hbm:s6], s20  }
0xa4: {  	_ =	swait.ge [sflag:s22], s20  }
0xa5: {  	s5 =	ssub.s32 $0x0, s20;
	[sflag:s22] =	ssyncset.done $0x0  }
0xa6: {  	[sflag:s22] =	ssyncadd.s32 s5;
	_ =	sdelay $0x1  }
0xa7: {  	s23 =	simm.s32 $0x1B8B  }
0xa8: {  	_ =	swait.ge [sflag:s23], $0x1  }
0xa9: {  	[sflag:s23] =	ssyncset.done $0x0  }
0xaa: {  	s25 =	simm.s32 $0x1B8E;
	s24 =	sld [smem:$0x3FFE];
	[sflag:s23] =	ssyncadd.s32 $0xFFFFFFFF  }
0xab: {  	s26 =	simm.s32 $execute0_lowered;
	[smem:$0x3FD2] =	sst s25  }
0xac: {  	s6 =	sshll.u32 s26, $0x1;
	_ =	strace $0x80000046;
	[dreg:$0x1] =	wrdreg $0xFFFFFFFF  }
0xad: {  	s28 =	simm.s32 $_size_execute0_lowered;
	s4 =	sadd.s32 s4, s6;
	[dreg:$0x0] =	wrdreg $0x0  }
0xae: {  	s6 =	sshll.u32 s28, $0x1;
	[dreg:$0x2] =	wrdreg s4  }
0xaf: {  	[dreg:$0x3] =	wrdreg s6  }
0xb0: {  	[dreg:$0x4] =	wrdreg $0xC0  }
0xb1: {  	_ =	task [dreg:s8], $0x5FFFF  }
0xb2: {  	[dreg:$0x1] =	wrdreg $0xFFFFFFFF  }
0xb3: {  	[dreg:$0x0] =	wrdreg $0x60  }
0xb4: {  	[dreg:$0x2] =	wrdreg s16  }
0xb5: {  	[dreg:$0x3] =	wrdreg s24  }
0xb6: {  	[dreg:$0x4] =	wrdreg s17  }
0xb7: {  	[dreg:$0x5] =	wrdreg $0x7000  }
0xb8: {  	[dreg:$0x6] =	wrdreg $0x9  }
0xb9: {  	_ =	task.clear_ibuf [dreg:s8], $0x7FFFF;
	_ =	strace $0x90000046  }
0xba: {  	s29 =	simm.s32 $0x9;
	_ =	strace $0x80000048  }
0xbb: {  	_ =	swait.ge [sflag:s29], $0x1  }
0xbc: {  	[sflag:s29] =	ssyncadd.s32 $0xFFFFFFFF  }
0xbd: {  	_ =	strace $0x90000048  }
0xbe: {  	_ =	sfence  }
0xbf: {  	s30 =	sld [smem:$0x0];
	_ =	sdelay $0x2  }
0xc0: {  	s31 =	sshll.u32 s1, $0xD;
	s1 =	sshrl.u32 s1, $0x2  }
0xc1: {  	s3 =	sand.u32 $0x4000, s31;
	s1 =	sadd.s32 s1, s30  }
0xc2: {  	s0 =	sor.u32 s3, s0;
	s1 =	sshll.u32 s1, $0x11  }
0xc3: {  	s0 =	sor.u32 s1, s0  }
0xc4: {  	s0 =	sadd.s32 $0x8F2B, s0  }
0xc5: {  	[sflag:s0] =	ssyncadd.remote.s32 $0x1  }
0xc6: {  	_ =	sfence.sel $0xFFFF  }
0xc7: {  	[dreg:$0x0] =	wrdreg $0xFFFFFFFF;
	(pc) =	sbr.abs _section_cstart, $3  }
0xc8: {  	[dreg:$0x1] =	wrdreg $0xFFFFFFFF  }
0xc9: {  	_ =	task.clear_ibuf [dreg:s8], $0x2FFFF;
	_ =	strace $0x9FFFFFFF  }
0xca: {  	(tm) =	ssettm $0x7FFFFFFF  }
0xcb: {  	_ =	shalt  }
tec
execute0_lowered:
.L_overlay_start_1:
0x0: {  	(tag) =	ssettag $0x1  }
0x1: {  	s5 =	rddreg [dreg:$0x0]  }
0x2: {  	s0 =	rddreg [dreg:$0x1]  }
0x3: {  	s1 =	rddreg [dreg:$0x2]  }
0x4: {  	s3 =	rddreg [dreg:$0x3]  }
0x5: {  	s2 =	srdreg.scid;
	s11 =	stileid.u32;
	s4 =	simm.s32 $0x0  }
0x6: {  	s30 =	simm.s32 $0x9;
	s31 =	simm.s32 $0xA;
	s6 =	smul.u32 $0xA0, s11  }
0x7: {  	s2 =	sand.u32 $0x1, s2;
	[smem:$0x7FF] =	sst s4;
	s9 =	smul.u32 $0x278, s11  }
0x8: {  	s8 =	sadd.s32 $0x2A00, s0;
	s0 =	sadd.s32 $0x2C00, s0;
	s11 =	smul.u32 $0x2800, s11  }
0x9: {  	s7 =	smul.u32 $0x9C4, s2;
	_ =	strace $0x80000047;
	[dreg:$0xd] =	wrdreg s8  }
0xa: {  	s22 =	ssub.s32 $0x2, s2;
	[dreg:$0xe] =	wrdreg s0;
	s25 =	smul.u32 $0x27100, s2  }
0xb: {  	s2 =	smul.u32 $0x2780, s2;
	s23 =	sshrl.u32 s22, $0x1;
	s7 =	sadd.s32 s6, s7  }
0xc: {  	s8 =	sadd.s32 s9, s3;
	s6 =	ssub.s32 $0x9C4, s6;
	s10 =	sshll.u32 s7, $0x3  }
0xd: {  	s0 =	ssub.s32 s22, s23;
	s2 =	sadd.s32 s9, s2;
	s24 =	sadd.s32 s5, s10  }
0xe: {  	s7 =	smin.u32 s6, $0xA0;
	s2 =	sshrl.u32 s2, $0x3;
	s10 =	sadd.s32 $0x9C40, s24  }
0xf: {  	s12 =	sadd.s32 $0x9C48, s24;
	s26 =	sadd.s32 $0x9C50, s24;
	[dreg:$0xf] =	wrdreg s10  }
0x10: {  	s28 =	sadd.s32 $0x9C58, s24;
	s29 =	sadd.s32 $0x9C60, s24;
	[dreg:$0x10] =	wrdreg s12  }
0x11: {  	s14 =	sadd.s32 $0x9C68, s24;
	s15 =	sadd.s32 $0x9C70, s24;
	[dreg:$0x11] =	wrdreg s26  }
0x12: {  	s16 =	sadd.s32 $0x9C78, s24;
	[dreg:$0x12] =	wrdreg s28;
	s10 =	sadd.s32 s11, s25  }
0x13: {  	[dreg:$0x13] =	wrdreg s29;
	s11 =	sadd.s32 $0x4E400, s10;
	s12 =	sadd.s32 $0x4E440, s10  }
0x14: {  	s17 =	sadd.s32 $0x4E480, s10;
	s19 =	sadd.s32 $0x4E4C0, s10;
	s21 =	sadd.s32 $0x4E500, s10  }
0x15: {  	s23 =	sadd.s32 $0x4E540, s10;
	s25 =	sadd.s32 $0x4E580, s10;
	s6 =	sshrl.u32 s11, $0x3  }
0x16: {  	s28 =	sadd.s32 $0x4E5C0, s10;
	s13 =	sshrl.u32 s12, $0x3;
	[dreg:$0x5] =	wrdreg s6  }
0x17: {  	s18 =	sshrl.u32 s17, $0x3;
	s20 =	sshrl.u32 s19, $0x3;
	[dreg:$0x6] =	wrdreg s13  }
0x18: {  	s22 =	sshrl.u32 s21, $0x3;
	s24 =	sshrl.u32 s23, $0x3;
	[dreg:$0x7] =	wrdreg s18  }
0x19: {  	s26 =	sshrl.u32 s25, $0x3;
	s17 =	sadd.s32 s1, s2;
	[dreg:$0x8] =	wrdreg s20  }
0x1a: {  	s29 =	sshrl.u32 s28, $0x3;
	s21 =	simm.s32 $0x480;
	[dreg:$0x9] =	wrdreg s22  }
0x1b: {  	s2 =	simm.s32 $0xC;
	s19 =	simm.s32 $0xD;
	[dreg:$0xa] =	wrdreg s24  }
0x1c: {  	s23 =	simm.s32 $0xF;
	s25 =	simm.s32 $0x0;
	[dreg:$0xb] =	wrdreg s26  }
0x1d: {  	s18 =	smax.u32 s0, $0x1;
	[dreg:$0xc] =	wrdreg s29;
	s20 =	simm.s32 $0x11  }
0x1e: {  	s0 =	simm.s32 $0xB;
	s22 =	simm.s32 $0xE;
	s24 =	simm.s32 $0x10  }
.LBB2_1:
0x1f: {  	s1 =	rddreg [dreg:$0xe];
	s6 =	simm.s32 $0x400  }
0x20: {  	[tilespmem:s6], [sflag:$0x11] =	stream.linear.gather [hbm4b:s1+s4], $0x80, $0x38;
	[tilespmem:$0x978] =	vst v63  }
0x21: {  	_ =	swait.ge [sflag:s20], $0x80  }
0x22: {  	[sflag:s20] =	ssyncset.done $0x0  }
0x23: {  	s9 =	rddreg [dreg:$0xd];
	[sflag:s20] =	ssyncadd.s32 $0xFFFFFF80  }
0x24: {  	[tilespmem:s21], [sflag:$0x11] =	stream.linear.gather [hbm4b:s9+s4], $0x280, $0x38;
	[tilespmem:$0x978] =	vst v63  }
0x25: {  	_ =	swait.ge [sflag:s20], $0x280  }
0x26: {  	[sflag:s20] =	ssyncset.done $0x0  }
0x27: {  	[sflag:s20] =	ssyncadd.s32 $0xFFFFFD80  }
0x28: {  	[spmem:s8] =	stream.linear.scatter [tilespmem:s21], [sflag:$0x11], $0x278, $0x38;
	[tilespmem:$0x978] =	vst v63  }
0x29: {  	_ =	swait.ge [sflag:s20], $0x278  }
0x2a: {  	[sflag:s20] =	ssyncset.done $0x0  }
0x2b: {  	[sflag:s20] =	ssyncadd.s32 $0xFFFFFD88  }
0x2c: {  	[bflag:$0x0] =	sbarrier.arrive $0xFFFF  }
0x2d: {  	s10 =	rddreg [dreg:$0xf]  }
0x2e: {  	[tilespmem:s4], [sflag:$0x1] =	stream.linear.gather [hbm4b:s10+s4], $0x40, $0x38;
	[tilespmem:$0x978] =	vst v63  }
0x2f: {  	s12 =	simm.s32 $0x80;
	s11 =	rddreg [dreg:$0x10]  }
0x30: {  	[tilespmem:s12], [sflag:$0x2] =	stream.linear.gather [hbm4b:s11+s4], $0x40, $0x38;
	[tilespmem:$0x978] =	vst v63  }
0x31: {  	s26 =	simm.s32 $0x100;
	s13 =	rddreg [dreg:$0x11]  }
0x32: {  	[tilespmem:s26], [sflag:$0x3] =	stream.linear.gather [hbm4b:s13+s4], $0x40, $0x38;
	[tilespmem:$0x978] =	vst v63  }
0x33: {  	s9 =	simm.s32 $0x180;
	s6 =	rddreg [dreg:$0x12]  }
0x34: {  	[tilespmem:s9], [sflag:$0x4] =	stream.linear.gather [hbm4b:s6+s4], $0x40, $0x38;
	[tilespmem:$0x978] =	vst v63  }
0x35: {  	s10 =	rddreg [dreg:$0x13];
	s11 =	simm.s32 $0x200  }
0x36: {  	[tilespmem:s11], [sflag:$0x5] =	stream.linear.gather [hbm4b:s10+s4], $0x40, $0x38;
	[tilespmem:$0x978] =	vst v63  }
0x37: {  	p0 =	sle.u32 s7, $0x0;
	s12 =	simm.s32 $0x280  }
0x38: {  	[tilespmem:s12], [sflag:$0x6] =	stream.linear.gather [hbm4b:s14+s4], $0x40, $0x38;
	[tilespmem:$0x978] =	vst v63  }
0x39: {  	p0 =	por p0, p0;
	s13 =	simm.s32 $0x300  }
0x3a: {  	[tilespmem:s13], [sflag:$0x7] =	stream.linear.gather [hbm4b:s15+s4], $0x40, $0x38;
	[tilespmem:$0x978] =	vst v63  }
0x3b: {  	s1 =	simm.s32 @!p0 $0x1;
	s26 =	simm.s32 $0x380  }
0x3c: {  	[tilespmem:s26], [sflag:$0x8] =	stream.linear.gather [hbm4b:s16+s4], $0x40, $0x38;
	[tilespmem:$0x978] =	vst v63  }
0x3d: {  	p1 =	sle.u32 s7, $0x8;
	_ =	swait.ge @!p0 [sflag:s1], $0x40  }
0x3e: {  	s6 =	simm.s32 @!p0 $0x0;
	s9 =	simm.s32 @!p0 $0x400;
	[sflag:s1] =	ssyncset.done @!p0 $0x0  }
0x3f: {  	s10 =	simm.s32 @!p1 $0x9;
	[sflag:s1] =	ssyncadd.s32 @!p0 $0xFFFFFFC0;
	s1 =	simm.s32 @!p0 $0x40  }
0x40: {  	[spmem:s3] =	stream.indirect.scatter.add.f32 @!p0 [tilespmem:s9], [sflag:$0x9], $0x1, s6, s1, $0xb8;
	[tilespmem:$0x978] =	vst v63  }
0x41: {  	_ =	swait.ge @!p1 [sflag:s10], $0x40  }
0x42: {  	s6 =	simm.s32 @!p1 $0x0;
	s1 =	rddreg [dreg:$0x5];
	[sflag:s10] =	ssyncset.done @!p1 $0x0  }
0x43: {  	p0 =	sle.u32 s7, $0x1;
	[sflag:s10] =	ssyncadd.s32 @!p1 $0xFFFFFFC0;
	s1 =	sadd.s32 @!p1 s5, s1  }
0x44: {  	[tilespmem:s6], [sflag:$0x1] =	stream.linear.gather @!p1 [hbm4b:s1+s6], $0x40, $0x38;
	[tilespmem:$0x978] =	vst v63  }
0x45: {  	s1 =	simm.s32 @!p0 $0x2  }
0x46: {  	s9 =	simm.s32 @!p0 $0x40;
	_ =	swait.ge @!p0 [sflag:s1], $0x40  }
0x47: {  	s6 =	simm.s32 @!p0 $0x400;
	p1 =	sle.u32 s7, $0x9;
	[sflag:s1] =	ssyncset.done @!p0 $0x0  }
0x48: {  	s10 =	simm.s32 @!p1 $0xA;
	[sflag:s1] =	ssyncadd.s32 @!p0 $0xFFFFFFC0;
	s1 =	simm.s32 @!p0 $0x80  }
0x49: {  	[spmem:s3] =	stream.indirect.scatter.add.f32 @!p0 [tilespmem:s6], [sflag:$0xA], $0x1, s1, s9, $0xb8;
	[tilespmem:$0x978] =	vst v63  }
0x4a: {  	s6 =	simm.s32 @!p1 $0x0;
	p0 =	sle.u32 s7, $0x2;
	_ =	swait.ge @!p1 [sflag:s10], $0x40  }
0x4b: {  	s9 =	simm.s32 @!p1 $0x80;
	s1 =	rddreg [dreg:$0x6];
	[sflag:s10] =	ssyncset.done @!p1 $0x0  }
0x4c: {  	[sflag:s10] =	ssyncadd.s32 @!p1 $0xFFFFFFC0;
	s1 =	sadd.s32 @!p1 s5, s1;
	s10 =	simm.s32 @!p0 $0x3  }
0x4d: {  	[tilespmem:s9], [sflag:$0x2] =	stream.linear.gather @!p1 [hbm4b:s1+s6], $0x40, $0x38;
	[tilespmem:$0x978] =	vst v63  }
0x4e: {  	s1 =	simm.s32 @!p0 $0x400;
	_ =	swait.ge @!p0 [sflag:s10], $0x40  }
0x4f: {  	s6 =	simm.s32 @!p0 $0x40;
	p1 =	sle.u32 s7, $0xA;
	[sflag:s10] =	ssyncset.done @!p0 $0x0  }
0x50: {  	s9 =	simm.s32 @!p0 $0x100;
	[sflag:s10] =	ssyncadd.s32 @!p0 $0xFFFFFFC0;
	s10 =	simm.s32 @!p1 $0xB  }
0x51: {  	[spmem:s3] =	stream.indirect.scatter.add.f32 @!p0 [tilespmem:s1], [sflag:$0xB], $0x1, s9, s6, $0xb8;
	[tilespmem:$0x978] =	vst v63  }
0x52: {  	s6 =	simm.s32 @!p1 $0x0;
	p0 =	sle.u32 s7, $0x3;
	_ =	swait.ge @!p1 [sflag:s10], $0x40  }
0x53: {  	s9 =	simm.s32 @!p1 $0x100;
	s1 =	rddreg [dreg:$0x7];
	[sflag:s10] =	ssyncset.done @!p1 $0x0  }
0x54: {  	[sflag:s10] =	ssyncadd.s32 @!p1 $0xFFFFFFC0;
	s1 =	sadd.s32 @!p1 s5, s1;
	s10 =	simm.s32 @!p0 $0x4  }
0x55: {  	[tilespmem:s9], [sflag:$0x3] =	stream.linear.gather @!p1 [hbm4b:s1+s6], $0x40, $0x38;
	[tilespmem:$0x978] =	vst v63  }
0x56: {  	s28 =	simm.s32 $0x8;
	s1 =	simm.s32 @!p0 $0x400;
	_ =	swait.ge @!p0 [sflag:s10], $0x40  }
0x57: {  	s6 =	simm.s32 @!p0 $0x40;
	p1 =	sle.u32 s7, $0xB;
	[sflag:s10] =	ssyncset.done @!p0 $0x0  }
0x58: {  	s9 =	simm.s32 @!p0 $0x180;
	[sflag:s10] =	ssyncadd.s32 @!p0 $0xFFFFFFC0;
	s10 =	simm.s32 @!p1 $0xC  }
0x59: {  	[spmem:s3] =	stream.indirect.scatter.add.f32 @!p0 [tilespmem:s1], [sflag:$0xC], $0x1, s9, s6, $0xb8;
	[tilespmem:$0x978] =	vst v63  }
0x5a: {  	s6 =	simm.s32 @!p1 $0x0;
	p0 =	sle.u32 s7, $0x4;
	_ =	swait.ge @!p1 [sflag:s10], $0x40  }
0x5b: {  	s9 =	simm.s32 @!p1 $0x180;
	s1 =	rddreg [dreg:$0x8];
	[sflag:s10] =	ssyncset.done @!p1 $0x0  }
0x5c: {  	[sflag:s10] =	ssyncadd.s32 @!p1 $0xFFFFFFC0;
	s1 =	sadd.s32 @!p1 s5, s1;
	s10 =	simm.s32 @!p0 $0x5  }
0x5d: {  	[tilespmem:s9], [sflag:$0x4] =	stream.linear.gather @!p1 [hbm4b:s1+s6], $0x40, $0x38;
	[tilespmem:$0x978] =	vst v63  }
0x5e: {  	p2 =	sle.u32 s7, $0xF;
	s1 =	simm.s32 @!p0 $0x400;
	_ =	swait.ge @!p0 [sflag:s10], $0x40  }
0x5f: {  	s6 =	simm.s32 @!p0 $0x40;
	p1 =	sle.u32 s7, $0xC;
	[sflag:s10] =	ssyncset.done @!p0 $0x0  }
0x60: {  	s9 =	simm.s32 @!p0 $0x200;
	[sflag:s10] =	ssyncadd.s32 @!p0 $0xFFFFFFC0;
	s10 =	simm.s32 @!p1 $0xD  }
0x61: {  	[spmem:s3] =	stream.indirect.scatter.add.f32 @!p0 [tilespmem:s1], [sflag:$0xD], $0x1, s9, s6, $0xb8;
	[tilespmem:$0x978] =	vst v63  }
0x62: {  	s6 =	simm.s32 @!p1 $0x0;
	p0 =	sle.u32 s7, $0x5;
	_ =	swait.ge @!p1 [sflag:s10], $0x40  }
0x63: {  	s9 =	simm.s32 @!p1 $0x200;
	s1 =	rddreg [dreg:$0x9];
	[sflag:s10] =	ssyncset.done @!p1 $0x0  }
0x64: {  	[sflag:s10] =	ssyncadd.s32 @!p1 $0xFFFFFFC0;
	s1 =	sadd.s32 @!p1 s5, s1;
	s10 =	simm.s32 @!p0 $0x6  }
0x65: {  	[tilespmem:s9], [sflag:$0x5] =	stream.linear.gather @!p1 [hbm4b:s1+s6], $0x40, $0x38;
	[tilespmem:$0x978] =	vst v63  }
0x66: {  	p6 =	sle.u32 s7, $0x8;
	s1 =	simm.s32 @!p0 $0x400;
	_ =	swait.ge @!p0 [sflag:s10], $0x40  }
0x67: {  	s6 =	simm.s32 @!p0 $0x40;
	p1 =	sle.u32 s7, $0xD;
	[sflag:s10] =	ssyncset.done @!p0 $0x0  }
0x68: {  	s9 =	simm.s32 @!p0 $0x280;
	[sflag:s10] =	ssyncadd.s32 @!p0 $0xFFFFFFC0;
	s10 =	simm.s32 @!p1 $0xE  }
0x69: {  	[spmem:s3] =	stream.indirect.scatter.add.f32 @!p0 [tilespmem:s1], [sflag:$0xE], $0x1, s9, s6, $0xb8;
	[tilespmem:$0x978] =	vst v63  }
0x6a: {  	s6 =	simm.s32 @!p1 $0x0;
	p0 =	sle.u32 s7, $0x6;
	_ =	swait.ge @!p1 [sflag:s10], $0x40  }
0x6b: {  	s9 =	simm.s32 @!p1 $0x280;
	s1 =	rddreg [dreg:$0xa];
	[sflag:s10] =	ssyncset.done @!p1 $0x0  }
0x6c: {  	[sflag:s10] =	ssyncadd.s32 @!p1 $0xFFFFFFC0;
	s1 =	sadd.s32 @!p1 s5, s1;
	s10 =	simm.s32 @!p0 $0x7  }
0x6d: {  	[tilespmem:s9], [sflag:$0x6] =	stream.linear.gather @!p1 [hbm4b:s1+s6], $0x40, $0x38;
	[tilespmem:$0x978] =	vst v63  }
0x6e: {  	s29 =	simm.s32 $0x10;
	s1 =	simm.s32 @!p0 $0x400;
	_ =	swait.ge @!p0 [sflag:s10], $0x40  }
0x6f: {  	s6 =	simm.s32 @!p0 $0x40;
	p1 =	sle.u32 s7, $0xE;
	[sflag:s10] =	ssyncset.done @!p0 $0x0  }
0x70: {  	s9 =	simm.s32 @!p0 $0x300;
	[sflag:s10] =	ssyncadd.s32 @!p0 $0xFFFFFFC0;
	s10 =	simm.s32 @!p1 $0xF  }
0x71: {  	[spmem:s3] =	stream.indirect.scatter.add.f32 @!p0 [tilespmem:s1], [sflag:$0xF], $0x1, s9, s6, $0xb8;
	[tilespmem:$0x978] =	vst v63  }
0x72: {  	s6 =	simm.s32 @!p1 $0x0;
	p0 =	sle.u32 s7, $0x7;
	_ =	swait.ge @!p1 [sflag:s10], $0x40  }
0x73: {  	s9 =	simm.s32 @!p1 $0x300;
	s1 =	rddreg [dreg:$0xb];
	[sflag:s10] =	ssyncset.done @!p1 $0x0  }
0x74: {  	[sflag:s10] =	ssyncadd.s32 @!p1 $0xFFFFFFC0;
	s1 =	sadd.s32 @!p1 s5, s1;
	s10 =	simm.s32 @!p0 $0x8  }
0x75: {  	[tilespmem:s9], [sflag:$0x7] =	stream.linear.gather @!p1 [hbm4b:s1+s6], $0x40, $0x38;
	[tilespmem:$0x978] =	vst v63  }
0x76: {  	s11 =	simm.s32 @!p2 $0x0;
	s12 =	simm.s32 @!p2 $0x380;
	_ =	swait.ge @!p0 [sflag:s10], $0x40  }
0x77: {  	s1 =	simm.s32 @!p0 $0x400;
	s6 =	simm.s32 @!p0 $0x40;
	[sflag:s10] =	ssyncset.done @!p0 $0x0  }
0x78: {  	s9 =	simm.s32 @!p0 $0x380;
	[sflag:s10] =	ssyncadd.s32 @!p0 $0xFFFFFFC0;
	s10 =	simm.s32 @!p2 $0x10  }
0x79: {  	[spmem:s3] =	stream.indirect.scatter.add.f32 @!p0 [tilespmem:s1], [sflag:$0x10], $0x1, s9, s6, $0xb8;
	[tilespmem:$0x978] =	vst v63  }
0x7a: {  	s26 =	sadd.s32 $0x40, s5;
	p0 =	por p6, p6;
	_ =	swait.ge @!p2 [sflag:s10], $0x40  }
0x7b: {  	s1 =	smov.u32 s5;
	s6 =	simm.s32 $0x10;
	[sflag:s10] =	ssyncset.done @!p2 $0x0  }
0x7c: {  	s9 =	rddreg [dreg:$0xc];
	[sflag:s10] =	ssyncadd.s32 @!p2 $0xFFFFFFC0;
	s10 =	simm.s32 @!p0 $0x1  }
.LBB2_2:
0x7d: {  	s13 =	sadd.s32 @!p2 s1, s9  }
0x7e: {  	[tilespmem:s12], [sflag:$0x8] =	stream.linear.gather @!p2 [hbm4b:s13+s11], $0x40, $0x38;
	[tilespmem:$0x978] =	vst v63  }
0x7f: {  	p3 =	sge.u32 s29, s7;
	s11 =	simm.s32 @!p0 $0x0;
	_ =	swait.ge @!p0 [sflag:s10], $0x40  }
0x80: {  	s12 =	simm.s32 @!p0 $0x400;
	p2 =	sge.u32 s6, s7;
	[sflag:s10] =	ssyncset.done @!p0 $0x0  }
0x81: {  	s6 =	simm.s32 @!p0 $0x40;
	[sflag:s10] =	ssyncadd.s32 @!p0 $0xFFFFFFC0;
	s10 =	simm.s32 @!p2 $0x9  }
0x82: {  	[spmem:s3] =	stream.indirect.scatter.add.f32 @!p0 [tilespmem:s12], [sflag:$0x9], $0x1, s11, s6, $0xb8;
	[tilespmem:$0x978] =	vst v63  }
0x83: {  	s13 =	sadd.s32 $0x1, s28;
	p0 =	por p3, p3;
	_ =	swait.ge @!p2 [sflag:s10], $0x40  }
0x84: {  	s12 =	simm.s32 @!p2 $0x0;
	s11 =	rddreg [dreg:$0x5];
	[sflag:s10] =	ssyncset.done @!p2 $0x0  }
0x85: {  	p3 =	sge.u32 s13, s7;
	[sflag:s10] =	ssyncadd.s32 @!p2 $0xFFFFFFC0;
	s10 =	sadd.s32 @!p2 s26, s11  }
0x86: {  	[tilespmem:s12], [sflag:$0x1] =	stream.linear.gather @!p2 [hbm4b:s10+s12], $0x40, $0x38;
	[tilespmem:$0x978] =	vst v63  }
0x87: {  	s10 =	simm.s32 @!p3 $0x2  }
0x88: {  	s13 =	simm.s32 @!p3 $0x40;
	_ =	swait.ge @!p3 [sflag:s10], $0x40  }
0x89: {  	s11 =	simm.s32 @!p3 $0x400;
	s12 =	sadd.s32 $0x9, s28;
	[sflag:s10] =	ssyncset.done @!p3 $0x0  }
0x8a: {  	p2 =	sge.u32 s12, s7;
	[sflag:s10] =	ssyncadd.s32 @!p3 $0xFFFFFFC0;
	s10 =	simm.s32 @!p3 $0x80  }
0x8b: {  	[spmem:s3] =	stream.indirect.scatter.add.f32 @!p3 [tilespmem:s11], [sflag:$0xA], $0x1, s10, s13, $0xb8;
	[tilespmem:$0x978] =	vst v63  }
0x8c: {  	s12 =	simm.s32 @!p2 $0xA;
	s13 =	sadd.s32 $0x2, s28  }
0x8d: {  	s11 =	simm.s32 @!p2 $0x80;
	_ =	swait.ge @!p2 [sflag:s12], $0x40;
	p3 =	sge.u32 s13, s7  }
0x8e: {  	s10 =	rddreg [dreg:$0x6];
	[sflag:s12] =	ssyncset.done @!p2 $0x0;
	s13 =	simm.s32 @!p3 $0x3  }
0x8f: {  	[sflag:s12] =	ssyncadd.s32 @!p2 $0xFFFFFFC0;
	s12 =	simm.s32 @!p2 $0x0;
	s10 =	sadd.s32 @!p2 s26, s10  }
0x90: {  	[tilespmem:s11], [sflag:$0x2] =	stream.linear.gather @!p2 [hbm4b:s10+s12], $0x40, $0x38;
	[tilespmem:$0x978] =	vst v63  }
0x91: {  	s10 =	simm.s32 @!p3 $0x400;
	_ =	swait.ge @!p3 [sflag:s13], $0x40  }
0x92: {  	s11 =	sadd.s32 $0xA, s28;
	s12 =	simm.s32 @!p3 $0x40;
	[sflag:s13] =	ssyncset.done @!p3 $0x0  }
0x93: {  	p2 =	sge.u32 s11, s7;
	s11 =	simm.s32 @!p3 $0x100;
	[sflag:s13] =	ssyncadd.s32 @!p3 $0xFFFFFFC0  }
0x94: {  	[spmem:s3] =	stream.indirect.scatter.add.f32 @!p3 [tilespmem:s10], [sflag:$0xB], $0x1, s11, s12, $0xb8;
	[tilespmem:$0x978] =	vst v63  }
0x95: {  	s13 =	simm.s32 @!p2 $0xB;
	s11 =	sadd.s32 $0x3, s28  }
0x96: {  	s12 =	simm.s32 @!p2 $0x0;
	_ =	swait.ge @!p2 [sflag:s13], $0x40;
	p3 =	sge.u32 s11, s7  }
0x97: {  	s11 =	simm.s32 @!p2 $0x100;
	s10 =	rddreg [dreg:$0x7];
	[sflag:s13] =	ssyncset.done @!p2 $0x0  }
0x98: {  	[sflag:s13] =	ssyncadd.s32 @!p2 $0xFFFFFFC0;
	s10 =	sadd.s32 @!p2 s26, s10;
	s13 =	simm.s32 @!p3 $0x4  }
0x99: {  	[tilespmem:s11], [sflag:$0x3] =	stream.linear.gather @!p2 [hbm4b:s10+s12], $0x40, $0x38;
	[tilespmem:$0x978] =	vst v63  }
0x9a: {  	s10 =	simm.s32 @!p3 $0x400;
	_ =	swait.ge @!p3 [sflag:s13], $0x40  }
0x9b: {  	s11 =	sadd.s32 $0xB, s28;
	s12 =	simm.s32 @!p3 $0x40;
	[sflag:s13] =	ssyncset.done @!p3 $0x0  }
0x9c: {  	p2 =	sge.u32 s11, s7;
	s11 =	simm.s32 @!p3 $0x180;
	[sflag:s13] =	ssyncadd.s32 @!p3 $0xFFFFFFC0  }
0x9d: {  	[spmem:s3] =	stream.indirect.scatter.add.f32 @!p3 [tilespmem:s10], [sflag:$0xC], $0x1, s11, s12, $0xb8;
	[tilespmem:$0x978] =	vst v63  }
0x9e: {  	s13 =	simm.s32 @!p2 $0xC;
	s11 =	sadd.s32 $0x4, s28  }
0x9f: {  	s12 =	simm.s32 @!p2 $0x0;
	_ =	swait.ge @!p2 [sflag:s13], $0x40;
	p3 =	sge.u32 s11, s7  }
0xa0: {  	s11 =	simm.s32 @!p2 $0x180;
	s10 =	rddreg [dreg:$0x8];
	[sflag:s13] =	ssyncset.done @!p2 $0x0  }
0xa1: {  	[sflag:s13] =	ssyncadd.s32 @!p2 $0xFFFFFFC0;
	s10 =	sadd.s32 @!p2 s26, s10;
	s13 =	simm.s32 @!p3 $0x5  }
0xa2: {  	[tilespmem:s11], [sflag:$0x4] =	stream.linear.gather @!p2 [hbm4b:s10+s12], $0x40, $0x38;
	[tilespmem:$0x978] =	vst v63  }
0xa3: {  	s9 =	smov.u32 s29;
	s10 =	simm.s32 @!p3 $0x400;
	_ =	swait.ge @!p3 [sflag:s13], $0x40  }
0xa4: {  	s11 =	sadd.s32 $0xC, s28;
	s12 =	simm.s32 @!p3 $0x40;
	[sflag:s13] =	ssyncset.done @!p3 $0x0  }
0xa5: {  	p2 =	sge.u32 s11, s7;
	s11 =	simm.s32 @!p3 $0x200;
	[sflag:s13] =	ssyncadd.s32 @!p3 $0xFFFFFFC0  }
0xa6: {  	[spmem:s3] =	stream.indirect.scatter.add.f32 @!p3 [tilespmem:s10], [sflag:$0xD], $0x1, s11, s12, $0xb8;
	[tilespmem:$0x978] =	vst v63  }
0xa7: {  	s29 =	sadd.s32 $0x8, s29;
	s13 =	simm.s32 @!p2 $0xD;
	s11 =	sadd.s32 $0x5, s28  }
0xa8: {  	s12 =	simm.s32 @!p2 $0x0;
	_ =	swait.ge @!p2 [sflag:s13], $0x40;
	p3 =	sge.u32 s11, s7  }
0xa9: {  	s11 =	simm.s32 @!p2 $0x200;
	s10 =	rddreg [dreg:$0x9];
	[sflag:s13] =	ssyncset.done @!p2 $0x0  }
0xaa: {  	[sflag:s13] =	ssyncadd.s32 @!p2 $0xFFFFFFC0;
	s10 =	sadd.s32 @!p2 s26, s10;
	s13 =	simm.s32 @!p3 $0x6  }
0xab: {  	[tilespmem:s11], [sflag:$0x5] =	stream.linear.gather @!p2 [hbm4b:s10+s12], $0x40, $0x38;
	[tilespmem:$0x978] =	vst v63  }
0xac: {  	s1 =	smov.u32 s26;
	s10 =	simm.s32 @!p3 $0x400;
	_ =	swait.ge @!p3 [sflag:s13], $0x40  }
0xad: {  	s11 =	sadd.s32 $0xD, s28;
	s12 =	simm.s32 @!p3 $0x40;
	[sflag:s13] =	ssyncset.done @!p3 $0x0  }
0xae: {  	p2 =	sge.u32 s11, s7;
	s11 =	simm.s32 @!p3 $0x280;
	[sflag:s13] =	ssyncadd.s32 @!p3 $0xFFFFFFC0  }
0xaf: {  	[spmem:s3] =	stream.indirect.scatter.add.f32 @!p3 [tilespmem:s10], [sflag:$0xE], $0x1, s11, s12, $0xb8;
	[tilespmem:$0x978] =	vst v63  }
0xb0: {  	p1 =	sne.s32 s29, $0xA0;
	s13 =	simm.s32 @!p2 $0xE;
	s11 =	sadd.s32 $0x6, s28  }
0xb1: {  	s12 =	simm.s32 @!p2 $0x0;
	_ =	swait.ge @!p2 [sflag:s13], $0x40;
	p3 =	sge.u32 s11, s7  }
0xb2: {  	s11 =	simm.s32 @!p2 $0x280;
	s10 =	rddreg [dreg:$0xa];
	[sflag:s13] =	ssyncset.done @!p2 $0x0  }
0xb3: {  	[sflag:s13] =	ssyncadd.s32 @!p2 $0xFFFFFFC0;
	s10 =	sadd.s32 @!p2 s26, s10;
	s13 =	simm.s32 @!p3 $0x7  }
0xb4: {  	[tilespmem:s11], [sflag:$0x6] =	stream.linear.gather @!p2 [hbm4b:s10+s12], $0x40, $0x38;
	[tilespmem:$0x978] =	vst v63  }
0xb5: {  	s10 =	simm.s32 @!p3 $0x400;
	s11 =	sadd.s32 $0xE, s28;
	_ =	swait.ge @!p3 [sflag:s13], $0x40  }
0xb6: {  	s12 =	simm.s32 @!p3 $0x40;
	p2 =	sge.u32 s11, s7;
	[sflag:s13] =	ssyncset.done @!p3 $0x0  }
0xb7: {  	s11 =	simm.s32 @!p3 $0x300;
	[sflag:s13] =	ssyncadd.s32 @!p3 $0xFFFFFFC0;
	s13 =	simm.s32 @!p2 $0xF  }
0xb8: {  	[spmem:s3] =	stream.indirect.scatter.add.f32 @!p3 [tilespmem:s10], [sflag:$0xF], $0x1, s11, s12, $0xb8;
	[tilespmem:$0x978] =	vst v63  }
0xb9: {  	s11 =	sadd.s32 $0x7, s28;
	s12 =	simm.s32 @!p2 $0x0;
	_ =	swait.ge @!p2 [sflag:s13], $0x40  }
0xba: {  	p3 =	sge.u32 s11, s7;
	s10 =	rddreg [dreg:$0xb];
	[sflag:s13] =	ssyncset.done @!p2 $0x0  }
0xbb: {  	s11 =	simm.s32 @!p2 $0x300;
	[sflag:s13] =	ssyncadd.s32 @!p2 $0xFFFFFFC0;
	s10 =	sadd.s32 @!p2 s26, s10  }
0xbc: {  	[tilespmem:s11], [sflag:$0x7] =	stream.linear.gather @!p2 [hbm4b:s10+s12], $0x40, $0x38;
	[tilespmem:$0x978] =	vst v63  }
0xbd: {  	s6 =	smov.u32 s29;
	s13 =	simm.s32 @!p3 $0x8;
	s10 =	simm.s32 @!p3 $0x400  }
0xbe: {  	s11 =	sadd.s32 $0xF, s28;
	s12 =	simm.s32 @!p3 $0x40;
	_ =	swait.ge @!p3 [sflag:s13], $0x40  }
0xbf: {  	p2 =	sge.u32 s11, s7;
	s11 =	simm.s32 @!p3 $0x380;
	[sflag:s13] =	ssyncset.done @!p3 $0x0  }
.Ltmp0:
0xc0: {  	[sflag:s13] =	ssyncadd.s32 @!p3 $0xFFFFFFC0;
	s13 =	simm.s32 @!p2 $0x10;
	(pc) =	sbr.rel @p1 .LBB2_2-.Ltmp0, $4  }
0xc1: {  	[spmem:s3] =	stream.indirect.scatter.add.f32 @!p3 [tilespmem:s10], [sflag:$0x10], $0x1, s11, s12, $0xb8;
	[tilespmem:$0x978] =	vst v63  }
0xc2: {  	s26 =	sadd.s32 $0x40, s26;
	s28 =	smov.u32 s9;
	_ =	swait.ge @!p2 [sflag:s13], $0x40  }
0xc3: {  	s10 =	simm.s32 @!p0 $0x1;
	s11 =	simm.s32 @!p2 $0x0;
	[sflag:s13] =	ssyncset.done @!p2 $0x0  }
0xc4: {  	s12 =	simm.s32 @!p2 $0x380;
	s9 =	rddreg [dreg:$0xc];
	[sflag:s13] =	ssyncadd.s32 @!p2 $0xFFFFFFC0  }
0xc5: {  	s1 =	sadd.s32 @!p2 s1, s9  }
0xc6: {  	[tilespmem:s12], [sflag:$0x8] =	stream.linear.gather @!p2 [hbm4b:s1+s11], $0x40, $0x38;
	[tilespmem:$0x978] =	vst v63  }
0xc7: {  	s9 =	simm.s32 @!p0 $0x400;
	_ =	swait.ge @!p0 [sflag:s10], $0x40  }
0xc8: {  	p1 =	sge.u32 s6, s7;
	s6 =	simm.s32 @!p0 $0x40;
	[sflag:s10] =	ssyncset.done @!p0 $0x0  }
0xc9: {  	s1 =	simm.s32 @!p0 $0x0;
	[sflag:s10] =	ssyncadd.s32 @!p0 $0xFFFFFFC0;
	s10 =	simm.s32 @!p1 $0x9  }
0xca: {  	[spmem:s3] =	stream.indirect.scatter.add.f32 @!p0 [tilespmem:s9], [sflag:$0x9], $0x1, s1, s6, $0xb8;
	[tilespmem:$0x978] =	vst v63  }
0xcb: {  	s13 =	sadd.s32 $0x1, s28;
	s29 =	sadd.s32 $0x9, s28;
	_ =	swait.ge @!p1 [sflag:s10], $0x40  }
0xcc: {  	p2 =	sge.u32 s13, s7;
	s1 =	rddreg [dreg:$0x5];
	[sflag:s10] =	ssyncset.done @!p1 $0x0  }
0xcd: {  	s6 =	simm.s32 @!p1 $0x0;
	[sflag:s10] =	ssyncadd.s32 @!p1 $0xFFFFFFC0;
	s1 =	sadd.s32 @!p1 s26, s1  }
0xce: {  	[tilespmem:s6], [sflag:$0x1] =	stream.linear.gather @!p1 [hbm4b:s1+s6], $0x40, $0x38;
	[tilespmem:$0x978] =	vst v63  }
0xcf: {  	s11 =	sadd.s32 $0x2, s28;
	s12 =	sadd.s32 $0xA, s28;
	s1 =	simm.s32 @!p2 $0x2  }
0xd0: {  	s13 =	sadd.s32 $0x3, s28;
	p0 =	sge.u32 s29, s7;
	_ =	swait.ge @!p2 [sflag:s1], $0x40  }
0xd1: {  	s9 =	simm.s32 @!p0 $0xA;
	s10 =	simm.s32 @!p2 $0x40;
	[sflag:s1] =	ssyncset.done @!p2 $0x0  }
0xd2: {  	s6 =	simm.s32 @!p2 $0x400;
	[sflag:s1] =	ssyncadd.s32 @!p2 $0xFFFFFFC0;
	s1 =	simm.s32 @!p2 $0x80  }
0xd3: {  	[spmem:s3] =	stream.indirect.scatter.add.f32 @!p2 [tilespmem:s6], [sflag:$0xA], $0x1, s1, s10, $0xb8;
	[tilespmem:$0x978] =	vst v63  }
0xd4: {  	p1 =	sge.u32 s11, s7;
	s6 =	simm.s32 @!p0 $0x80;
	_ =	swait.ge @!p0 [sflag:s9], $0x40  }
0xd5: {  	s10 =	simm.s32 @!p1 $0x3;
	s1 =	rddreg [dreg:$0x6];
	[sflag:s9] =	ssyncset.done @!p0 $0x0  }
0xd6: {  	[sflag:s9] =	ssyncadd.s32 @!p0 $0xFFFFFFC0;
	s9 =	simm.s32 @!p0 $0x0;
	s1 =	sadd.s32 @!p0 s26, s1  }
0xd7: {  	[tilespmem:s6], [sflag:$0x2] =	stream.linear.gather @!p0 [hbm4b:s1+s9], $0x40, $0x38;
	[tilespmem:$0x978] =	vst v63  }
0xd8: {  	s29 =	sadd.s32 $0xB, s28;
	s11 =	sadd.s32 $0x4, s28;
	_ =	swait.ge @!p1 [sflag:s10], $0x40  }
0xd9: {  	s1 =	simm.s32 @!p1 $0x400;
	s9 =	simm.s32 @!p1 $0x40;
	[sflag:s10] =	ssyncset.done @!p1 $0x0  }
0xda: {  	p0 =	sge.u32 s12, s7;
	s6 =	simm.s32 @!p1 $0x100;
	[sflag:s10] =	ssyncadd.s32 @!p1 $0xFFFFFFC0  }
0xdb: {  	[spmem:s3] =	stream.indirect.scatter.add.f32 @!p1 [tilespmem:s1], [sflag:$0xB], $0x1, s6, s9, $0xb8;
	[tilespmem:$0x978] =	vst v63  }
0xdc: {  	s12 =	sadd.s32 $0xC, s28;
	s10 =	simm.s32 @!p0 $0xB;
	s9 =	simm.s32 @!p0 $0x0  }
0xdd: {  	p1 =	sge.u32 s13, s7;
	s6 =	simm.s32 @!p0 $0x100;
	_ =	swait.ge @!p0 [sflag:s10], $0x40  }
0xde: {  	s13 =	sadd.s32 $0x5, s28;
	s1 =	rddreg [dreg:$0x7];
	[sflag:s10] =	ssyncset.done @!p0 $0x0  }
0xdf: {  	[sflag:s10] =	ssyncadd.s32 @!p0 $0xFFFFFFC0;
	s1 =	sadd.s32 @!p0 s26, s1;
	s10 =	simm.s32 @!p1 $0x4  }
0xe0: {  	[tilespmem:s6], [sflag:$0x3] =	stream.linear.gather @!p0 [hbm4b:s1+s9], $0x40, $0x38;
	[tilespmem:$0x978] =	vst v63  }
0xe1: {  	s1 =	simm.s32 @!p1 $0x400;
	s9 =	simm.s32 @!p1 $0x40;
	_ =	swait.ge @!p1 [sflag:s10], $0x40  }
0xe2: {  	p0 =	sge.u32 s29, s7;
	s6 =	simm.s32 @!p1 $0x180;
	[sflag:s10] =	ssyncset.done @!p1 $0x0  }
0xe3: {  	s29 =	sadd.s32 $0xD, s28;
	[sflag:s10] =	ssyncadd.s32 @!p1 $0xFFFFFFC0;
	s10 =	simm.s32 @!p0 $0xC  }
0xe4: {  	[spmem:s3] =	stream.indirect.scatter.add.f32 @!p1 [tilespmem:s1], [sflag:$0xC], $0x1, s6, s9, $0xb8;
	[tilespmem:$0x978] =	vst v63  }
0xe5: {  	s9 =	simm.s32 @!p0 $0x0;
	p1 =	sge.u32 s11, s7;
	_ =	swait.ge @!p0 [sflag:s10], $0x40  }
0xe6: {  	s6 =	simm.s32 @!p0 $0x180;
	s1 =	rddreg [dreg:$0x8];
	[sflag:s10] =	ssyncset.done @!p0 $0x0  }
0xe7: {  	[sflag:s10] =	ssyncadd.s32 @!p0 $0xFFFFFFC0;
	s1 =	sadd.s32 @!p0 s26, s1;
	s10 =	simm.s32 @!p1 $0x5  }
0xe8: {  	[tilespmem:s6], [sflag:$0x4] =	stream.linear.gather @!p0 [hbm4b:s1+s9], $0x40, $0x38;
	[tilespmem:$0x978] =	vst v63  }
0xe9: {  	s11 =	sadd.s32 $0x6, s28;
	s1 =	simm.s32 @!p1 $0x400;
	_ =	swait.ge @!p1 [sflag:s10], $0x40  }
0xea: {  	s9 =	simm.s32 @!p1 $0x40;
	p0 =	sge.u32 s12, s7;
	[sflag:s10] =	ssyncset.done @!p1 $0x0  }
0xeb: {  	s6 =	simm.s32 @!p1 $0x200;
	[sflag:s10] =	ssyncadd.s32 @!p1 $0xFFFFFFC0;
	s10 =	simm.s32 @!p0 $0xD  }
0xec: {  	[spmem:s3] =	stream.indirect.scatter.add.f32 @!p1 [tilespmem:s1], [sflag:$0xD], $0x1, s6, s9, $0xb8;
	[tilespmem:$0x978] =	vst v63  }
0xed: {  	s9 =	simm.s32 @!p0 $0x0;
	p1 =	sge.u32 s13, s7;
	_ =	swait.ge @!p0 [sflag:s10], $0x40  }
0xee: {  	s6 =	simm.s32 @!p0 $0x200;
	s1 =	rddreg [dreg:$0x9];
	[sflag:s10] =	ssyncset.done @!p0 $0x0  }
0xef: {  	[sflag:s10] =	ssyncadd.s32 @!p0 $0xFFFFFFC0;
	s1 =	sadd.s32 @!p0 s26, s1;
	s10 =	simm.s32 @!p1 $0x6  }
0xf0: {  	[tilespmem:s6], [sflag:$0x5] =	stream.linear.gather @!p0 [hbm4b:s1+s9], $0x40, $0x38;
	[tilespmem:$0x978] =	vst v63  }
0xf1: {  	s12 =	sadd.s32 $0xE, s28;
	s1 =	simm.s32 @!p1 $0x400;
	_ =	swait.ge @!p1 [sflag:s10], $0x40  }
0xf2: {  	s9 =	simm.s32 @!p1 $0x40;
	p0 =	sge.u32 s29, s7;
	[sflag:s10] =	ssyncset.done @!p1 $0x0  }
0xf3: {  	s6 =	simm.s32 @!p1 $0x280;
	[sflag:s10] =	ssyncadd.s32 @!p1 $0xFFFFFFC0;
	s10 =	simm.s32 @!p0 $0xE  }
0xf4: {  	[spmem:s3] =	stream.indirect.scatter.add.f32 @!p1 [tilespmem:s1], [sflag:$0xE], $0x1, s6, s9, $0xb8;
	[tilespmem:$0x978] =	vst v63  }
0xf5: {  	s9 =	simm.s32 @!p0 $0x0;
	p1 =	sge.u32 s11, s7;
	_ =	swait.ge @!p0 [sflag:s10], $0x40  }
0xf6: {  	s6 =	simm.s32 @!p0 $0x280;
	s1 =	rddreg [dreg:$0xa];
	[sflag:s10] =	ssyncset.done @!p0 $0x0  }
0xf7: {  	[sflag:s10] =	ssyncadd.s32 @!p0 $0xFFFFFFC0;
	s1 =	sadd.s32 @!p0 s26, s1;
	s10 =	simm.s32 @!p1 $0x7  }
0xf8: {  	[tilespmem:s6], [sflag:$0x6] =	stream.linear.gather @!p0 [hbm4b:s1+s9], $0x40, $0x38;
	[tilespmem:$0x978] =	vst v63  }
0xf9: {  	s13 =	sadd.s32 $0x7, s28;
	s1 =	simm.s32 @!p1 $0x400;
	_ =	swait.ge @!p1 [sflag:s10], $0x40  }
0xfa: {  	s9 =	simm.s32 @!p1 $0x40;
	p0 =	sge.u32 s12, s7;
	[sflag:s10] =	ssyncset.done @!p1 $0x0  }
0xfb: {  	s6 =	simm.s32 @!p1 $0x300;
	[sflag:s10] =	ssyncadd.s32 @!p1 $0xFFFFFFC0;
	s10 =	simm.s32 @!p0 $0xF  }
0xfc: {  	[spmem:s3] =	stream.indirect.scatter.add.f32 @!p1 [tilespmem:s1], [sflag:$0xF], $0x1, s6, s9, $0xb8;
	[tilespmem:$0x978] =	vst v63  }
0xfd: {  	s9 =	simm.s32 @!p0 $0x0;
	p1 =	sge.u32 s13, s7;
	_ =	swait.ge @!p0 [sflag:s10], $0x40  }
0xfe: {  	s6 =	simm.s32 @!p0 $0x300;
	s1 =	rddreg [dreg:$0xb];
	[sflag:s10] =	ssyncset.done @!p0 $0x0  }
0xff: {  	[sflag:s10] =	ssyncadd.s32 @!p0 $0xFFFFFFC0;
	s1 =	sadd.s32 @!p0 s26, s1;
	s10 =	simm.s32 @!p1 $0x8  }
0x100: {  	[tilespmem:s6], [sflag:$0x7] =	stream.linear.gather @!p0 [hbm4b:s1+s9], $0x40, $0x38;
	[tilespmem:$0x978] =	vst v63  }
0x101: {  	s29 =	sadd.s32 $0xF, s28;
	s1 =	simm.s32 @!p1 $0x400;
	_ =	swait.ge @!p1 [sflag:s10], $0x40  }
0x102: {  	s9 =	simm.s32 @!p1 $0x40;
	p0 =	sge.u32 s29, s7;
	[sflag:s10] =	ssyncset.done @!p1 $0x0  }
0x103: {  	s6 =	simm.s32 @!p1 $0x380;
	[sflag:s10] =	ssyncadd.s32 @!p1 $0xFFFFFFC0;
	s10 =	simm.s32 @!p0 $0x10  }
0x104: {  	[spmem:s3] =	stream.indirect.scatter.add.f32 @!p1 [tilespmem:s1], [sflag:$0x10], $0x1, s6, s9, $0xb8;
	[tilespmem:$0x978] =	vst v63  }
0x105: {  	_ =	swait.ge @!p0 [sflag:s10], $0x40  }
0x106: {  	s6 =	simm.s32 @!p0 $0x0;
	s1 =	rddreg [dreg:$0xc];
	[sflag:s10] =	ssyncset.done @!p0 $0x0  }
0x107: {  	s9 =	simm.s32 @!p0 $0x380;
	[sflag:s10] =	ssyncadd.s32 @!p0 $0xFFFFFFC0;
	s1 =	sadd.s32 @!p0 s26, s1  }
0x108: {  	[tilespmem:s9], [sflag:$0x8] =	stream.linear.gather @!p0 [hbm4b:s1+s6], $0x40, $0x38;
	[tilespmem:$0x978] =	vst v63  }
0x109: {  	_ =	swait.ge [sflag:s30], $0x40  }
0x10a: {  	[sflag:s30] =	ssyncset.done $0x0  }
0x10b: {  	[sflag:s30] =	ssyncadd.s32 $0xFFFFFFC0  }
0x10c: {  	_ =	swait.ge [sflag:s31], $0x40  }
0x10d: {  	[sflag:s31] =	ssyncset.done $0x0  }
0x10e: {  	[sflag:s31] =	ssyncadd.s32 $0xFFFFFFC0  }
0x10f: {  	_ =	swait.ge [sflag:s0], $0x40  }
0x110: {  	[sflag:s0] =	ssyncset.done $0x0  }
0x111: {  	[sflag:s0] =	ssyncadd.s32 $0xFFFFFFC0  }
0x112: {  	_ =	swait.ge [sflag:s2], $0x40  }
0x113: {  	[sflag:s2] =	ssyncset.done $0x0  }
0x114: {  	[sflag:s2] =	ssyncadd.s32 $0xFFFFFFC0  }
0x115: {  	_ =	swait.ge [sflag:s19], $0x40  }
0x116: {  	[sflag:s19] =	ssyncset.done $0x0  }
0x117: {  	[sflag:s19] =	ssyncadd.s32 $0xFFFFFFC0  }
0x118: {  	_ =	swait.ge [sflag:s22], $0x40  }
0x119: {  	[sflag:s22] =	ssyncset.done $0x0  }
0x11a: {  	[sflag:s22] =	ssyncadd.s32 $0xFFFFFFC0  }
0x11b: {  	_ =	swait.ge [sflag:s23], $0x40  }
0x11c: {  	[sflag:s23] =	ssyncset.done $0x0  }
0x11d: {  	[sflag:s23] =	ssyncadd.s32 $0xFFFFFFC0  }
0x11e: {  	_ =	swait.ge [sflag:s24], $0x40  }
0x11f: {  	[sflag:s24] =	ssyncset.done $0x0  }
0x120: {  	[sflag:s24] =	ssyncadd.s32 $0xFFFFFFC0  }
0x121: {  	[bflag:$0x0] =	sbarrier.arrive $0xFFFF  }
0x122: {  	[tilespmem:s21], [sflag:$0x11] =	stream.linear.gather [spmem:s8], $0x278, $0x38;
	[tilespmem:$0x978] =	vst v63  }
0x123: {  	s25 =	sadd.s32 $0x1, s25;
	_ =	swait.ge [sflag:s20], $0x278  }
0x124: {  	p0 =	sne.s32 s25, s18;
	[sflag:s20] =	ssyncset.done $0x0  }
.Ltmp1:
0x125: {  	[sflag:s20] =	ssyncadd.s32 $0xFFFFFD88;
	(pc) =	sbr.rel @p0 .LBB2_1-.Ltmp1, $4  }
0x126: {  	[hbm4b:s17+s4] =	stream.linear.scatter [tilespmem:s21], [sflag:$0x11], $0x278, $0x38;
	[tilespmem:$0x978] =	vst v63  }
0x127: {  	_ =	swait.ge [sflag:s20], $0x278  }
0x128: {  	[sflag:s20] =	ssyncset.done $0x0  }
0x129: {  	[sflag:s20] =	ssyncadd.s32 $0xFFFFFD88  }
0x12a: {  	_ =	sfence.sel $0x180000  }
0x12b: {  	[bflag:$0x0] =	sbarrier.arrive $0xFFFF  }
0x12c: {  	_ =	strace $0x90000047  }
0x12d: {  	s0 =	stileid.u32;
	[bflag:$0x2] =	sbarrier.arrive $0xFFFF  }
0x12e: {  	p0 =	sne.s32 s0, $0x0;
	s0 =	rddreg [dreg:$0x4]  }
0x12f: {  	s0 =	sadd.s32 @!p0 $0x100000, s0  }
0x130: {  	[sflag:s0] =	ssyncadd.tile.s32 @!p0 $0x1;
	_ =	shalt  }
.Lfunc_end2:
_tile_overlayer_lowered:
.L_overlay_start_2:
0x131: {  	(tag) =	ssettag $0x2  }
0x132: {  	s0 =	rddreg [dreg:$0x0];
	s2 =	stileid.u32  }
0x133: {  	s1 =	rddreg [dreg:$0x1];
	p0 =	sne.s32 s2, $0x0  }
0x134: {  	s3 =	rddreg [dreg:$0x2];
	[bflag:$0x3] =	sbarrier.arrive $0xFFFF;
	s2 =	simm.s32 @!p0 $0x1C11  }
0x135: {  	[timem:s3], [sflag:s2] =	dma.local @!p0 [hbm:s0], s1  }
0x136: {  	s0 =	simm.s32 @!p0 $0x11  }
0x137: {  	_ =	swait.ge @!p0 [sflag:s0], s1  }
0x138: {  	s1 =	ssub.s32 @!p0 $0x0, s1;
	[sflag:s0] =	ssyncset.done @!p0 $0x0  }
0x139: {  	[sflag:s0] =	ssyncadd.s32 @!p0 s1  }
0x13a: {  	[bflag:$0x3] =	sbarrier.arrive $0xFFFF  }
0x13b: {  	_ =	shalt  }

// kernel: kernel.9.cloned.1.call-start
scs
__scs_entry_jumppad:
0x0: {  	(pc) =	sbr.rel $0x88, $3  }
0x1: {  	(tag) =	ssettag $0x0;
	lr =	simm.s32 $0x1  }
0x2: {  	[smem:$0x3F98] =	sst lr;
	_ =	strace $0xD0000000  }
0x3: {  	_ = 	snop  }
0x4: {  	_ = 	snop  }
0x5: {  	_ = 	snop  }
0x6: {  	_ = 	snop  }
0x7: {  	_ = 	snop  }
__scs_overlays_trampoline_lowered:
0x8: {  	[smem:$0x3FA7] =	sst s0  }
0x9: {  	[smem:$0x3FA8] =	sst s1  }
0xa: {  	[smem:$0x3FA9] =	sst s2  }
0xb: {  	[smem:$0x3FAA] =	sst s3  }
0xc: {  	[smem:$0x3FAB] =	sst s4  }
0xd: {  	[smem:$0x3FAC] =	sst s5  }
0xe: {  	[smem:$0x3FAD] =	sst s6  }
0xf: {  	[smem:$0x3FAE] =	sst s7  }
0x10: {  	[smem:$0x3FAF] =	sst s8  }
0x11: {  	[smem:$0x3FB0] =	sst s9;
	s0 =	simm.s32 @!p0 $0x0  }
0x12: {  	s1 =	sld [smem:$0x3F96];
	s0 =	simm.s32 @p0 $0x1  }
0x13: {  	[smem:$0x3FB1] =	sst s0;
	s0 =	simm.s32 @!p1 $0x0  }
0x14: {  	s2 =	sld [smem:$0x3F95];
	s0 =	simm.s32 @p1 $0x1  }
0x15: {  	[smem:$0x3FB2] =	sst s0;
	s0 =	simm.s32 @!p2 $0x0  }
0x16: {  	s3 =	sld [smem:$0x3FDB];
	s0 =	simm.s32 @p2 $0x1  }
0x17: {  	s4 =	simm.s32 $0x1BF5;
	[smem:$0x3FB4] =	sst s0  }
0x18: {  	s0 =	sld [smem:$0x3F97];
	_ =	swait.ge [sflag:s4], $0x0  }
0x19: {  	s7 =	sld [smem:$0x3F98]  }
0x1a: {  	s8 =	sadd.s32 $0xFFFFE003, lr  }
0x1b: {  	s9 =	sadd.s32 $0xFFFFFEF7, lr;
	s5 =	simm.s32 $0xFFFFFFFF;
	p2 =	slt.u32 s8, $0xFFFFF086  }
0x1c: {  	p1 =	slt.u32 s9, $0xF7A;
	s5 =	simm.s32 @!p2 $0x0  }
0x1d: {  	s5 =	simm.s32 @p1 $0x1;
	p0 =	seq.s32 s7, s2  }
0x1e: {  	s7 =	smul.u32 @!p0 $0xF7A, s2;
	p2 =	seq.s32 @!p0 s5, $0x0  }
0x1f: {  	s9 =	smul.u32 $0xF7A, s1;
	s8 =	simm.s32 @!p0 $0x1BF5;
	p2 =	por !p2, p0  }
0x20: {  	[sflag:s8] =	ssyncset.s32 @!p0 $0xFFFFF086;
	s6 =	sadd.s32 @!p0 s3, s7;
	s7 =	simm.s32 @!p0 $0x108  }
0x21: {  	s3 =	sadd.s32 s3, s9;
	s6 =	sadd.s32 @!p0 $0x88, s6;
	s7 =	simm.s32 @p2 $0x1082  }
0x22: {  	[simem:s7], [sflag:s8] =	dma.local @!p0 [hbm:s6], $0xF7A  }
0x23: {  	s9 =	sor.u32 $0xD0000000, s2;
	s6 =	simm.s32 $0x108;
	_ =	swait.ge @!p0 [sflag:s8], $0x0  }
0x24: {  	s3 =	sadd.s32 $0x88, s3;
	s6 =	simm.s32 @!p1 $0x1082;
	[sflag:s4] =	ssyncset.s32 $0xFFFFF086  }
0x25: {  	[simem:s6], [sflag:s4] =	dma.local [hbm:s3], $0xF7A  }
0x26: {  	[smem:$0x3F98] =	sst s1;
	(tag) =	ssettag s2;
	_ =	strace s9  }
0x27: {  	s1 =	sld [smem:$0x3FA8]  }
0x28: {  	s2 =	sld [smem:$0x3FA9]  }
0x29: {  	s4 =	sld [smem:$0x3FAB]  }
0x2a: {  	p0 =	seq.s32 s5, $0x0;
	s5 =	sld [smem:$0x3FAC]  }
0x2b: {  	s6 =	sld [smem:$0x3FAD]  }
0x2c: {  	s7 =	sld [smem:$0x3FAE]  }
0x2d: {  	s3 =	simm.s32 $0x108;
	s8 =	sld [smem:$0x3FAF]  }
0x2e: {  	s3 =	simm.s32 @!p0 $0x1082;
	s9 =	sld [smem:$0x3FB0]  }
0x2f: {  	lr =	sadd.s32 s0, s3;
	s0 =	sld [smem:$0x3FA7]  }
0x30: {  	s3 =	sld [smem:$0x3FAA]  }
0x31: {  	[smem:$0x3FB3] =	sst s10  }
0x32: {  	s10 =	sld [smem:$0x3FB1];
	_ =	sdelay $0x3  }
0x33: {  	p0 =	seq.s32 s10, $0x1;
	s10 =	sld [smem:$0x3FB3];
	_ =	sdelay $0x3  }
0x34: {  	[smem:$0x3FB3] =	sst s10  }
0x35: {  	s10 =	sld [smem:$0x3FB2];
	_ =	sdelay $0x3  }
0x36: {  	p1 =	seq.s32 s10, $0x1;
	s10 =	sld [smem:$0x3FB3];
	_ =	sdelay $0x3  }
0x37: {  	[smem:$0x3FB3] =	sst s10  }
0x38: {  	s10 =	sld [smem:$0x3FB4]  }
0x39: {  	_ = 	snop;
	(pc) =	sbr.ind lr, $3  }
0x3a: {  	_ = 	snop  }
0x3b: {  	_ = 	snop  }
0x3c: {  	p2 =	seq.s32 s10, $0x1;
	s10 =	sld [smem:$0x3FB3]  }
0x3d: {  	_ =	shalt  }
0x3e: {  	_ =	shalt  }
0x3f: {  	_ =	shalt  }
0x40: {  	_ =	shalt  }
0x41: {  	_ =	shalt  }
0x42: {  	_ =	shalt  }
0x43: {  	_ =	shalt  }
0x44: {  	_ =	shalt  }
0x45: {  	_ =	shalt  }
0x46: {  	_ =	shalt  }
0x47: {  	_ =	shalt  }
0x48: {  	_ =	shalt  }
0x49: {  	_ =	shalt  }
0x4a: {  	_ =	shalt  }
0x4b: {  	_ =	shalt  }
0x4c: {  	_ =	shalt  }
0x4d: {  	_ =	shalt  }
0x4e: {  	_ =	shalt  }
0x4f: {  	_ =	shalt  }
0x50: {  	_ =	shalt  }
0x51: {  	_ =	shalt  }
0x52: {  	_ =	shalt  }
0x53: {  	_ =	shalt  }
0x54: {  	_ =	shalt  }
0x55: {  	_ =	shalt  }
0x56: {  	_ =	shalt  }
0x57: {  	_ =	shalt  }
0x58: {  	_ =	shalt  }
0x59: {  	_ =	shalt  }
0x5a: {  	_ =	shalt  }
0x5b: {  	_ =	shalt  }
0x5c: {  	_ =	shalt  }
0x5d: {  	_ =	shalt  }
0x5e: {  	_ =	shalt  }
0x5f: {  	_ =	shalt  }
0x60: {  	_ =	shalt  }
0x61: {  	_ =	shalt  }
0x62: {  	_ =	shalt  }
0x63: {  	_ =	shalt  }
0x64: {  	_ =	shalt  }
0x65: {  	_ =	shalt  }
0x66: {  	_ =	shalt  }
0x67: {  	_ =	shalt  }
0x68: {  	_ =	shalt  }
0x69: {  	_ =	shalt  }
0x6a: {  	_ =	shalt  }
0x6b: {  	_ =	shalt  }
0x6c: {  	_ =	shalt  }
0x6d: {  	_ =	shalt  }
0x6e: {  	_ =	shalt  }
0x6f: {  	_ =	shalt  }
0x70: {  	_ =	shalt  }
0x71: {  	_ =	shalt  }
0x72: {  	_ =	shalt  }
0x73: {  	_ =	shalt  }
0x74: {  	_ =	shalt  }
0x75: {  	_ =	shalt  }
0x76: {  	_ =	shalt  }
0x77: {  	_ =	shalt  }
0x78: {  	_ =	shalt  }
0x79: {  	_ =	shalt  }
0x7a: {  	_ =	shalt  }
0x7b: {  	_ =	shalt  }
0x7c: {  	_ =	shalt  }
0x7d: {  	_ =	shalt  }
0x7e: {  	_ =	shalt  }
0x7f: {  	_ =	shalt  }
0x80: {  	_ =	shalt  }
0x81: {  	_ =	shalt  }
0x82: {  	_ =	shalt  }
0x83: {  	_ =	shalt  }
0x84: {  	_ =	shalt  }
0x85: {  	_ =	shalt  }
0x86: {  	_ =	shalt  }
0x87: {  	_ =	shalt  }
.Lfunc_end0:
.L_simem_size_0:
called_computation.1_lowered:
.L_overlay_start_0:
0x88: {  	s2 =	sld [smem:$0x3FD9]  }
0x89: {  	s3 =	sld [smem:$0x3FFE];
	_ =	sdelay $0x1  }
0x8a: {  	s1 =	srdreg.scid  }
0x8b: {  	s0 =	sand.u32 $0x1, s1  }
0x8c: {  	s14 =	sshll.u32 s0, $0xA;
	s2 =	sadd.s32 s3, s2  }
0x8d: {  	s2 =	sadd.s32 s2, s14  }
0x8e: {  	[smem:$0x3FBF] =	sst s2  }
0x8f: {  	_ = 	snop  }
0x90: {  	s2 =	sld [smem:$0x3FD0];
	_ =	sdelay $0x2  }
0x91: {  	s15 =	simm.s32 $0xA;
	s4 =	simm.s32 $0x10  }
0x92: {  	[smem:s4], [sflag:s15] =	dma.local [hbm:s2], $0x1  }
0x93: {  	_ =	swait.eq [sflag:s15], $0x1  }
0x94: {  	[sflag:s15] =	ssyncset.done $0x0  }
0x95: {  	s16 =	sld [smem:$0x10];
	[sflag:s15] =	ssyncadd.s32 $0xFFFFFFFF  }
0x96: {  	s17 =	sld [smem:$0x11];
	(tm) =	ssettm $0x1  }
0x97: {  	s18 =	sld [smem:$0x3FFB];
	_ =	sdelay $0x3  }
0x98: {  	_ =	strace s18  }
0x99: {  	s4 =	sld [smem:$0x3FFC];
	_ =	sdelay $0x3  }
0x9a: {  	_ =	strace s4  }
0x9b: {  	s4 =	sld [smem:$0x3FFD];
	_ =	sdelay $0x3  }
0x9c: {  	_ =	strace s4  }
0x9d: {  	_ =	strace $0x8FFFFFFF  }
0x9e: {  	s19 =	sld [smem:$0x3FDB];
	_ =	sdelay $0x1  }
0x9f: {  	s5 =	simm.s32 $_scs_section_size  }
0xa0: {  	s6 =	simm.s32 $_size__tile_overlayer_lowered;
	s7 =	simm.s32 $_tile_overlayer_lowered  }
0xa1: {  	s22 =	simm.s32 $0x1BFF;
	s21 =	sshll.u32 s7, $0x1;
	s4 =	sadd.s32 s5, s19  }
0xa2: {  	s8 =	simm.s32 $0x0;
	s20 =	sshll.u32 s6, $0x1;
	s6 =	sadd.s32 s21, s4  }
0xa3: {  	[timem:s8], [sflag:s22] =	dma.local [hbm:s6], s20  }
0xa4: {  	_ =	swait.ge [sflag:s22], s20  }
0xa5: {  	s5 =	ssub.s32 $0x0, s20;
	[sflag:s22] =	ssyncset.done $0x0  }
0xa6: {  	[sflag:s22] =	ssyncadd.s32 s5;
	_ =	sdelay $0x1  }
0xa7: {  	s23 =	simm.s32 $0x1B8B  }
0xa8: {  	_ =	swait.ge [sflag:s23], $0x1  }
0xa9: {  	[sflag:s23] =	ssyncset.done $0x0  }
0xaa: {  	s25 =	simm.s32 $0x1B8E;
	s24 =	sld [smem:$0x3FFE];
	[sflag:s23] =	ssyncadd.s32 $0xFFFFFFFF  }
0xab: {  	s26 =	simm.s32 $execute0_lowered;
	[smem:$0x3FD2] =	sst s25  }
0xac: {  	s6 =	sshll.u32 s26, $0x1;
	_ =	strace $0x80000049;
	[dreg:$0x1] =	wrdreg $0xFFFFFFFF  }
0xad: {  	s28 =	simm.s32 $_size_execute0_lowered;
	s4 =	sadd.s32 s4, s6;
	[dreg:$0x0] =	wrdreg $0x0  }
0xae: {  	s6 =	sshll.u32 s28, $0x1;
	[dreg:$0x2] =	wrdreg s4  }
0xaf: {  	[dreg:$0x3] =	wrdreg s6  }
0xb0: {  	[dreg:$0x4] =	wrdreg $0xC0  }
0xb1: {  	_ =	task [dreg:s8], $0x5FFFF  }
0xb2: {  	[dreg:$0x1] =	wrdreg $0xFFFFFFFF  }
0xb3: {  	[dreg:$0x0] =	wrdreg $0x60  }
0xb4: {  	[dreg:$0x2] =	wrdreg s17  }
0xb5: {  	[dreg:$0x3] =	wrdreg s16  }
0xb6: {  	[dreg:$0x4] =	wrdreg s24  }
0xb7: {  	[dreg:$0x5] =	wrdreg $0x88000  }
0xb8: {  	[dreg:$0x6] =	wrdreg $0x9  }
0xb9: {  	_ =	task.clear_ibuf [dreg:s8], $0x7FFFF;
	_ =	strace $0x90000049  }
0xba: {  	s29 =	simm.s32 $0x9;
	_ =	strace $0x8000004B  }
0xbb: {  	_ =	swait.ge [sflag:s29], $0x1  }
0xbc: {  	[sflag:s29] =	ssyncadd.s32 $0xFFFFFFFF  }
0xbd: {  	_ =	strace $0x9000004B  }
0xbe: {  	_ =	sfence  }
0xbf: {  	s30 =	sld [smem:$0x0];
	_ =	sdelay $0x2  }
0xc0: {  	s31 =	sshll.u32 s1, $0xD;
	s1 =	sshrl.u32 s1, $0x2  }
0xc1: {  	s3 =	sand.u32 $0x4000, s31;
	s1 =	sadd.s32 s1, s30  }
0xc2: {  	s0 =	sor.u32 s3, s0;
	s1 =	sshll.u32 s1, $0x11  }
0xc3: {  	s0 =	sor.u32 s1, s0  }
0xc4: {  	s0 =	sadd.s32 $0x8F2B, s0  }
0xc5: {  	[sflag:s0] =	ssyncadd.remote.s32 $0x1  }
0xc6: {  	_ =	sfence.sel $0xFFFF  }
0xc7: {  	[dreg:$0x0] =	wrdreg $0xFFFFFFFF;
	(pc) =	sbr.abs _section_cstart, $3  }
0xc8: {  	[dreg:$0x1] =	wrdreg $0xFFFFFFFF  }
0xc9: {  	_ =	task.clear_ibuf [dreg:s8], $0x2FFFF;
	_ =	strace $0x9FFFFFFF  }
0xca: {  	(tm) =	ssettm $0x7FFFFFFF  }
0xcb: {  	_ =	shalt  }
tec
execute0_lowered:
.L_overlay_start_1:
0x0: {  	(tag) =	ssettag $0x1  }
0x1: {  	s1 =	rddreg [dreg:$0x0]  }
0x2: {  	s0 =	rddreg [dreg:$0x1]  }
0x3: {  	s3 =	rddreg [dreg:$0x2];
	s16 =	stileid.u32  }
0x4: {  	s4 =	srdreg.scid;
	s6 =	smul.u32 $0x13C00, s16  }
0x5: {  	s2 =	rddreg [dreg:$0x3];
	s8 =	sand.u32 $0x1, s4;
	s9 =	smul.u32 $0xA0, s16  }
0x6: {  	s4 =	simm.s32 $0x0;
	s24 =	sadd.s32 $0x51A00, s3;
	s11 =	smul.u32 $0x4F000, s16  }
0x7: {  	p1 =	sne.s32 s16, $0xF;
	p2 =	seq.s32 s16, $0xF;
	s29 =	smul.u32 $0x2780, s16  }
0x8: {  	s12 =	sadd.s32 $0x128400, s2;
	s30 =	sadd.s32 $0x25080, s1;
	s5 =	smul.u32 $0x13C000, s8  }
0x9: {  	[smem:$0x7FF] =	sst s4;
	s7 =	ssub.s32 $0x2, s8;
	s26 =	smul.u32 $0x9C4, s8  }
0xa: {  	_ =	strace $0x8000004A;
	[dreg:$0x5] =	wrdreg s24;
	s10 =	sshrl.u32 s7, $0x1  }
0xb: {  	s25 =	ssub.s32 $0x9C4, s9;
	s28 =	sshrl.u32 s11, $0x2;
	[dreg:$0x7] =	wrdreg s30  }
0xc: {  	s11 =	sadd.s32 s1, s29;
	s6 =	sadd.s32 s6, s5;
	s10 =	ssub.s32 s7, s10  }
0xd: {  	s9 =	sadd.s32 s9, s26;
	s7 =	sadd.s32 s28, s2;
	[dreg:$0x9] =	wrdreg s11  }
0xe: {  	s6 =	sshrl.u32 s6, $0x3;
	s9 =	sshll.u32 s9, $0x3;
	[dreg:$0x6] =	wrdreg s7  }
0xf: {  	s3 =	sadd.s32 s6, s3;
	s6 =	smin.u32 s25, $0xA0;
	s25 =	smax.u32 s10, $0x1  }
0x10: {  	s20 =	smul.u32 $0x500, s16;
	s31 =	sadd.s32 s0, s9;
	[dreg:$0x15] =	wrdreg s25  }
0x11: {  	p0 =	seq.s32 s8, $0x0;
	s14 =	sadd.s32 $0x9C40, s31;
	[dreg:$0x8] =	wrdreg s31  }
0x12: {  	s18 =	smul.u32 $0x4E20, s8;
	s15 =	sadd.s32 $0x8, s31;
	[dreg:$0xa] =	wrdreg s14  }
0x13: {  	p1 =	por !p0, !p1;
	s17 =	sadd.s32 $0x9C48, s31;
	[dreg:$0xb] =	wrdreg s15  }
0x14: {  	p0 =	por !p0, !p2;
	s13 =	sadd.s32 $0x10, s31;
	[dreg:$0xc] =	wrdreg s17  }
0x15: {  	p2 =	por !p1, !p1;
	s19 =	sadd.s32 $0x9C50, s31;
	[dreg:$0xd] =	wrdreg s13  }
0x16: {  	p0 =	por !p0, !p0;
	s21 =	sadd.s32 $0x9C58, s31;
	[dreg:$0xe] =	wrdreg s19  }
0x17: {  	p1 =	por p0, p2;
	s22 =	sadd.s32 $0x20, s31;
	[dreg:$0x10] =	wrdreg s21  }
0x18: {  	s0 =	sadd.s32 s18, s0;
	s23 =	sadd.s32 $0x9C60, s31;
	[dreg:$0x11] =	wrdreg s22  }
0x19: {  	p1 =	seq.s32 @!p1 s8, $0x0;
	s24 =	sadd.s32 $0x28, s31;
	[dreg:$0x12] =	wrdreg s23  }
0x1a: {  	s0 =	sadd.s32 s20, s0;
	s3 =	sadd.s32 $0x54200, s3;
	[dreg:$0x13] =	wrdreg s24  }
0x1b: {  	p1 =	por @!p2 p1, p0;
	s26 =	sadd.s32 $0x9C68, s31;
	[dreg:$0x14] =	wrdreg s3  }
0x1c: {  	s28 =	sadd.s32 $0x30, s31;
	s29 =	sadd.s32 $0x9C70, s31;
	[dreg:$0x18] =	wrdreg s26  }
0x1d: {  	s30 =	sadd.s32 $0x38, s31;
	p1 =	por p1, p2;
	[dreg:$0x19] =	wrdreg s28  }
0x1e: {  	s20 =	sadd.s32 $0x9C80, s0;
	[dreg:$0x1a] =	wrdreg s29;
	s0 =	simm.s32 @!p1 $0x0  }
0x1f: {  	s11 =	simm.s32 $0x1;
	[dreg:$0x1b] =	wrdreg s30;
	s0 =	simm.s32 @p1 $0x1  }
0x20: {  	s14 =	sadd.s32 $0x18, s31;
	[smem:$0x7FB] =	sst s0;
	s0 =	simm.s32 @!p2 $0x0  }
0x21: {  	p0 =	por !p0, p2;
	[dreg:$0xf] =	wrdreg s14;
	s0 =	simm.s32 @p2 $0x1  }
0x22: {  	s9 =	sadd.s32 $0x138800, s2;
	[smem:$0x7FC] =	sst s0;
	s0 =	sshrl.u32 @!p0 s12, $0x3  }
0x23: {  	s31 =	sadd.s32 $0x9C78, s31;
	[dreg:$0x16] =	wrdreg s0;
	s0 =	simm.s32 @!p0 $0x0  }
0x24: {  	s13 =	simm.s32 $0x2;
	[dreg:$0x1c] =	wrdreg s31;
	s0 =	simm.s32 @p0 $0x1  }
0x25: {  	s15 =	simm.s32 $0x4;
	[smem:$0x7FD] =	sst s0;
	s0 =	sshrl.u32 @!p0 s9, $0x3  }
0x26: {  	s17 =	simm.s32 $0x0;
	s14 =	simm.s32 $0x3;
	[dreg:$0x17] =	wrdreg s0  }
.LBB2_1:
0x27: {  	s0 =	sld [smem:$0x7FB];
	_ =	sdelay $0x2  }
0x28: {  	p0 =	seq.s32 s0, $0x1  }
0x29: {  	s0 =	sshll.u32 @!p0 s16, $0x6  }
0x2a: {  	s5 =	rddreg [dreg:$0x5];
	s3 =	sshrl.u32 @!p0 s7, $0x3;
	s0 =	sor.u32 @!p0 $0x1C11, s0  }
0x2b: {  	[spmem:s3], [sflag:s0] =	dma.local @!p0 [hbm:s5], $0x2780  }
0x2c: {  	s0 =	simm.s32 @!p0 $0x11  }
0x2d: {  	_ =	swait.ge @!p0 [sflag:s0], $0x2780  }
0x2e: {  	s26 =	sld [smem:$0x7FD];
	_ =	sdelay $0x2  }
0x2f: {  	[sflag:s0] =	ssyncset.done @!p0 $0x0;
	s3 =	rddreg [dreg:$0x7];
	p1 =	seq.s32 s26, $0x1  }
0x30: {  	s8 =	rddreg [dreg:$0x16];
	[sflag:s0] =	ssyncadd.s32 @!p0 $0xFFFFD880;
	s0 =	simm.s32 @!p1 $0x1FD1  }
0x31: {  	[spmem:s8], [sflag:s0] =	dma.local @!p1 [hbm:s3], $0x2080  }
0x32: {  	s3 =	simm.s32 @!p1 $0x11  }
0x33: {  	_ =	swait.ge @!p1 [sflag:s3], $0x2080  }
0x34: {  	[sflag:s3] =	ssyncset.done @!p1 $0x0  }
0x35: {  	s8 =	rddreg [dreg:$0x17];
	[sflag:s3] =	ssyncadd.s32 @!p1 $0xFFFFDF80  }
0x36: {  	[spmem:s8], [sflag:s0] =	dma.local @!p1 [hbm:s5], $0x700  }
0x37: {  	_ =	swait.ge @!p1 [sflag:s3], $0x700  }
0x38: {  	s28 =	sld [smem:$0x7FC];
	_ =	sdelay $0x2  }
0x39: {  	p0 =	seq.s32 s28, $0x1  }
0x3a: {  	[sflag:s3] =	ssyncset.done @!p1 $0x0;
	s5 =	rddreg [dreg:$0x9];
	s0 =	sshll.u32 @p0 s16, $0x6  }
0x3b: {  	[sflag:s3] =	ssyncadd.s32 @!p1 $0xFFFFF900;
	s3 =	sshrl.u32 @p0 s7, $0x3;
	s0 =	sor.u32 @p0 $0x1C11, s0  }
0x3c: {  	[spmem:s3], [sflag:s0] =	dma.local @p0 [hbm:s5], $0x2780  }
0x3d: {  	s0 =	simm.s32 @p0 $0x11  }
0x3e: {  	_ =	swait.ge @p0 [sflag:s0], $0x2780  }
0x3f: {  	[sflag:s0] =	ssyncset.done @p0 $0x0  }
0x40: {  	[sflag:s0] =	ssyncadd.s32 @p0 $0xFFFFD880  }
0x41: {  	[bflag:$0x0] =	sbarrier.arrive $0xFFFF  }
0x42: {  	s29 =	rddreg [dreg:$0x8]  }
0x43: {  	[tilespmem:s4], [sflag:$0x1] =	stream.linear.gather [hbm4b:s29+s4], $0x40, $0x38;
	[tilespmem:$0x1C400] =	vst v63  }
0x44: {  	s31 =	simm.s32 $0x400;
	s30 =	rddreg [dreg:$0xa]  }
0x45: {  	[tilespmem:s31], [sflag:$0x1] =	stream.linear.gather [hbm4b:s30+s4], $0x40, $0x38;
	[tilespmem:$0x1C400] =	vst v63  }
0x46: {  	s3 =	simm.s32 $0x80;
	s5 =	rddreg [dreg:$0xb]  }
0x47: {  	[tilespmem:s3], [sflag:$0x2] =	stream.linear.gather [hbm4b:s5+s4], $0x40, $0x38;
	[tilespmem:$0x1C400] =	vst v63  }
0x48: {  	s8 =	simm.s32 $0x480;
	s7 =	rddreg [dreg:$0xc]  }
0x49: {  	[tilespmem:s8], [sflag:$0x2] =	stream.linear.gather [hbm4b:s7+s4], $0x40, $0x38;
	[tilespmem:$0x1C400] =	vst v63  }
0x4a: {  	s9 =	rddreg [dreg:$0xd];
	s5 =	simm.s32 $0x100  }
0x4b: {  	[tilespmem:s5], [sflag:$0x3] =	stream.linear.gather [hbm4b:s9+s4], $0x40, $0x38;
	[tilespmem:$0x1C400] =	vst v63  }
0x4c: {  	s12 =	simm.s32 $0x500;
	s10 =	rddreg [dreg:$0xe]  }
0x4d: {  	[tilespmem:s12], [sflag:$0x3] =	stream.linear.gather [hbm4b:s10+s4], $0x40, $0x38;
	[tilespmem:$0x1C400] =	vst v63  }
0x4e: {  	s16 =	rddreg [dreg:$0xf];
	s7 =	simm.s32 $0x180  }
0x4f: {  	[tilespmem:s7], [sflag:$0x4] =	stream.linear.gather [hbm4b:s16+s4], $0x40, $0x38;
	[tilespmem:$0x1C400] =	vst v63  }
0x50: {  	s19 =	simm.s32 $0x580;
	s18 =	rddreg [dreg:$0x10]  }
0x51: {  	[tilespmem:s19], [sflag:$0x4] =	stream.linear.gather [hbm4b:s18+s4], $0x40, $0x38;
	[tilespmem:$0x1C400] =	vst v63  }
0x52: {  	s22 =	simm.s32 $0x200;
	s21 =	rddreg [dreg:$0x11]  }
0x53: {  	[tilespmem:s22], [sflag:$0x5] =	stream.linear.gather [hbm4b:s21+s4], $0x40, $0x38;
	[tilespmem:$0x1C400] =	vst v63  }
0x54: {  	s24 =	simm.s32 $0x600;
	s23 =	rddreg [dreg:$0x12]  }
0x55: {  	[tilespmem:s24], [sflag:$0x5] =	stream.linear.gather [hbm4b:s23+s4], $0x40, $0x38;
	[tilespmem:$0x1C400] =	vst v63  }
0x56: {  	s26 =	simm.s32 $0x280;
	s25 =	rddreg [dreg:$0x13]  }
0x57: {  	[tilespmem:s26], [sflag:$0x6] =	stream.linear.gather [hbm4b:s25+s4], $0x40, $0x38;
	[tilespmem:$0x1C400] =	vst v63  }
0x58: {  	s28 =	rddreg [dreg:$0x18];
	s29 =	simm.s32 $0x680  }
0x59: {  	[tilespmem:s29], [sflag:$0x6] =	stream.linear.gather [hbm4b:s28+s4], $0x40, $0x38;
	[tilespmem:$0x1C400] =	vst v63  }
0x5a: {  	s30 =	rddreg [dreg:$0x19];
	s31 =	simm.s32 $0x300  }
0x5b: {  	[tilespmem:s31], [sflag:$0x7] =	stream.linear.gather [hbm4b:s30+s4], $0x40, $0x38;
	[tilespmem:$0x1C400] =	vst v63  }
0x5c: {  	s9 =	rddreg [dreg:$0x1a];
	s10 =	simm.s32 $0x700  }
0x5d: {  	[tilespmem:s10], [sflag:$0x7] =	stream.linear.gather [hbm4b:s9+s4], $0x40, $0x38;
	[tilespmem:$0x1C400] =	vst v63  }
0x5e: {  	s12 =	rddreg [dreg:$0x1b];
	s16 =	simm.s32 $0x380  }
0x5f: {  	[tilespmem:s16], [sflag:$0x8] =	stream.linear.gather [hbm4b:s12+s4], $0x40, $0x38;
	[tilespmem:$0x1C400] =	vst v63  }
0x60: {  	s18 =	rddreg [dreg:$0x1c];
	s19 =	simm.s32 $0x780  }
0x61: {  	[tilespmem:s19], [sflag:$0x8] =	stream.linear.gather [hbm4b:s18+s4], $0x40, $0x38;
	[tilespmem:$0x1C400] =	vst v63  }
0x62: {  	_ =	swait.ge [sflag:s11], $0x40  }
0x63: {  	[sflag:s11] =	ssyncset.done $0x0  }
0x64: {  	[sflag:s11] =	ssyncadd.s32 $0xFFFFFFC0  }
0x65: {  	_ =	swait.ge [sflag:s11], $0x40  }
0x66: {  	[sflag:s11] =	ssyncset.done $0x0  }
0x67: {  	s21 =	simm.s32 $0x40;
	s22 =	simm.s32 $0x800;
	[sflag:s11] =	ssyncadd.s32 $0xFFFFFFC0  }
0x68: {  	[tilespmem:s22], [sflag:$0x9] =	stream.indirect.gather [hbm4b:s1+s21], $0x80, s4, s21, $0xb8;
	[tilespmem:$0x1C400] =	vst v63  }
0x69: {  	_ =	swait.ge [sflag:s13], $0x40  }
0x6a: {  	[sflag:s13] =	ssyncset.done $0x0  }
0x6b: {  	[sflag:s13] =	ssyncadd.s32 $0xFFFFFFC0  }
0x6c: {  	_ =	swait.ge [sflag:s13], $0x40  }
0x6d: {  	[sflag:s13] =	ssyncset.done $0x0  }
0x6e: {  	s23 =	simm.s32 $0x2800;
	[sflag:s13] =	ssyncadd.s32 $0xFFFFFFC0  }
0x6f: {  	[tilespmem:s23], [sflag:$0xA] =	stream.indirect.gather [hbm4b:s1+s21], $0x80, s3, s21, $0xb8;
	[tilespmem:$0x1C400] =	vst v63  }
0x70: {  	_ =	swait.ge [sflag:s14], $0x40  }
0x71: {  	[sflag:s14] =	ssyncset.done $0x0  }
0x72: {  	[sflag:s14] =	ssyncadd.s32 $0xFFFFFFC0  }
0x73: {  	_ =	swait.ge [sflag:s14], $0x40  }
0x74: {  	[sflag:s14] =	ssyncset.done $0x0  }
0x75: {  	s24 =	simm.s32 $0x4800;
	[sflag:s14] =	ssyncadd.s32 $0xFFFFFFC0  }
0x76: {  	[tilespmem:s24], [sflag:$0xB] =	stream.indirect.gather [hbm4b:s1+s21], $0x80, s5, s21, $0xb8;
	[tilespmem:$0x1C400] =	vst v63  }
0x77: {  	_ =	swait.ge [sflag:s15], $0x40  }
0x78: {  	[sflag:s15] =	ssyncset.done $0x0  }
0x79: {  	[sflag:s15] =	ssyncadd.s32 $0xFFFFFFC0  }
0x7a: {  	_ =	swait.ge [sflag:s15], $0x40  }
0x7b: {  	p0 =	sle.u32 s6, $0x0;
	[sflag:s15] =	ssyncset.done $0x0  }
0x7c: {  	s0 =	simm.s32 @!p0 $0x9;
	s25 =	simm.s32 $0x6800;
	[sflag:s15] =	ssyncadd.s32 $0xFFFFFFC0  }
0x7d: {  	[tilespmem:s25], [sflag:$0xC] =	stream.indirect.gather [hbm4b:s1+s21], $0x80, s7, s21, $0xb8;
	[tilespmem:$0x1C400] =	vst v63  }
0x7e: {  	p3 =	sle.u32 s6, $0x4;
	_ =	swait.ge @!p0 [sflag:s0], $0x2000  }
0x7f: {  	s8 =	simm.s32 @!p0 $0x800;
	s9 =	simm.s32 @!p3 $0xD;
	[sflag:s0] =	ssyncset.done @!p0 $0x0  }
0x80: {  	s3 =	simm.s32 @!p0 $0x400;
	[sflag:s0] =	ssyncadd.s32 @!p0 $0xFFFFE000;
	s0 =	simm.s32 @!p0 $0x40  }
0x81: {  	[spmem:s2] =	stream.indirect.scatter.add.f32 @!p0 [tilespmem:s8], [sflag:$0xD], $0x80, s3, s0, $0xb8;
	[tilespmem:$0x1C400] =	vst v63  }
0x82: {  	_ =	swait.ge @!p3 [sflag:s9], $0x2000  }
0x83: {  	[sflag:s9] =	ssyncset.done @!p3 $0x0  }
0x84: {  	s0 =	simm.s32 @!p3 $0x5;
	[sflag:s9] =	ssyncadd.s32 @!p3 $0xFFFFE000  }
0x85: {  	_ =	swait.ge @!p3 [sflag:s0], $0x40  }
0x86: {  	[sflag:s0] =	ssyncset.done @!p3 $0x0  }
0x87: {  	[sflag:s0] =	ssyncadd.s32 @!p3 $0xFFFFFFC0  }
0x88: {  	p1 =	sgt.u32 @!p0 s6, $0x4;
	s18 =	simm.s32 @!p3 $0x40;
	_ =	swait.ge @!p3 [sflag:s0], $0x40  }
0x89: {  	p0 =	por p1, p0;
	p1 =	sle.u32 s6, $0x8;
	[sflag:s0] =	ssyncset.done @!p3 $0x0  }
0x8a: {  	s9 =	simm.s32 @!p3 $0x800;
	[sflag:s0] =	ssyncadd.s32 @!p3 $0xFFFFFFC0;
	s0 =	simm.s32 @!p3 $0x200  }
0x8b: {  	[tilespmem:s9], [sflag:$0x9] =	stream.indirect.gather @!p3 [hbm4b:s1+s18], $0x80, s0, s18, $0xb8;
	[tilespmem:$0x1C400] =	vst v63  }
0x8c: {  	s3 =	simm.s32 @!p0 $0xD;
	s0 =	simm.s32 @!p1 $0x0  }
0x8d: {  	_ =	swait.ge @!p0 [sflag:s3], $0x2000;
	s0 =	simm.s32 @p1 $0x1  }
0x8e: {  	[smem:$0x7F7] =	sst s0;
	[sflag:s3] =	ssyncset.done @!p0 $0x0  }
0x8f: {  	s0 =	simm.s32 @!p1 $0x0;
	[sflag:s3] =	ssyncadd.s32 @!p0 $0xFFFFE000;
	s3 =	sadd.s32 @!p1 $0xFFFF63C0, s20  }
0x90: {  	[tilespmem:s0], [sflag:$0x1] =	stream.linear.gather @!p1 [hbm4b:s3+s0], $0x40, $0x38;
	[tilespmem:$0x1C400] =	vst v63  }
0x91: {  	s3 =	simm.s32 @!p1 $0x400  }
0x92: {  	[tilespmem:s3], [sflag:$0x1] =	stream.linear.gather @!p1 [hbm4b:s20+s0], $0x40, $0x38;
	[tilespmem:$0x1C400] =	vst v63  }
0x93: {  	p1 =	sle.u32 s6, $0x5  }
0x94: {  	s5 =	simm.s32 @!p1 $0x0  }
0x95: {  	p0 =	sle.u32 s6, $0x1;
	s5 =	simm.s32 @p1 $0x1  }
0x96: {  	s3 =	simm.s32 @!p0 $0xA;
	[smem:$0x7F9] =	sst s5  }
0x97: {  	_ =	swait.ge @!p0 [sflag:s3], $0x2000  }
0x98: {  	s8 =	simm.s32 @!p0 $0x40;
	s10 =	simm.s32 @!p0 $0x480;
	[sflag:s3] =	ssyncset.done @!p0 $0x0  }
0x99: {  	s19 =	simm.s32 @!p1 $0xE;
	[sflag:s3] =	ssyncadd.s32 @!p0 $0xFFFFE000;
	s3 =	simm.s32 @!p0 $0x2800  }
0x9a: {  	[spmem:s2] =	stream.indirect.scatter.add.f32 @!p0 [tilespmem:s3], [sflag:$0xE], $0x80, s10, s8, $0xb8;
	[tilespmem:$0x1C400] =	vst v63  }
0x9b: {  	_ =	swait.ge @!p1 [sflag:s19], $0x2000  }
0x9c: {  	[sflag:s19] =	ssyncset.done @!p1 $0x0  }
0x9d: {  	s3 =	simm.s32 @!p1 $0x6;
	[sflag:s19] =	ssyncadd.s32 @!p1 $0xFFFFE000  }
0x9e: {  	_ =	swait.ge @!p1 [sflag:s3], $0x40  }
0x9f: {  	[sflag:s3] =	ssyncset.done @!p1 $0x0  }
0xa0: {  	p0 =	sgt.u32 s6, $0x5;
	[sflag:s3] =	ssyncadd.s32 @!p1 $0xFFFFFFC0  }
0xa1: {  	s8 =	simm.s32 @!p1 $0x40;
	p2 =	sle.u32 @!p0 s6, $0x1;
	_ =	swait.ge @!p1 [sflag:s3], $0x40  }
0xa2: {  	s10 =	simm.s32 @!p1 $0x2800;
	p2 =	por p2, p0;
	[sflag:s3] =	ssyncset.done @!p1 $0x0  }
0xa3: {  	s19 =	simm.s32 @!p1 $0x280;
	s21 =	simm.s32 @!p2 $0xE;
	[sflag:s3] =	ssyncadd.s32 @!p1 $0xFFFFFFC0  }
0xa4: {  	[tilespmem:s10], [sflag:$0xA] =	stream.indirect.gather @!p1 [hbm4b:s1+s8], $0x80, s19, s8, $0xb8;
	[tilespmem:$0x1C400] =	vst v63  }
0xa5: {  	p4 =	sle.u32 s6, $0x9;
	_ =	swait.ge @!p2 [sflag:s21], $0x2000  }
0xa6: {  	s3 =	simm.s32 @!p4 $0x80;
	s19 =	sadd.s32 @!p4 $0xFFFF63C8, s20;
	[sflag:s21] =	ssyncset.done @!p2 $0x0  }
0xa7: {  	[sflag:s21] =	ssyncadd.s32 @!p2 $0xFFFFE000;
	s21 =	simm.s32 @!p4 $0x0;
	p2 =	sle.u32 s6, $0x6  }
0xa8: {  	[tilespmem:s3], [sflag:$0x2] =	stream.linear.gather @!p4 [hbm4b:s19+s21], $0x40, $0x38;
	[tilespmem:$0x1C400] =	vst v63  }
0xa9: {  	s22 =	simm.s32 @!p4 $0x480;
	s5 =	simm.s32 @!p2 $0x0  }
0xaa: {  	p0 =	sle.u32 s6, $0x2;
	s19 =	sadd.s32 @!p4 $0x8, s20;
	s5 =	simm.s32 @p2 $0x1  }
0xab: {  	[tilespmem:s22], [sflag:$0x2] =	stream.linear.gather @!p4 [hbm4b:s19+s21], $0x40, $0x38;
	[tilespmem:$0x1C400] =	vst v63  }
0xac: {  	s23 =	simm.s32 @!p0 $0xB;
	[smem:$0x7FA] =	sst s5  }
0xad: {  	_ =	swait.ge @!p0 [sflag:s23], $0x2000  }
0xae: {  	s19 =	simm.s32 @!p2 $0xF;
	s21 =	simm.s32 @!p0 $0x4800;
	[sflag:s23] =	ssyncset.done @!p0 $0x0  }
0xaf: {  	s22 =	simm.s32 @!p0 $0x40;
	[sflag:s23] =	ssyncadd.s32 @!p0 $0xFFFFE000;
	s23 =	simm.s32 @!p0 $0x500  }
0xb0: {  	[spmem:s2] =	stream.indirect.scatter.add.f32 @!p0 [tilespmem:s21], [sflag:$0xF], $0x80, s23, s22, $0xb8;
	[tilespmem:$0x1C400] =	vst v63  }
0xb1: {  	_ =	swait.ge @!p2 [sflag:s19], $0x2000  }
0xb2: {  	[sflag:s19] =	ssyncset.done @!p2 $0x0  }
0xb3: {  	s23 =	simm.s32 @!p2 $0x7;
	[sflag:s19] =	ssyncadd.s32 @!p2 $0xFFFFE000  }
0xb4: {  	_ =	swait.ge @!p2 [sflag:s23], $0x40  }
0xb5: {  	[sflag:s23] =	ssyncset.done @!p2 $0x0  }
0xb6: {  	p0 =	sgt.u32 s6, $0x6;
	[sflag:s23] =	ssyncadd.s32 @!p2 $0xFFFFFFC0  }
0xb7: {  	s21 =	simm.s32 @!p2 $0x4800;
	p5 =	sle.u32 @!p0 s6, $0x2;
	_ =	swait.ge @!p2 [sflag:s23], $0x40  }
0xb8: {  	s22 =	simm.s32 @!p2 $0x40;
	p0 =	por p5, p0;
	[sflag:s23] =	ssyncset.done @!p2 $0x0  }
0xb9: {  	s19 =	simm.s32 @!p2 $0x300;
	s24 =	simm.s32 @!p0 $0xF;
	[sflag:s23] =	ssyncadd.s32 @!p2 $0xFFFFFFC0  }
0xba: {  	[tilespmem:s21], [sflag:$0xB] =	stream.indirect.gather @!p2 [hbm4b:s1+s22], $0x80, s19, s22, $0xb8;
	[tilespmem:$0x1C400] =	vst v63  }
0xbb: {  	p5 =	sle.u32 s6, $0xA;
	_ =	swait.ge @!p0 [sflag:s24], $0x2000  }
0xbc: {  	s23 =	sadd.s32 @!p5 $0xFFFF63D0, s20;
	s19 =	simm.s32 @!p5 $0x100;
	[sflag:s24] =	ssyncset.done @!p0 $0x0  }
0xbd: {  	[sflag:s24] =	ssyncadd.s32 @!p0 $0xFFFFE000;
	p0 =	sle.u32 s6, $0x3;
	s24 =	simm.s32 @!p5 $0x0  }
0xbe: {  	[tilespmem:s19], [sflag:$0x3] =	stream.linear.gather @!p5 [hbm4b:s23+s24], $0x40, $0x38;
	[tilespmem:$0x1C400] =	vst v63  }
0xbf: {  	s25 =	simm.s32 @!p5 $0x500;
	s23 =	sadd.s32 @!p5 $0x10, s20;
	s26 =	simm.s32 @!p0 $0xC  }
0xc0: {  	[tilespmem:s25], [sflag:$0x3] =	stream.linear.gather @!p5 [hbm4b:s23+s24], $0x40, $0x38;
	[tilespmem:$0x1C400] =	vst v63  }
0xc1: {  	_ =	swait.ge @!p0 [sflag:s26], $0x2000  }
0xc2: {  	p6 =	sle.u32 s6, $0x7;
	s23 =	simm.s32 @!p0 $0x6800;
	[sflag:s26] =	ssyncset.done @!p0 $0x0  }
0xc3: {  	s24 =	simm.s32 @!p0 $0x40;
	s25 =	simm.s32 @!p0 $0x580;
	[sflag:s26] =	ssyncadd.s32 @!p0 $0xFFFFE000  }
0xc4: {  	[spmem:s2] =	stream.indirect.scatter.add.f32 @!p0 [tilespmem:s23], [sflag:$0x10], $0x80, s25, s24, $0xb8;
	[tilespmem:$0x1C400] =	vst v63  }
0xc5: {  	s23 =	simm.s32 @!p6 $0x10  }
0xc6: {  	_ =	swait.ge @!p6 [sflag:s23], $0x2000  }
0xc7: {  	[sflag:s23] =	ssyncset.done @!p6 $0x0  }
0xc8: {  	[sflag:s23] =	ssyncadd.s32 @!p6 $0xFFFFE000;
	s23 =	simm.s32 @!p6 $0x8  }
0xc9: {  	_ =	swait.ge @!p6 [sflag:s23], $0x40  }
0xca: {  	[sflag:s23] =	ssyncset.done @!p6 $0x0  }
0xcb: {  	p2 =	sgt.u32 s6, $0x7;
	[sflag:s23] =	ssyncadd.s32 @!p6 $0xFFFFFFC0  }
0xcc: {  	s26 =	simm.s32 @!p6 $0x380;
	p0 =	sle.u32 @!p2 s6, $0x3;
	_ =	swait.ge @!p6 [sflag:s23], $0x40  }
0xcd: {  	s24 =	simm.s32 @!p6 $0x6800;
	p0 =	por p0, p2;
	[sflag:s23] =	ssyncset.done @!p6 $0x0  }
0xce: {  	s25 =	simm.s32 @!p6 $0x40;
	s28 =	simm.s32 @!p0 $0x10;
	[sflag:s23] =	ssyncadd.s32 @!p6 $0xFFFFFFC0  }
0xcf: {  	[tilespmem:s24], [sflag:$0xC] =	stream.indirect.gather @!p6 [hbm4b:s1+s25], $0x80, s26, s25, $0xb8;
	[tilespmem:$0x1C400] =	vst v63  }
0xd0: {  	p2 =	sle.u32 s6, $0xB;
	_ =	swait.ge @!p0 [sflag:s28], $0x2000  }
0xd1: {  	s23 =	simm.s32 @!p2 $0x180;
	[sflag:s28] =	ssyncset.done @!p0 $0x0  }
0xd2: {  	s26 =	sadd.s32 @!p2 $0xFFFF63D8, s20;
	[sflag:s28] =	ssyncadd.s32 @!p0 $0xFFFFE000;
	s28 =	simm.s32 @!p2 $0x0  }
0xd3: {  	[tilespmem:s23], [sflag:$0x4] =	stream.linear.gather @!p2 [hbm4b:s26+s28], $0x40, $0x38;
	[tilespmem:$0x1C400] =	vst v63  }
0xd4: {  	s29 =	simm.s32 @!p2 $0x580;
	s26 =	sadd.s32 @!p2 $0x18, s20  }
0xd5: {  	[tilespmem:s29], [sflag:$0x4] =	stream.linear.gather @!p2 [hbm4b:s26+s28], $0x40, $0x38;
	[tilespmem:$0x1C400] =	vst v63  }
0xd6: {  	s26 =	simm.s32 @!p3 $0x9  }
0xd7: {  	_ =	swait.ge @!p3 [sflag:s26], $0x2000  }
0xd8: {  	[sflag:s26] =	ssyncset.done @!p3 $0x0  }
0xd9: {  	[sflag:s26] =	ssyncadd.s32 @!p3 $0xFFFFE000;
	s26 =	simm.s32 @!p3 $0x600  }
0xda: {  	[spmem:s2] =	stream.indirect.scatter.add.f32 @!p3 [tilespmem:s9], [sflag:$0xD], $0x80, s26, s18, $0xb8;
	[tilespmem:$0x1C400] =	vst v63  }
0xdb: {  	s26 =	sld [smem:$0x7F7];
	_ =	sdelay $0x2  }
0xdc: {  	p3 =	seq.s32 s26, $0x1  }
0xdd: {  	s9 =	simm.s32 @!p3 $0xD  }
0xde: {  	_ =	swait.ge @!p3 [sflag:s9], $0x2000  }
0xdf: {  	[sflag:s9] =	ssyncset.done @!p3 $0x0  }
0xe0: {  	p0 =	sgt.u32 s6, $0x8;
	[sflag:s9] =	ssyncadd.s32 @!p3 $0xFFFFE000;
	s9 =	simm.s32 @!p3 $0x1  }
0xe1: {  	s5 =	simm.s32 @!p0 $0x0;
	_ =	swait.ge @!p3 [sflag:s9], $0x40  }
0xe2: {  	s5 =	simm.s32 @p0 $0x1;
	[sflag:s9] =	ssyncset.done @!p3 $0x0  }
0xe3: {  	[smem:$0x7F8] =	sst s5;
	[sflag:s9] =	ssyncadd.s32 @!p3 $0xFFFFFFC0  }
0xe4: {  	p0 =	por p3, p3;
	_ =	swait.ge @!p3 [sflag:s9], $0x40  }
0xe5: {  	s18 =	simm.s32 @!p0 $0x40;
	s28 =	sld [smem:$0x7F8];
	[sflag:s9] =	ssyncset.done @!p0 $0x0  }
0xe6: {  	s29 =	sld [smem:$0x7F8];
	[sflag:s9] =	ssyncadd.s32 @!p0 $0xFFFFFFC0;
	s9 =	simm.s32 @!p0 $0x800  }
0xe7: {  	[tilespmem:s9], [sflag:$0x9] =	stream.indirect.gather @!p0 [hbm4b:s1+s18], $0x80, s0, s18, $0xb8;
	[tilespmem:$0x1C400] =	vst v63  }
0xe8: {  	p1 =	seq.s32 s28, $0x1  }
0xe9: {  	p3 =	sle.u32 @!p1 s6, $0x4;
	p1 =	seq.s32 s29, $0x1  }
0xea: {  	p3 =	por p3, p1  }
0xeb: {  	s0 =	simm.s32 @!p3 $0xD  }
0xec: {  	_ =	swait.ge @!p3 [sflag:s0], $0x2000  }
0xed: {  	[sflag:s0] =	ssyncset.done @!p3 $0x0  }
0xee: {  	s30 =	sld [smem:$0x7F9];
	[sflag:s0] =	ssyncadd.s32 @!p3 $0xFFFFE000;
	p3 =	sle.u32 s6, $0xC  }
0xef: {  	s0 =	sadd.s32 @!p3 $0xFFFF63E0, s20;
	s9 =	simm.s32 @!p3 $0x0;
	s18 =	simm.s32 @!p3 $0x200  }
0xf0: {  	[tilespmem:s18], [sflag:$0x5] =	stream.linear.gather @!p3 [hbm4b:s0+s9], $0x40, $0x38;
	[tilespmem:$0x1C400] =	vst v63  }
0xf1: {  	s0 =	sadd.s32 @!p3 $0x20, s20;
	s18 =	simm.s32 @!p3 $0x600;
	p0 =	seq.s32 s30, $0x1  }
0xf2: {  	[tilespmem:s18], [sflag:$0x5] =	stream.linear.gather @!p3 [hbm4b:s0+s9], $0x40, $0x38;
	[tilespmem:$0x1C400] =	vst v63  }
0xf3: {  	s0 =	simm.s32 @!p0 $0xA  }
0xf4: {  	_ =	swait.ge @!p0 [sflag:s0], $0x2000  }
0xf5: {  	[sflag:s0] =	ssyncset.done @!p0 $0x0  }
0xf6: {  	[sflag:s0] =	ssyncadd.s32 @!p0 $0xFFFFE000;
	s0 =	simm.s32 @!p0 $0x680  }
0xf7: {  	[spmem:s2] =	stream.indirect.scatter.add.f32 @!p0 [tilespmem:s10], [sflag:$0xE], $0x80, s0, s8, $0xb8;
	[tilespmem:$0x1C400] =	vst v63  }
0xf8: {  	s0 =	simm.s32 @!p4 $0xE  }
0xf9: {  	_ =	swait.ge @!p4 [sflag:s0], $0x2000  }
0xfa: {  	[sflag:s0] =	ssyncset.done @!p4 $0x0  }
0xfb: {  	[sflag:s0] =	ssyncadd.s32 @!p4 $0xFFFFE000;
	s0 =	simm.s32 @!p4 $0x2  }
0xfc: {  	_ =	swait.ge @!p4 [sflag:s0], $0x40  }
0xfd: {  	[sflag:s0] =	ssyncset.done @!p4 $0x0  }
0xfe: {  	p1 =	sgt.u32 s6, $0x9;
	[sflag:s0] =	ssyncadd.s32 @!p4 $0xFFFFFFC0  }
0xff: {  	p3 =	sle.u32 @!p1 s6, $0x5;
	_ =	swait.ge @!p4 [sflag:s0], $0x40  }
0x100: {  	p1 =	por p3, p1;
	[sflag:s0] =	ssyncset.done @!p4 $0x0  }
0x101: {  	s8 =	simm.s32 @!p4 $0x40;
	[sflag:s0] =	ssyncadd.s32 @!p4 $0xFFFFFFC0;
	s0 =	simm.s32 @!p4 $0x2800  }
0x102: {  	[tilespmem:s0], [sflag:$0xA] =	stream.indirect.gather @!p4 [hbm4b:s1+s8], $0x80, s3, s8, $0xb8;
	[tilespmem:$0x1C400] =	vst v63  }
0x103: {  	s0 =	simm.s32 @!p1 $0xE  }
0x104: {  	_ =	swait.ge @!p1 [sflag:s0], $0x2000  }
0x105: {  	[sflag:s0] =	ssyncset.done @!p1 $0x0  }
0x106: {  	s31 =	sld [smem:$0x7FA];
	[sflag:s0] =	ssyncadd.s32 @!p1 $0xFFFFE000;
	p1 =	sle.u32 s6, $0xD  }
0x107: {  	s0 =	sadd.s32 @!p1 $0xFFFF63E8, s20;
	s3 =	simm.s32 @!p1 $0x0;
	s8 =	simm.s32 @!p1 $0x280  }
0x108: {  	[tilespmem:s8], [sflag:$0x6] =	stream.linear.gather @!p1 [hbm4b:s0+s3], $0x40, $0x38;
	[tilespmem:$0x1C400] =	vst v63  }
0x109: {  	s0 =	sadd.s32 @!p1 $0x28, s20;
	s8 =	simm.s32 @!p1 $0x680;
	p0 =	seq.s32 s31, $0x1  }
0x10a: {  	[tilespmem:s8], [sflag:$0x6] =	stream.linear.gather @!p1 [hbm4b:s0+s3], $0x40, $0x38;
	[tilespmem:$0x1C400] =	vst v63  }
0x10b: {  	s0 =	simm.s32 @!p0 $0xB  }
0x10c: {  	_ =	swait.ge @!p0 [sflag:s0], $0x2000  }
0x10d: {  	[sflag:s0] =	ssyncset.done @!p0 $0x0  }
0x10e: {  	[sflag:s0] =	ssyncadd.s32 @!p0 $0xFFFFE000;
	s0 =	simm.s32 @!p0 $0x700  }
0x10f: {  	[spmem:s2] =	stream.indirect.scatter.add.f32 @!p0 [tilespmem:s21], [sflag:$0xF], $0x80, s0, s22, $0xb8;
	[tilespmem:$0x1C400] =	vst v63  }
0x110: {  	s0 =	simm.s32 @!p5 $0xF  }
0x111: {  	_ =	swait.ge @!p5 [sflag:s0], $0x2000  }
0x112: {  	[sflag:s0] =	ssyncset.done @!p5 $0x0  }
0x113: {  	[sflag:s0] =	ssyncadd.s32 @!p5 $0xFFFFE000;
	s0 =	simm.s32 @!p5 $0x3  }
0x114: {  	_ =	swait.ge @!p5 [sflag:s0], $0x40  }
0x115: {  	[sflag:s0] =	ssyncset.done @!p5 $0x0  }
0x116: {  	[sflag:s0] =	ssyncadd.s32 @!p5 $0xFFFFFFC0  }
0x117: {  	p1 =	sgt.u32 s6, $0xA;
	_ =	swait.ge @!p5 [sflag:s0], $0x40  }
0x118: {  	s3 =	simm.s32 @!p5 $0x4800;
	p0 =	sle.u32 @!p1 s6, $0x6;
	[sflag:s0] =	ssyncset.done @!p5 $0x0  }
0x119: {  	p1 =	por p0, p1;
	[sflag:s0] =	ssyncadd.s32 @!p5 $0xFFFFFFC0;
	s0 =	simm.s32 @!p5 $0x40  }
0x11a: {  	[tilespmem:s3], [sflag:$0xB] =	stream.indirect.gather @!p5 [hbm4b:s1+s0], $0x80, s19, s0, $0xb8;
	[tilespmem:$0x1C400] =	vst v63  }
0x11b: {  	s0 =	simm.s32 @!p1 $0xF  }
0x11c: {  	_ =	swait.ge @!p1 [sflag:s0], $0x2000  }
0x11d: {  	[sflag:s0] =	ssyncset.done @!p1 $0x0  }
0x11e: {  	[sflag:s0] =	ssyncadd.s32 @!p1 $0xFFFFE000;
	p1 =	sle.u32 s6, $0xE  }
0x11f: {  	s0 =	sadd.s32 @!p1 $0xFFFF63F0, s20;
	s3 =	simm.s32 @!p1 $0x0;
	s8 =	simm.s32 @!p1 $0x300  }
0x120: {  	[tilespmem:s8], [sflag:$0x7] =	stream.linear.gather @!p1 [hbm4b:s0+s3], $0x40, $0x38;
	[tilespmem:$0x1C400] =	vst v63  }
0x121: {  	s0 =	sadd.s32 @!p1 $0x30, s20;
	s8 =	simm.s32 @!p1 $0x700  }
0x122: {  	[tilespmem:s8], [sflag:$0x7] =	stream.linear.gather @!p1 [hbm4b:s0+s3], $0x40, $0x38;
	[tilespmem:$0x1C400] =	vst v63  }
0x123: {  	s0 =	simm.s32 @!p6 $0xC  }
0x124: {  	_ =	swait.ge @!p6 [sflag:s0], $0x2000  }
0x125: {  	[sflag:s0] =	ssyncset.done @!p6 $0x0  }
0x126: {  	[sflag:s0] =	ssyncadd.s32 @!p6 $0xFFFFE000;
	s0 =	simm.s32 @!p6 $0x780  }
0x127: {  	[spmem:s2] =	stream.indirect.scatter.add.f32 @!p6 [tilespmem:s24], [sflag:$0x10], $0x80, s0, s25, $0xb8;
	[tilespmem:$0x1C400] =	vst v63  }
0x128: {  	s0 =	simm.s32 @!p2 $0x10  }
0x129: {  	_ =	swait.ge @!p2 [sflag:s0], $0x2000  }
0x12a: {  	[sflag:s0] =	ssyncset.done @!p2 $0x0  }
0x12b: {  	[sflag:s0] =	ssyncadd.s32 @!p2 $0xFFFFE000;
	s0 =	simm.s32 @!p2 $0x4  }
0x12c: {  	_ =	swait.ge @!p2 [sflag:s0], $0x40  }
0x12d: {  	[sflag:s0] =	ssyncset.done @!p2 $0x0  }
0x12e: {  	s18 =	simm.s32 $0x8;
	[sflag:s0] =	ssyncadd.s32 @!p2 $0xFFFFFFC0  }
0x12f: {  	s19 =	sadd.s32 $0x40, s20;
	p1 =	sgt.u32 s6, $0xB;
	_ =	swait.ge @!p2 [sflag:s0], $0x40  }
0x130: {  	s3 =	simm.s32 @!p2 $0x40;
	p0 =	sle.u32 @!p1 s6, $0x7;
	[sflag:s0] =	ssyncset.done @!p2 $0x0  }
0x131: {  	s8 =	simm.s32 @!p2 $0x6800;
	p1 =	por p0, p1;
	[sflag:s0] =	ssyncadd.s32 @!p2 $0xFFFFFFC0  }
0x132: {  	[tilespmem:s8], [sflag:$0xC] =	stream.indirect.gather @!p2 [hbm4b:s1+s3], $0x80, s23, s3, $0xb8;
	[tilespmem:$0x1C400] =	vst v63  }
0x133: {  	s3 =	simm.s32 @!p1 $0x10;
	p2 =	sle.u32 s6, $0xF;
	s23 =	smov.u32 s20  }
.LBB2_2:
0x134: {  	p0 =	sge.u32 s18, s6  }
0x135: {  	_ =	swait.ge @!p1 [sflag:s3], $0x2000;
	s0 =	smov.u32 s18;
	s8 =	sadd.s32 @!p2 $0xFFFF63F8, s23  }
0x136: {  	s9 =	simm.s32 @!p2 $0x380;
	[sflag:s3] =	ssyncset.done @!p1 $0x0;
	s21 =	sadd.s32 $0x4, s0  }
0x137: {  	[sflag:s3] =	ssyncadd.s32 @!p1 $0xFFFFE000;
	s3 =	simm.s32 @!p2 $0x0;
	p3 =	sge.u32 s21, s6  }
0x138: {  	[tilespmem:s9], [sflag:$0x8] =	stream.linear.gather @!p2 [hbm4b:s8+s3], $0x40, $0x38;
	[tilespmem:$0x1C400] =	vst v63  }
0x139: {  	s18 =	sadd.s32 $0x8, s18;
	s10 =	simm.s32 @!p2 $0x780;
	s5 =	simm.s32 @!p3 $0x0  }
0x13a: {  	s8 =	simm.s32 @!p0 $0x9;
	s9 =	sadd.s32 @!p2 $0x38, s23;
	s5 =	simm.s32 @p3 $0x1  }
0x13b: {  	[tilespmem:s10], [sflag:$0x8] =	stream.linear.gather @!p2 [hbm4b:s9+s3], $0x40, $0x38;
	[tilespmem:$0x1C400] =	vst v63  }
0x13c: {  	s3 =	simm.s32 @!p0 $0x400;
	s9 =	simm.s32 @!p0 $0x800;
	_ =	swait.ge @!p0 [sflag:s8], $0x2000  }
0x13d: {  	s10 =	simm.s32 @!p3 $0xD;
	p2 =	sne.s32 s18, $0xA0;
	[sflag:s8] =	ssyncset.done @!p0 $0x0  }
0x13e: {  	[smem:$0x7EB] =	sst s5;
	[sflag:s8] =	ssyncadd.s32 @!p0 $0xFFFFE000;
	s8 =	simm.s32 @!p0 $0x40  }
0x13f: {  	[spmem:s2] =	stream.indirect.scatter.add.f32 @!p0 [tilespmem:s9], [sflag:$0xD], $0x80, s3, s8, $0xb8;
	[tilespmem:$0x1C400] =	vst v63  }
0x140: {  	s3 =	simm.s32 @!p2 $0x0;
	_ =	swait.ge @!p3 [sflag:s10], $0x2000  }
0x141: {  	s3 =	simm.s32 @p2 $0x1;
	[sflag:s10] =	ssyncset.done @!p3 $0x0  }
0x142: {  	[smem:$0x7F6] =	sst s3;
	s3 =	simm.s32 @!p3 $0x5;
	[sflag:s10] =	ssyncadd.s32 @!p3 $0xFFFFE000  }
0x143: {  	_ =	swait.ge @!p3 [sflag:s3], $0x40  }
0x144: {  	p4 =	sge.u32 s18, s6;
	p1 =	slt.u32 @!p0 s21, s6;
	[sflag:s3] =	ssyncset.done @!p3 $0x0  }
0x145: {  	s24 =	simm.s32 @!p3 $0x800;
	s28 =	simm.s32 @!p3 $0x40;
	[sflag:s3] =	ssyncadd.s32 @!p3 $0xFFFFFFC0  }
0x146: {  	s5 =	simm.s32 @!p4 $0x0;
	p2 =	por p1, p0;
	_ =	swait.ge @!p3 [sflag:s3], $0x40  }
0x147: {  	s5 =	simm.s32 @p4 $0x1;
	s8 =	simm.s32 @!p2 $0xD;
	[sflag:s3] =	ssyncset.done @!p3 $0x0  }
0x148: {  	[smem:$0x7EC] =	sst s5;
	[sflag:s3] =	ssyncadd.s32 @!p3 $0xFFFFFFC0;
	s3 =	simm.s32 @!p3 $0x200  }
0x149: {  	[tilespmem:s24], [sflag:$0x9] =	stream.indirect.gather @!p3 [hbm4b:s1+s28], $0x80, s3, s28, $0xb8;
	[tilespmem:$0x1C400] =	vst v63  }
0x14a: {  	_ =	swait.ge @!p2 [sflag:s8], $0x2000  }
0x14b: {  	s22 =	simm.s32 @!p4 $0x0;
	[sflag:s8] =	ssyncset.done @!p2 $0x0  }
0x14c: {  	s10 =	sadd.s32 $0x1, s0;
	[sflag:s8] =	ssyncadd.s32 @!p2 $0xFFFFE000;
	s8 =	sadd.s32 @!p4 $0xFFFF63C0, s19  }
0x14d: {  	[tilespmem:s22], [sflag:$0x1] =	stream.linear.gather @!p4 [hbm4b:s8+s22], $0x40, $0x38;
	[tilespmem:$0x1C400] =	vst v63  }
0x14e: {  	s9 =	sadd.s32 $0x5, s0;
	s3 =	simm.s32 @!p4 $0x400;
	p2 =	sge.u32 s10, s6  }
0x14f: {  	[tilespmem:s3], [sflag:$0x1] =	stream.linear.gather @!p4 [hbm4b:s19+s22], $0x40, $0x38;
	[tilespmem:$0x1C400] =	vst v63  }
0x150: {  	p0 =	slt.u32 s9, s6;
	s3 =	simm.s32 @!p2 $0xA  }
0x151: {  	p1 =	sge.u32 @!p0 s10, s6;
	p3 =	sge.u32 s9, s6;
	_ =	swait.ge @!p2 [sflag:s3], $0x2000  }
0x152: {  	s25 =	simm.s32 @!p3 $0xE;
	s8 =	simm.s32 @!p2 $0x40;
	[sflag:s3] =	ssyncset.done @!p2 $0x0  }
0x153: {  	s10 =	simm.s32 @!p2 $0x480;
	[sflag:s3] =	ssyncadd.s32 @!p2 $0xFFFFE000;
	s3 =	simm.s32 @!p2 $0x2800  }
0x154: {  	[spmem:s2] =	stream.indirect.scatter.add.f32 @!p2 [tilespmem:s3], [sflag:$0xE], $0x80, s10, s8, $0xb8;
	[tilespmem:$0x1C400] =	vst v63  }
0x155: {  	_ =	swait.ge @!p3 [sflag:s25], $0x2000  }
0x156: {  	[sflag:s25] =	ssyncset.done @!p3 $0x0  }
0x157: {  	s30 =	sadd.s32 $0x9, s0;
	s26 =	simm.s32 @!p3 $0x6;
	[sflag:s25] =	ssyncadd.s32 @!p3 $0xFFFFE000  }
0x158: {  	p5 =	sge.u32 s30, s6;
	_ =	swait.ge @!p3 [sflag:s26], $0x40  }
0x159: {  	s5 =	simm.s32 @!p5 $0x0;
	[sflag:s26] =	ssyncset.done @!p3 $0x0  }
0x15a: {  	s31 =	sadd.s32 $0x2, s0;
	s5 =	simm.s32 @p5 $0x1;
	[sflag:s26] =	ssyncadd.s32 @!p3 $0xFFFFFFC0  }
0x15b: {  	s8 =	simm.s32 @!p3 $0x40;
	p2 =	por p1, p0;
	_ =	swait.ge @!p3 [sflag:s26], $0x40  }
0x15c: {  	s10 =	simm.s32 @!p3 $0x2800;
	s29 =	simm.s32 @!p2 $0xE;
	[sflag:s26] =	ssyncset.done @!p3 $0x0  }
0x15d: {  	s25 =	simm.s32 @!p3 $0x280;
	[smem:$0x7ED] =	sst s5;
	[sflag:s26] =	ssyncadd.s32 @!p3 $0xFFFFFFC0  }
0x15e: {  	[tilespmem:s10], [sflag:$0xA] =	stream.indirect.gather @!p3 [hbm4b:s1+s8], $0x80, s25, s8, $0xb8;
	[tilespmem:$0x1C400] =	vst v63  }
0x15f: {  	s16 =	sadd.s32 @!p5 $0x8, s19;
	s3 =	sadd.s32 $0x6, s0;
	_ =	swait.ge @!p2 [sflag:s29], $0x2000  }
0x160: {  	p4 =	sge.u32 s3, s6;
	s26 =	sadd.s32 @!p5 $0xFFFF63C8, s19;
	[sflag:s29] =	ssyncset.done @!p2 $0x0  }
0x161: {  	s25 =	simm.s32 @!p5 $0x80;
	[sflag:s29] =	ssyncadd.s32 @!p2 $0xFFFFE000;
	s29 =	simm.s32 @!p5 $0x0  }
0x162: {  	[tilespmem:s25], [sflag:$0x2] =	stream.linear.gather @!p5 [hbm4b:s26+s29], $0x40, $0x38;
	[tilespmem:$0x1C400] =	vst v63  }
0x163: {  	p0 =	sge.u32 s31, s6;
	s5 =	simm.s32 @!p5 $0x480;
	p2 =	por p4, p4  }
0x164: {  	[tilespmem:s5], [sflag:$0x2] =	stream.linear.gather @!p5 [hbm4b:s16+s29], $0x40, $0x38;
	[tilespmem:$0x1C400] =	vst v63  }
0x165: {  	s26 =	simm.s32 @!p0 $0xB;
	s5 =	simm.s32 @!p4 $0xF;
	p4 =	slt.u32 s30, s6  }
0x166: {  	s16 =	simm.s32 @!p0 $0x4800;
	_ =	swait.ge @!p0 [sflag:s26], $0x2000;
	s7 =	simm.s32 @!p4 $0x0  }
0x167: {  	p5 =	sge.u32 @!p4 s9, s6;
	s9 =	simm.s32 @!p0 $0x40;
	s7 =	simm.s32 @p4 $0x1  }
0x168: {  	[sflag:s26] =	ssyncset.done @!p0 $0x0;
	[smem:$0x7EF] =	sst s7;
	s7 =	simm.s32 @!p5 $0x0  }
0x169: {  	[sflag:s26] =	ssyncadd.s32 @!p0 $0xFFFFE000;
	s26 =	simm.s32 @!p0 $0x500;
	s7 =	simm.s32 @p5 $0x1  }
0x16a: {  	[spmem:s2] =	stream.indirect.scatter.add.f32 @!p0 [tilespmem:s16], [sflag:$0xF], $0x80, s26, s9, $0xb8;
	[tilespmem:$0x1C400] =	vst v63  }
0x16b: {  	[smem:$0x7EE] =	sst s7  }
0x16c: {  	_ =	swait.ge @!p2 [sflag:s5], $0x2000  }
0x16d: {  	s12 =	sadd.s32 $0x3, s0;
	p1 =	slt.u32 s3, s6;
	[sflag:s5] =	ssyncset.done @!p2 $0x0  }
0x16e: {  	s29 =	simm.s32 @!p2 $0x40;
	s16 =	simm.s32 @!p2 $0x7;
	[sflag:s5] =	ssyncadd.s32 @!p2 $0xFFFFE000  }
0x16f: {  	p0 =	sge.u32 @!p1 s31, s6;
	s9 =	sadd.s32 $0x7, s0;
	_ =	swait.ge @!p2 [sflag:s16], $0x40  }
0x170: {  	s26 =	simm.s32 @!p2 $0x4800;
	p6 =	slt.u32 s9, s6;
	[sflag:s16] =	ssyncset.done @!p2 $0x0  }
0x171: {  	p1 =	por p0, p1;
	s7 =	simm.s32 @!p2 $0x0;
	[sflag:s16] =	ssyncadd.s32 @!p2 $0xFFFFFFC0  }
0x172: {  	s7 =	simm.s32 @p2 $0x1;
	p0 =	sge.u32 @!p6 s12, s6;
	_ =	swait.ge @!p2 [sflag:s16], $0x40  }
0x173: {  	s31 =	sadd.s32 $0xA, s0;
	[smem:$0x7F0] =	sst s7;
	s7 =	simm.s32 @!p0 $0x0  }
0x174: {  	s30 =	simm.s32 @!p1 $0xF;
	[sflag:s16] =	ssyncset.done @!p2 $0x0;
	s7 =	simm.s32 @p0 $0x1  }
0x175: {  	s5 =	simm.s32 @!p2 $0x300;
	[sflag:s16] =	ssyncadd.s32 @!p2 $0xFFFFFFC0;
	[smem:$0x7EA] =	sst s7  }
0x176: {  	[tilespmem:s26], [sflag:$0xB] =	stream.indirect.gather @!p2 [hbm4b:s1+s29], $0x80, s5, s29, $0xb8;
	[tilespmem:$0x1C400] =	vst v63  }
0x177: {  	p5 =	sge.u32 s31, s6;
	_ =	swait.ge @!p1 [sflag:s30], $0x2000  }
0x178: {  	p0 =	sge.u32 s12, s6;
	s5 =	sadd.s32 @!p5 $0xFFFF63D0, s19;
	[sflag:s30] =	ssyncset.done @!p1 $0x0  }
0x179: {  	s7 =	simm.s32 @!p5 $0x0;
	[sflag:s30] =	ssyncadd.s32 @!p1 $0xFFFFE000;
	s30 =	simm.s32 @!p5 $0x100  }
0x17a: {  	[tilespmem:s30], [sflag:$0x3] =	stream.linear.gather @!p5 [hbm4b:s5+s7], $0x40, $0x38;
	[tilespmem:$0x1C400] =	vst v63  }
0x17b: {  	s12 =	sadd.s32 @!p5 $0x10, s19;
	s16 =	simm.s32 @!p5 $0x500;
	p1 =	slt.u32 s31, s6  }
0x17c: {  	[tilespmem:s16], [sflag:$0x3] =	stream.linear.gather @!p5 [hbm4b:s12+s7], $0x40, $0x38;
	[tilespmem:$0x1C400] =	vst v63  }
0x17d: {  	s5 =	simm.s32 @!p0 $0xC;
	p2 =	sge.u32 @!p1 s3, s6;
	s12 =	simm.s32 @!p1 $0x0  }
0x17e: {  	s3 =	simm.s32 @!p2 $0x0;
	_ =	swait.ge @!p0 [sflag:s5], $0x2000;
	s12 =	simm.s32 @p1 $0x1  }
0x17f: {  	p4 =	sge.u32 s9, s6;
	s3 =	simm.s32 @p2 $0x1;
	[smem:$0x7F2] =	sst s12  }
0x180: {  	[sflag:s5] =	ssyncset.done @!p0 $0x0;
	s12 =	simm.s32 @!p0 $0x6800;
	[smem:$0x7F1] =	sst s3  }
0x181: {  	s3 =	simm.s32 @!p0 $0x40;
	[sflag:s5] =	ssyncadd.s32 @!p0 $0xFFFFE000;
	s5 =	simm.s32 @!p0 $0x580  }
0x182: {  	[spmem:s2] =	stream.indirect.scatter.add.f32 @!p0 [tilespmem:s12], [sflag:$0x10], $0x80, s5, s3, $0xb8;
	[tilespmem:$0x1C400] =	vst v63  }
0x183: {  	s3 =	simm.s32 @!p4 $0x0  }
0x184: {  	s3 =	simm.s32 @p4 $0x1  }
0x185: {  	s7 =	simm.s32 @!p4 $0x10;
	[smem:$0x7F3] =	sst s3  }
0x186: {  	_ =	swait.ge @!p4 [sflag:s7], $0x2000  }
0x187: {  	[sflag:s7] =	ssyncset.done @!p4 $0x0  }
0x188: {  	s5 =	simm.s32 @!p4 $0x8;
	[sflag:s7] =	ssyncadd.s32 @!p4 $0xFFFFE000  }
0x189: {  	_ =	swait.ge @!p4 [sflag:s5], $0x40  }
0x18a: {  	[sflag:s5] =	ssyncset.done @!p4 $0x0;
	s16 =	sld [smem:$0x7EA]  }
0x18b: {  	s31 =	simm.s32 @!p4 $0x6800;
	p0 =	por p4, p4;
	[sflag:s5] =	ssyncadd.s32 @!p4 $0xFFFFFFC0  }
0x18c: {  	s3 =	simm.s32 @!p4 $0x40;
	s7 =	simm.s32 @!p4 $0x380;
	_ =	swait.ge @!p4 [sflag:s5], $0x40  }
0x18d: {  	p2 =	seq.s32 s16, $0x1;
	s16 =	sadd.s32 $0xB, s0;
	[sflag:s5] =	ssyncset.done @!p4 $0x0  }
0x18e: {  	p2 =	por p2, p6;
	p4 =	sge.u32 s16, s6;
	p1 =	slt.u32 s16, s6  }
0x18f: {  	[sflag:s5] =	ssyncadd.s32 @!p0 $0xFFFFFFC0;
	s16 =	simm.s32 @!p1 $0x0;
	p6 =	sge.u32 @!p1 s9, s6  }
0x190: {  	[tilespmem:s31], [sflag:$0xC] =	stream.indirect.gather @!p0 [hbm4b:s1+s3], $0x80, s7, s3, $0xb8;
	[tilespmem:$0x1C400] =	vst v63  }
0x191: {  	s16 =	simm.s32 @p1 $0x1;
	s5 =	simm.s32 @!p6 $0x0  }
0x192: {  	[smem:$0x7F5] =	sst s16;
	s5 =	simm.s32 @p6 $0x1  }
0x193: {  	s12 =	simm.s32 @!p2 $0x10;
	[smem:$0x7F4] =	sst s5  }
0x194: {  	_ =	swait.ge @!p2 [sflag:s12], $0x2000  }
0x195: {  	s9 =	simm.s32 @!p4 $0x180;
	[sflag:s12] =	ssyncset.done @!p2 $0x0;
	s16 =	sld [smem:$0x7EB]  }
0x196: {  	s5 =	sadd.s32 @!p4 $0xFFFF63D8, s19;
	[sflag:s12] =	ssyncadd.s32 @!p2 $0xFFFFE000;
	s12 =	simm.s32 @!p4 $0x0  }
0x197: {  	[tilespmem:s9], [sflag:$0x4] =	stream.linear.gather @!p4 [hbm4b:s5+s12], $0x40, $0x38;
	[tilespmem:$0x1C400] =	vst v63  }
0x198: {  	p1 =	seq.s32 s16, $0x1  }
0x199: {  	s7 =	sadd.s32 @!p4 $0x18, s19;
	s5 =	simm.s32 @!p4 $0x580;
	s16 =	simm.s32 @!p1 $0x9  }
0x19a: {  	[tilespmem:s5], [sflag:$0x4] =	stream.linear.gather @!p4 [hbm4b:s7+s12], $0x40, $0x38;
	[tilespmem:$0x1C400] =	vst v63  }
0x19b: {  	_ =	swait.ge @!p1 [sflag:s16], $0x2000  }
0x19c: {  	[sflag:s16] =	ssyncset.done @!p1 $0x0  }
0x19d: {  	[sflag:s16] =	ssyncadd.s32 @!p1 $0xFFFFE000;
	s16 =	sld [smem:$0x7EC]  }
0x19e: {  	s5 =	simm.s32 @!p1 $0x600  }
0x19f: {  	[spmem:s2] =	stream.indirect.scatter.add.f32 @!p1 [tilespmem:s24], [sflag:$0xD], $0x80, s5, s28, $0xb8;
	[tilespmem:$0x1C400] =	vst v63  }
0x1a0: {  	p0 =	seq.s32 s16, $0x1  }
0x1a1: {  	s7 =	simm.s32 @!p0 $0xD  }
0x1a2: {  	_ =	swait.ge @!p0 [sflag:s7], $0x2000  }
0x1a3: {  	[sflag:s7] =	ssyncset.done @!p0 $0x0  }
0x1a4: {  	s5 =	simm.s32 @!p0 $0x1;
	[sflag:s7] =	ssyncadd.s32 @!p0 $0xFFFFE000  }
0x1a5: {  	_ =	swait.ge @!p0 [sflag:s5], $0x40  }
0x1a6: {  	[sflag:s5] =	ssyncset.done @!p0 $0x0  }
0x1a7: {  	p1 =	slt.u32 s18, s6;
	[sflag:s5] =	ssyncadd.s32 @!p0 $0xFFFFFFC0  }
0x1a8: {  	s24 =	sadd.s32 $0xC, s0;
	p6 =	sge.u32 @!p1 s21, s6;
	_ =	swait.ge @!p0 [sflag:s5], $0x40  }
0x1a9: {  	p6 =	por p6, p1;
	s12 =	simm.s32 @!p0 $0x800;
	[sflag:s5] =	ssyncset.done @!p0 $0x0  }
0x1aa: {  	s16 =	simm.s32 @!p6 $0xD;
	s7 =	simm.s32 @!p0 $0x40;
	[sflag:s5] =	ssyncadd.s32 @!p0 $0xFFFFFFC0  }
0x1ab: {  	[tilespmem:s12], [sflag:$0x9] =	stream.indirect.gather @!p0 [hbm4b:s1+s7], $0x80, s22, s7, $0xb8;
	[tilespmem:$0x1C400] =	vst v63  }
0x1ac: {  	p1 =	sge.u32 s24, s6;
	_ =	swait.ge @!p6 [sflag:s16], $0x2000  }
0x1ad: {  	s21 =	simm.s32 @!p1 $0x200;
	[sflag:s16] =	ssyncset.done @!p6 $0x0  }
0x1ae: {  	s5 =	sadd.s32 @!p1 $0xFFFF63E0, s19;
	[sflag:s16] =	ssyncadd.s32 @!p6 $0xFFFFE000;
	s16 =	simm.s32 @!p1 $0x0  }
0x1af: {  	[tilespmem:s21], [sflag:$0x5] =	stream.linear.gather @!p1 [hbm4b:s5+s16], $0x40, $0x38;
	[tilespmem:$0x1C400] =	vst v63  }
0x1b0: {  	s7 =	sadd.s32 @!p1 $0x20, s19;
	s12 =	simm.s32 @!p3 $0xA;
	s5 =	simm.s32 @!p1 $0x600  }
0x1b1: {  	[tilespmem:s5], [sflag:$0x5] =	stream.linear.gather @!p1 [hbm4b:s7+s16], $0x40, $0x38;
	[tilespmem:$0x1C400] =	vst v63  }
0x1b2: {  	_ =	swait.ge @!p3 [sflag:s12], $0x2000  }
0x1b3: {  	[sflag:s12] =	ssyncset.done @!p3 $0x0;
	s28 =	sld [smem:$0x7ED]  }
0x1b4: {  	s5 =	simm.s32 @!p3 $0x680;
	[sflag:s12] =	ssyncadd.s32 @!p3 $0xFFFFE000  }
0x1b5: {  	[spmem:s2] =	stream.indirect.scatter.add.f32 @!p3 [tilespmem:s10], [sflag:$0xE], $0x80, s5, s8, $0xb8;
	[tilespmem:$0x1C400] =	vst v63  }
0x1b6: {  	p0 =	seq.s32 s28, $0x1  }
0x1b7: {  	s7 =	simm.s32 @!p0 $0xE  }
0x1b8: {  	_ =	swait.ge @!p0 [sflag:s7], $0x2000  }
0x1b9: {  	[sflag:s7] =	ssyncset.done @!p0 $0x0  }
0x1ba: {  	s5 =	simm.s32 @!p0 $0x2;
	[sflag:s7] =	ssyncadd.s32 @!p0 $0xFFFFE000  }
0x1bb: {  	_ =	swait.ge @!p0 [sflag:s5], $0x40  }
0x1bc: {  	s12 =	sld [smem:$0x7EE]  }
0x1bd: {  	s16 =	sld [smem:$0x7EF]  }
0x1be: {  	[sflag:s5] =	ssyncset.done @!p0 $0x0  }
0x1bf: {  	s21 =	sadd.s32 $0xD, s0;
	[sflag:s5] =	ssyncadd.s32 @!p0 $0xFFFFFFC0  }
0x1c0: {  	_ =	swait.ge @!p0 [sflag:s5], $0x40;
	p3 =	seq.s32 s12, $0x1;
	p6 =	seq.s32 s16, $0x1  }
0x1c1: {  	s8 =	simm.s32 @!p0 $0x2800;
	[sflag:s5] =	ssyncset.done @!p0 $0x0;
	p3 =	por p3, p6  }
0x1c2: {  	s7 =	simm.s32 @!p0 $0x40;
	[sflag:s5] =	ssyncadd.s32 @!p0 $0xFFFFFFC0;
	s10 =	simm.s32 @!p3 $0xE  }
0x1c3: {  	[tilespmem:s8], [sflag:$0xA] =	stream.indirect.gather @!p0 [hbm4b:s1+s7], $0x80, s25, s7, $0xb8;
	[tilespmem:$0x1C400] =	vst v63  }
0x1c4: {  	p1 =	sge.u32 s21, s6;
	_ =	swait.ge @!p3 [sflag:s10], $0x2000  }
0x1c5: {  	s12 =	simm.s32 @!p1 $0x280;
	[sflag:s10] =	ssyncset.done @!p3 $0x0;
	s22 =	sld [smem:$0x7F0]  }
0x1c6: {  	s5 =	sadd.s32 @!p1 $0xFFFF63E8, s19;
	[sflag:s10] =	ssyncadd.s32 @!p3 $0xFFFFE000;
	s10 =	simm.s32 @!p1 $0x0  }
0x1c7: {  	[tilespmem:s12], [sflag:$0x6] =	stream.linear.gather @!p1 [hbm4b:s5+s10], $0x40, $0x38;
	[tilespmem:$0x1C400] =	vst v63  }
0x1c8: {  	p0 =	seq.s32 s22, $0x1  }
0x1c9: {  	s7 =	sadd.s32 @!p1 $0x28, s19;
	s5 =	simm.s32 @!p1 $0x680;
	s8 =	simm.s32 @!p0 $0xB  }
0x1ca: {  	[tilespmem:s5], [sflag:$0x6] =	stream.linear.gather @!p1 [hbm4b:s7+s10], $0x40, $0x38;
	[tilespmem:$0x1C400] =	vst v63  }
0x1cb: {  	_ =	swait.ge @!p0 [sflag:s8], $0x2000  }
0x1cc: {  	[sflag:s8] =	ssyncset.done @!p0 $0x0  }
0x1cd: {  	s5 =	simm.s32 @!p0 $0x700;
	s7 =	simm.s32 @!p5 $0xF;
	[sflag:s8] =	ssyncadd.s32 @!p0 $0xFFFFE000  }
0x1ce: {  	[spmem:s2] =	stream.indirect.scatter.add.f32 @!p0 [tilespmem:s26], [sflag:$0xF], $0x80, s5, s29, $0xb8;
	[tilespmem:$0x1C400] =	vst v63  }
0x1cf: {  	_ =	swait.ge @!p5 [sflag:s7], $0x2000  }
0x1d0: {  	[sflag:s7] =	ssyncset.done @!p5 $0x0  }
0x1d1: {  	s5 =	simm.s32 @!p5 $0x3;
	[sflag:s7] =	ssyncadd.s32 @!p5 $0xFFFFE000  }
0x1d2: {  	_ =	swait.ge @!p5 [sflag:s5], $0x40  }
0x1d3: {  	s24 =	sld [smem:$0x7F1]  }
0x1d4: {  	s25 =	sld [smem:$0x7F2]  }
0x1d5: {  	[sflag:s5] =	ssyncset.done @!p5 $0x0  }
0x1d6: {  	s8 =	simm.s32 @!p5 $0x40;
	[sflag:s5] =	ssyncadd.s32 @!p5 $0xFFFFFFC0  }
0x1d7: {  	_ =	swait.ge @!p5 [sflag:s5], $0x40;
	p2 =	seq.s32 s24, $0x1;
	p3 =	seq.s32 s25, $0x1  }
0x1d8: {  	s26 =	sadd.s32 $0xE, s0;
	[sflag:s5] =	ssyncset.done @!p5 $0x0;
	p1 =	por p2, p3  }
0x1d9: {  	s7 =	simm.s32 @!p5 $0x4800;
	[sflag:s5] =	ssyncadd.s32 @!p5 $0xFFFFFFC0;
	s10 =	simm.s32 @!p1 $0xF  }
0x1da: {  	[tilespmem:s7], [sflag:$0xB] =	stream.indirect.gather @!p5 [hbm4b:s1+s8], $0x80, s30, s8, $0xb8;
	[tilespmem:$0x1C400] =	vst v63  }
0x1db: {  	p3 =	sge.u32 s26, s6;
	_ =	swait.ge @!p1 [sflag:s10], $0x2000  }
0x1dc: {  	s5 =	sadd.s32 @!p3 $0xFFFF63F0, s19;
	[sflag:s10] =	ssyncset.done @!p1 $0x0;
	s28 =	sld [smem:$0x7F3]  }
0x1dd: {  	s12 =	simm.s32 @!p3 $0x300;
	[sflag:s10] =	ssyncadd.s32 @!p1 $0xFFFFE000;
	s10 =	simm.s32 @!p3 $0x0  }
0x1de: {  	[tilespmem:s12], [sflag:$0x7] =	stream.linear.gather @!p3 [hbm4b:s5+s10], $0x40, $0x38;
	[tilespmem:$0x1C400] =	vst v63  }
0x1df: {  	p0 =	seq.s32 s28, $0x1  }
0x1e0: {  	s7 =	sadd.s32 @!p3 $0x30, s19;
	s5 =	simm.s32 @!p3 $0x700;
	s8 =	simm.s32 @!p0 $0xC  }
0x1e1: {  	[tilespmem:s5], [sflag:$0x7] =	stream.linear.gather @!p3 [hbm4b:s7+s10], $0x40, $0x38;
	[tilespmem:$0x1C400] =	vst v63  }
0x1e2: {  	_ =	swait.ge @!p0 [sflag:s8], $0x2000  }
0x1e3: {  	[sflag:s8] =	ssyncset.done @!p0 $0x0  }
0x1e4: {  	s5 =	simm.s32 @!p0 $0x780;
	s7 =	simm.s32 @!p4 $0x10;
	[sflag:s8] =	ssyncadd.s32 @!p0 $0xFFFFE000  }
0x1e5: {  	[spmem:s2] =	stream.indirect.scatter.add.f32 @!p0 [tilespmem:s31], [sflag:$0x10], $0x80, s5, s3, $0xb8;
	[tilespmem:$0x1C400] =	vst v63  }
0x1e6: {  	_ =	swait.ge @!p4 [sflag:s7], $0x2000  }
0x1e7: {  	[sflag:s7] =	ssyncset.done @!p4 $0x0  }
0x1e8: {  	s5 =	simm.s32 @!p4 $0x4;
	[sflag:s7] =	ssyncadd.s32 @!p4 $0xFFFFE000  }
0x1e9: {  	_ =	swait.ge @!p4 [sflag:s5], $0x40  }
0x1ea: {  	[sflag:s5] =	ssyncset.done @!p4 $0x0  }
0x1eb: {  	s29 =	sld [smem:$0x7F4];
	[sflag:s5] =	ssyncadd.s32 @!p4 $0xFFFFFFC0  }
0x1ec: {  	s30 =	sld [smem:$0x7F5];
	_ =	swait.ge @!p4 [sflag:s5], $0x40  }
0x1ed: {  	s31 =	sld [smem:$0x7F6];
	_ =	sdelay $0x2  }
0x1ee: {  	s0 =	sadd.s32 $0xF, s0;
	p0 =	seq.s32 s31, $0x1  }
.Ltmp0:
0x1ef: {  	s23 =	smov.u32 s19;
	p2 =	sge.u32 s0, s6;
	(pc) =	sbr.rel @p0 .LBB2_2-.Ltmp0, $4  }
0x1f0: {  	s19 =	sadd.s32 $0x40, s19;
	p5 =	seq.s32 s29, $0x1;
	p6 =	seq.s32 s30, $0x1  }
0x1f1: {  	s8 =	simm.s32 @!p4 $0x6800;
	[sflag:s5] =	ssyncset.done @!p4 $0x0;
	p1 =	por p5, p6  }
0x1f2: {  	s7 =	simm.s32 @!p4 $0x40;
	[sflag:s5] =	ssyncadd.s32 @!p4 $0xFFFFFFC0;
	s3 =	simm.s32 @!p1 $0x10  }
0x1f3: {  	[tilespmem:s8], [sflag:$0xC] =	stream.indirect.gather @!p4 [hbm4b:s1+s7], $0x80, s9, s7, $0xb8;
	[tilespmem:$0x1C400] =	vst v63  }
0x1f4: {  	_ =	swait.ge @!p1 [sflag:s3], $0x2000  }
0x1f5: {  	s0 =	sadd.s32 @!p2 $0xFFFF63F8, s23;
	[sflag:s3] =	ssyncset.done @!p1 $0x0  }
0x1f6: {  	s5 =	simm.s32 @!p2 $0x380;
	[sflag:s3] =	ssyncadd.s32 @!p1 $0xFFFFE000;
	s3 =	simm.s32 @!p2 $0x0  }
0x1f7: {  	[tilespmem:s5], [sflag:$0x8] =	stream.linear.gather @!p2 [hbm4b:s0+s3], $0x40, $0x38;
	[tilespmem:$0x1C400] =	vst v63  }
0x1f8: {  	s0 =	simm.s32 @!p2 $0x780;
	s5 =	sadd.s32 @!p2 $0x38, s23  }
0x1f9: {  	[tilespmem:s0], [sflag:$0x8] =	stream.linear.gather @!p2 [hbm4b:s5+s3], $0x40, $0x38;
	[tilespmem:$0x1C400] =	vst v63  }
0x1fa: {  	s16 =	stileid.u32;
	[bflag:$0x0] =	sbarrier.arrive $0xFFFF  }
0x1fb: {  	s30 =	simm.s32 $0x11;
	s26 =	sshll.u32 s16, $0x6;
	s7 =	rddreg [dreg:$0x6]  }
0x1fc: {  	s0 =	sor.u32 $0x1C11, s26;
	s29 =	rddreg [dreg:$0x14];
	s28 =	sshrl.u32 s7, $0x3  }
0x1fd: {  	[hbm:s29], [sflag:s0] =	dma.local [spmem:s28], $0x2780  }
0x1fe: {  	_ =	swait.ge [sflag:s30], $0x2780  }
0x1ff: {  	s17 =	sadd.s32 $0x1, s17;
	s31 =	rddreg [dreg:$0x15]  }
0x200: {  	p0 =	sne.s32 s17, s31  }
.Ltmp1:
0x201: {  	_ = 	snop;
	(pc) =	sbr.rel @p0 .LBB2_1-.Ltmp1, $3  }
0x202: {  	_ =	sdelay $0x1  }
0x203: {  	[sflag:s30] =	ssyncset.done $0x0  }
0x204: {  	[sflag:s30] =	ssyncadd.s32 $0xFFFFD880  }
0x205: {  	_ =	sfence.sel $0x180000  }
0x206: {  	[bflag:$0x0] =	sbarrier.arrive $0xFFFF  }
0x207: {  	_ =	strace $0x9000004A  }
0x208: {  	[bflag:$0x2] =	sbarrier.arrive $0xFFFF  }
0x209: {  	p0 =	sne.s32 s16, $0x0;
	s0 =	rddreg [dreg:$0x4]  }
0x20a: {  	s0 =	sadd.s32 @!p0 $0x100000, s0  }
0x20b: {  	[sflag:s0] =	ssyncadd.tile.s32 @!p0 $0x1;
	_ =	shalt  }
.Lfunc_end2:
_tile_overlayer_lowered:
.L_overlay_start_2:
0x20c: {  	(tag) =	ssettag $0x2  }
0x20d: {  	s0 =	rddreg [dreg:$0x0];
	s2 =	stileid.u32  }
0x20e: {  	s1 =	rddreg [dreg:$0x1];
	p0 =	sne.s32 s2, $0x0  }
0x20f: {  	s3 =	rddreg [dreg:$0x2];
	[bflag:$0x3] =	sbarrier.arrive $0xFFFF;
	s2 =	simm.s32 @!p0 $0x1C11  }
0x210: {  	[timem:s3], [sflag:s2] =	dma.local @!p0 [hbm:s0], s1  }
0x211: {  	s0 =	simm.s32 @!p0 $0x11  }
0x212: {  	_ =	swait.ge @!p0 [sflag:s0], s1  }
0x213: {  	s1 =	ssub.s32 @!p0 $0x0, s1;
	[sflag:s0] =	ssyncset.done @!p0 $0x0  }
0x214: {  	[sflag:s0] =	ssyncadd.s32 @!p0 s1  }
0x215: {  	[bflag:$0x3] =	sbarrier.arrive $0xFFFF  }
0x216: {  	_ =	shalt  }

</sc_bundles>
